<compile_context>
chip_gen: v7x
topology: tpu7x:2x2x1
jax: 0.10.2.dev20260603
libtpu: 0.0.44.dev20260713+nightly
codegen_flags: <defaults>
</compile_context>

<pallas_src>
import functools

import jax
import jax.numpy as jnp
from jax import lax
from jax.experimental import pallas as pl
from jax.experimental.pallas import tpu as pltpu
from jax.experimental.pallas import tpu_sc as plsc

N = 100000
E = 6400000
NC = 2
NS = 16
NW = NC * NS
CK = 128
NBUF = 3
CHUNKS_PER_W = 1563
NCHUNK = CHUNKS_PER_W * NW
EPAD = NCHUNK * CK
EROWS = EPAD // 128
LOOPN = CHUNKS_PER_W // NBUF
NA = N + 8
CNTF = 2 * N + 16
CNTW = 2 * N
RPT = 6256
CPT = 12512
HIGH = lax.Precision.HIGHEST

_mesh = functools.partial(
    plsc.VectorSubcoreMesh, core_axis_name="c", subcore_axis_name="s")
_SC_PARAMS = pltpu.CompilerParams(use_tc_tiling_on_sc=False)


def _per_tile(sid, total, per, op):
    @pl.when(sid < NS - 1)
    def _():
        op(sid * per, per)

    @pl.when(sid == NS - 1)
    def _():
        op((NS - 1) * per, total - (NS - 1) * per)


def _sc_scratch(rows_per_edge, with_cnt):
    sc = []
    for _ in range(NBUF):
        sc.append(pltpu.VMEM((CK,), jnp.int32))
        sc.append(pltpu.VMEM((CK,), jnp.int32))
        sc.append(pltpu.VMEM((CK, rows_per_edge), jnp.float32))
        if with_cnt:
            sc.append(pltpu.VMEM((CK,), jnp.int32))
            sc.append(pltpu.VMEM((CK,), jnp.float32))
    if with_cnt:
        sc.append(pltpu.VMEM((CPT,), jnp.float32))
        sc.append(pltpu.VMEM_SHARED((NA, rows_per_edge), jnp.float32))
        sc.append(pltpu.VMEM_SHARED((CNTF,), jnp.float32))
    else:
        sc.append(pltpu.VMEM_SHARED((NA, rows_per_edge), jnp.float32))
    for _ in range(3 * NBUF):
        sc.append(pltpu.SemaphoreType.DMA)
    return sc


@functools.partial(
    pl.kernel,
    mesh=_mesh(),
    out_type=(
        jax.ShapeDtypeStruct((NC, N, 8), jnp.float32),
        jax.ShapeDtypeStruct((NC * CNTW,), jnp.float32),
    ),
    scratch_types=_sc_scratch(8, True),
    compiler_params=_SC_PARAMS,
)
def _agg_pass_a(src_h, dst_h, tbl_h, z8_h, zc_h, acc_out, cnt_out, *sc):
    (s0, d0, r0, i0, v0,
     s1, d1, r1, i1, v1,
     s2, d2, r2, i2, v2,
     bounce, acc_s, cnt_s,
     ix0, ix1, ix2, g0, g1, g2, sc0, sc1, sc2) = sc
    srcv, dstv, rows = (s0, s1, s2), (d0, d1, d2), (r0, r1, r2)
    idxc, valv = (i0, i1, i2), (v0, v1, v2)
    ix_sem, g_sem, s_sem = (ix0, ix1, ix2), (g0, g1, g2), (sc0, sc1, sc2)
    cid = lax.axis_index("c")
    sid = lax.axis_index("s")
    wid = sid * NC + cid

    def _init(start, size):
        sl = pl.ds(start, size)
        pltpu.sync_copy(z8_h.at[sl], acc_s.at[sl])

    def _initc(start, size):
        pltpu.sync_copy(zc_h.at[pl.ds(start, size)], bounce.at[pl.ds(0, size)])
        pltpu.sync_copy(bounce.at[pl.ds(0, size)], cnt_s.at[pl.ds(start, size)])

    _per_tile(sid, NA, RPT, _init)
    _per_tile(sid, CNTF, CPT, _initc)
    plsc.subcore_barrier()

    def _row(t, u):
        return ((t * NBUF + u) * NW + wid) * CK

    for u in range(NBUF):
        pltpu.async_copy(src_h.at[pl.ds(_row(0, u), CK)], srcv[u], ix_sem[u])
        pltpu.async_copy(dst_h.at[pl.ds(_row(0, u), CK)], dstv[u], ix_sem[u])

    def body(t, carry):
        gds = []
        for u in range(NBUF):
            row = _row(t, u)
            pltpu.make_async_copy(
                src_h.at[pl.ds(row, CK)], srcv[u], ix_sem[u]).wait()
            pltpu.make_async_copy(
                dst_h.at[pl.ds(row, CK)], dstv[u], ix_sem[u]).wait()
            gds.append(pltpu.async_copy(tbl_h.at[srcv[u]], rows[u], g_sem[u]))
        one = jnp.ones((16,), jnp.float32)
        zero = jnp.zeros((16,), jnp.float32)
        for u in range(NBUF):
            for k in range(0, CK, 16):
                ksl = pl.ds(k, 16)
                s16 = srcv[u][ksl]
                d16 = dstv[u][ksl]
                hit = d16 < 2
                idxc[u][ksl] = jnp.where(hit, s16 * 2 + d16, -1)
                valv[u][ksl] = jnp.where(hit, one, zero)
        sds = []
        for u in range(NBUF):
            gds[u].wait()
            sds.append(pltpu.async_copy(
                rows[u], acc_s.at[plsc.Indices(dstv[u], ignored_value=N)],
                s_sem[u], add=True))
            sds.append(pltpu.async_copy(
                valv[u], cnt_s.at[plsc.Indices(idxc[u], ignored_value=-1)],
                s_sem[u], add=True))
        for d in sds:
            d.wait()

        @pl.when(t + 1 < LOOPN)
        def _():
            for u in range(NBUF):
                row = _row(t + 1, u)
                pltpu.async_copy(
                    src_h.at[pl.ds(row, CK)], srcv[u], ix_sem[u])
                pltpu.async_copy(
                    dst_h.at[pl.ds(row, CK)], dstv[u], ix_sem[u])
        return carry

    lax.fori_loop(0, LOOPN, body, 0)
    plsc.subcore_barrier()

    def _wout(start, size):
        sl = pl.ds(start, size)
        pltpu.sync_copy(acc_s.at[sl], acc_out.at[cid, sl])

    def _woutc(start, size):
        pltpu.sync_copy(cnt_s.at[pl.ds(start, size)], bounce.at[pl.ds(0, size)])
        pltpu.sync_copy(bounce.at[pl.ds(0, size)],
                        cnt_out.at[pl.ds(cid * CNTW + start, size)])

    _per_tile(sid, N, RPT, _wout)
    _per_tile(sid, CNTW, CPT, _woutc)


NH = N // 2
NHB = NH + 8
CPW_B = NCHUNK // NS
LOOPNB = CPW_B // NBUF
RPTB = 3128


@functools.partial(
    pl.kernel,
    mesh=_mesh(),
    out_type=jax.ShapeDtypeStruct((NC, NH, 16), jnp.float32),
    scratch_types=(
        [pltpu.VMEM((CK,), jnp.int32), pltpu.VMEM((CK,), jnp.int32),
         pltpu.VMEM((CK,), jnp.int32), pltpu.VMEM((CK,), jnp.int32),
         pltpu.VMEM((CK, 16), jnp.float32)] * NBUF
        + [pltpu.VMEM_SHARED((NHB, 16), jnp.float32)]
        + [pltpu.SemaphoreType.DMA] * (3 * NBUF)
    ),
    compiler_params=_SC_PARAMS,
)
def _agg_pass_b(src_h, dst_h, tbl_h, zb_h, acc_out, *sc):
    (s0, d0, l0, m0, r0, s1, d1, l1, m1, r1, s2, d2, l2, m2, r2, acc_s,
     ix0, ix1, ix2, g0, g1, g2, sc0, sc1, sc2) = sc
    srcv, dstv, rows = (s0, s1, s2), (d0, d1, d2), (r0, r1, r2)
    dloc = (l0, l1, l2)
    sgat = (m0, m1, m2)
    ix_sem, g_sem, s_sem = (ix0, ix1, ix2), (g0, g1, g2), (sc0, sc1, sc2)
    cid = lax.axis_index("c")
    sid = lax.axis_index("s")
    lo = cid * NH

    _per_tile(sid, NHB, RPTB, lambda start, size: pltpu.sync_copy(
        zb_h.at[pl.ds(start, size)], acc_s.at[pl.ds(start, size)]))
    plsc.subcore_barrier()

    def _row(t, u):
        return ((t * NBUF + u) * NS + sid) * CK

    for u in range(NBUF):
        pltpu.async_copy(src_h.at[pl.ds(_row(0, u), CK)], srcv[u], ix_sem[u])
        pltpu.async_copy(dst_h.at[pl.ds(_row(0, u), CK)], dstv[u], ix_sem[u])

    def body(t, carry):
        gds = []
        for u in range(NBUF):
            row = _row(t, u)
            pltpu.make_async_copy(
                src_h.at[pl.ds(row, CK)], srcv[u], ix_sem[u]).wait()
            pltpu.make_async_copy(
                dst_h.at[pl.ds(row, CK)], dstv[u], ix_sem[u]).wait()
            for k in range(0, CK, 16):
                ksl = pl.ds(k, 16)
                d_loc = dstv[u][ksl] - lo
                owned = (d_loc >= 0) & (d_loc < NH)
                dloc[u][ksl] = jnp.where(owned, d_loc, -1)
                sgat[u][ksl] = jnp.where(owned, srcv[u][ksl], -1)
            gds.append(pltpu.async_copy(
                tbl_h.at[plsc.Indices(sgat[u], ignored_value=-1)],
                rows[u], g_sem[u]))
        sds = []
        for u in range(NBUF):
            gds[u].wait()
            sds.append(pltpu.async_copy(
                rows[u], acc_s.at[plsc.Indices(dloc[u], ignored_value=-1)],
                s_sem[u], add=True))
        for d in sds:
            d.wait()

        @pl.when(t + 1 < LOOPNB)
        def _():
            for u in range(NBUF):
                row = _row(t + 1, u)
                pltpu.async_copy(
                    src_h.at[pl.ds(row, CK)], srcv[u], ix_sem[u])
                pltpu.async_copy(
                    dst_h.at[pl.ds(row, CK)], dstv[u], ix_sem[u])
        return carry

    lax.fori_loop(0, LOOPNB, body, 0)
    plsc.subcore_barrier()
    _per_tile(sid, NH, RPTB, lambda start, size: pltpu.sync_copy(
        acc_s.at[pl.ds(start, size)], acc_out.at[cid, pl.ds(start, size)]))


BD = 2000
G = N // BD


def _dense1_body(acc_ref, cntp_ref, x_ref, wl_ref, wr_ref, b_ref,
                 h1p_ref, cnt_ref):
    acc = acc_ref[...]
    agg = acc[0, :, :6] + acc[1, :, :6]
    deg = acc[0, :, 6] + acc[1, :, 6]
    dinv = 1.0 / jnp.clip(deg, 1.0, None)
    mean = agg * dinv[:, None]
    xb = x_ref[...][:, :6]
    h1 = lax.dot_general(mean, wl_ref[...], (((1,), (1,)), ((), ())),
                         precision=HIGH, preferred_element_type=jnp.float32)
    h1 = h1 + lax.dot_general(xb, wr_ref[...], (((1,), (1,)), ((), ())),
                              precision=HIGH,
                              preferred_element_type=jnp.float32)
    h1 = jnp.maximum(h1 + b_ref[...], 0.0)
    h1p_ref[...] = jnp.concatenate(
        [h1, dinv[:, None], jnp.zeros((BD, 3), jnp.float32)], axis=1)
    cntp = cntp_ref[...]
    cnt_ref[...] = cntp[0] + cntp[1]


def _dense2_body(acc_ref, h1p_ref, cnt_ref, w2l_ref, w2r_ref, b2_ref,
                 w3l_ref, w3r_ref, b3_ref, out_ref, agg3_s, h2f_s, dinv_s):
    i = pl.program_id(0)
    acc = acc_ref[...]
    h1p = h1p_ref[...]
    dinv = h1p[:, 12]
    mean2 = acc[:, :12] * dinv[:, None]
    h2 = lax.dot_general(mean2, w2l_ref[...], (((1,), (1,)), ((), ())),
                         precision=HIGH, preferred_element_type=jnp.float32)
    h2 = h2 + lax.dot_general(h1p[:, :12], w2r_ref[...],
                              (((1,), (1,)), ((), ())),
                              precision=HIGH,
                              preferred_element_type=jnp.float32)
    h2 = jnp.maximum(h2 + b2_ref[...], 0.0)
    part = lax.dot_general(cnt_ref[...], h2, (((0,), (0,)), ((), ())),
                           precision=HIGH, preferred_element_type=jnp.float32)

    @pl.when(i == 0)
    def _():
        agg3_s[...] = part
        h2f_s[...] = h2[0:2, :]
        dinv_s[...] = dinv[0:2][:, None]

    @pl.when(i > 0)
    def _():
        agg3_s[...] = agg3_s[...] + part

    @pl.when(i == G - 1)
    def _():
        mean3 = agg3_s[...] * dinv_s[...]
        o = lax.dot_general(mean3, w3l_ref[...], (((1,), (1,)), ((), ())),
                            precision=HIGH, preferred_element_type=jnp.float32)
        o = o + lax.dot_general(h2f_s[...], w3r_ref[...],
                                (((1,), (1,)), ((), ())),
                                precision=HIGH,
                                preferred_element_type=jnp.float32)
        out_ref[...] = o + b3_ref[...]


_dense1 = pl.pallas_call(
    _dense1_body,
    grid=(G,),
    in_specs=[
        pl.BlockSpec((2, BD, 8), lambda i: (0, i, 0)),
        pl.BlockSpec((2, BD, 2), lambda i: (0, i, 0)),
        pl.BlockSpec((BD, 8), lambda i: (i, 0)),
        pl.BlockSpec((12, 6), lambda i: (0, 0)),
        pl.BlockSpec((12, 6), lambda i: (0, 0)),
        pl.BlockSpec((1, 12), lambda i: (0, 0)),
    ],
    out_specs=[
        pl.BlockSpec((BD, 16), lambda i: (i, 0)),
        pl.BlockSpec((BD, 2), lambda i: (i, 0)),
    ],
    out_shape=[
        jax.ShapeDtypeStruct((N, 16), jnp.float32),
        jax.ShapeDtypeStruct((N, 2), jnp.float32),
    ],
)

_dense2 = pl.pallas_call(
    _dense2_body,
    grid=(G,),
    in_specs=[
        pl.BlockSpec((BD, 16), lambda i: (i, 0)),
        pl.BlockSpec((BD, 16), lambda i: (i, 0)),
        pl.BlockSpec((BD, 2), lambda i: (i, 0)),
        pl.BlockSpec((24, 12), lambda i: (0, 0)),
        pl.BlockSpec((24, 12), lambda i: (0, 0)),
        pl.BlockSpec((1, 24), lambda i: (0, 0)),
        pl.BlockSpec((6, 24), lambda i: (0, 0)),
        pl.BlockSpec((6, 24), lambda i: (0, 0)),
        pl.BlockSpec((1, 6), lambda i: (0, 0)),
    ],
    out_specs=pl.BlockSpec((2, 6), lambda i: (0, 0)),
    out_shape=jax.ShapeDtypeStruct((2, 6), jnp.float32),
    scratch_shapes=[
        pltpu.VMEM((2, 24), jnp.float32),
        pltpu.VMEM((2, 24), jnp.float32),
        pltpu.VMEM((2, 1), jnp.float32),
    ],
)


def kernel(x, edge_index, W1l, W1r, b1, W2l, W2r, b2, W3l, W3r, b3):
    npad = EPAD - E
    src = jnp.concatenate([edge_index[0], jnp.zeros((npad,), jnp.int32)])
    dst = jnp.concatenate([edge_index[1], jnp.full((npad,), N, jnp.int32)])
    xpad = jnp.concatenate(
        [x, jnp.ones((N, 1), jnp.float32), jnp.zeros((N, 1), jnp.float32)],
        axis=1)
    z8 = jnp.zeros((NA, 8), jnp.float32)
    zc = jnp.zeros((CNTF,), jnp.float32)
    zb = jnp.zeros((NHB, 16), jnp.float32)

    accA, cntA = _agg_pass_a(src, dst, xpad, z8, zc)
    cntp = cntA.reshape(NC, N, 2)
    h1pad, cnt = _dense1(accA, cntp, xpad, W1l, W1r, b1.reshape(1, 12))
    accB = _agg_pass_b(src, dst, h1pad, zb)
    out01 = _dense2(accB.reshape(N, 16), h1pad, cnt, W2l, W2r,
                    b2.reshape(1, 24), W3l, W3r, b3.reshape(1, 6))
    return (out01[0], out01[1])

# --- scband reference (transcript-rebuilt; emitter-appended) ---
"""Pipeline reference for scband-gnnauto-encoder-42279658062121 (READ-ONLY COPY).

The authoritative reference and input builder live on the scoring server;
editing this copy changes nothing except your own understanding.
"""

import jax, jax.numpy as jnp
import numpy as np

N_NODES = 100000
N_EDGES = 6400000
D_IN = 6


def _sage(x, edge_index, Wl, Wr, b):
    # PyG SAGEConv with mean aggregation:
    # out[i] = Wl @ mean_{j in N(i)} x[j] + Wr @ x[i] + b
    src = edge_index[0]
    dst = edge_index[1]
    msgs = x[src]
    agg = jax.ops.segment_sum(msgs, dst, num_segments=N_NODES)
    deg = jax.ops.segment_sum(jnp.ones((src.shape[0],), x.dtype), dst, num_segments=N_NODES)
    mean = agg / jnp.clip(deg, 1.0, None)[:, None]
    return mean @ Wl.T + x @ Wr.T + b


def setup_inputs(seed: int = 0) -> dict:
    key = jax.random.key(seed)
    ks = jax.random.split(key, 12)
    x = jax.random.normal(ks[0], (N_NODES, D_IN), dtype=jnp.float32)
    edge_index = jax.random.randint(ks[1], (2, N_EDGES), 0, N_NODES, dtype=jnp.int32)

    def lin(k, fout, fin):
        return jax.random.normal(k, (fout, fin), dtype=jnp.float32) / jnp.sqrt(fin)

    # encoder: SAGEConv(6->12), SAGEConv(12->24), SAGEConv(24->6)
    W1l = lin(ks[2], 2 * D_IN, D_IN)
    W1r = lin(ks[3], 2 * D_IN, D_IN)
    b1 = jnp.zeros((2 * D_IN,), jnp.float32)
    W2l = lin(ks[4], 4 * D_IN, 2 * D_IN)
    W2r = lin(ks[5], 4 * D_IN, 2 * D_IN)
    b2 = jnp.zeros((4 * D_IN,), jnp.float32)
    W3l = lin(ks[6], D_IN, 4 * D_IN)
    W3r = lin(ks[7], D_IN, 4 * D_IN)
    b3 = jnp.zeros((D_IN,), jnp.float32)
    return {
        "x": x, "edge_index": edge_index,
        "W1l": W1l, "W1r": W1r, "b1": b1,
        "W2l": W2l, "W2r": W2r, "b2": b2,
        "W3l": W3l, "W3r": W3r, "b3": b3,
    }


def reference(x, edge_index, W1l, W1r, b1, W2l, W2r, b2, W3l, W3r, b3):
    # GNNAutoEncoder.forward -> encoder only: conv1 -> relu -> conv2 -> relu -> conv3
    h = jax.nn.relu(_sage(x, edge_index, W1l, W1r, b1))
    h = jax.nn.relu(_sage(h, edge_index, W2l, W2r, b2))
    a = _sage(h, edge_index, W3l, W3r, b3)
    # module returns first two node embeddings
    return (a[0], a[1])

if __name__ == "__main__":
    import jax
    _d = setup_inputs()
    print(jax.jit(kernel)(*tuple(_d.values())))

</pallas_src>

<mosaic_0001>
#map = affine_map<(d0, d1) -> (0)>
#map1 = affine_map<(d0, d1) -> (0, 0)>
#map2 = affine_map<(d0, d1) -> (0, 0, 0)>
module attributes {stable_mosaic.version = 14 : i64} {
  func.func @_agg_pass_a(%arg0: i32, %arg1: i32, %arg2: memref<6402048xi32, #tpu.memory_space<hbm>>, %arg3: memref<6402048xi32, #tpu.memory_space<hbm>>, %arg4: memref<100000x8xf32, #tpu.memory_space<hbm>>, %arg5: memref<100008x8xf32, #tpu.memory_space<hbm>>, %arg6: memref<200016xf32, #tpu.memory_space<hbm>>, %arg7: memref<2x100000x8xf32, #tpu.memory_space<hbm>>, %arg8: memref<400000xf32, #tpu.memory_space<hbm>>, %arg9: memref<128xi32, #tpu.memory_space<vmem>>, %arg10: memref<128xi32, #tpu.memory_space<vmem>>, %arg11: memref<128x8xf32, #tpu.memory_space<vmem>>, %arg12: memref<128xi32, #tpu.memory_space<vmem>>, %arg13: memref<128xf32, #tpu.memory_space<vmem>>, %arg14: memref<128xi32, #tpu.memory_space<vmem>>, %arg15: memref<128xi32, #tpu.memory_space<vmem>>, %arg16: memref<128x8xf32, #tpu.memory_space<vmem>>, %arg17: memref<128xi32, #tpu.memory_space<vmem>>, %arg18: memref<128xf32, #tpu.memory_space<vmem>>, %arg19: memref<128xi32, #tpu.memory_space<vmem>>, %arg20: memref<128xi32, #tpu.memory_space<vmem>>, %arg21: memref<128x8xf32, #tpu.memory_space<vmem>>, %arg22: memref<128xi32, #tpu.memory_space<vmem>>, %arg23: memref<128xf32, #tpu.memory_space<vmem>>, %arg24: memref<12512xf32, #tpu.memory_space<vmem>>, %arg25: memref<100008x8xf32, #tpu.memory_space<vmem_shared>>, %arg26: memref<200016xf32, #tpu.memory_space<vmem_shared>>, %arg27: memref<!tpu.dma_semaphore, #tpu.memory_space<semaphore_mem>>, %arg28: memref<!tpu.dma_semaphore, #tpu.memory_space<semaphore_mem>>, %arg29: memref<!tpu.dma_semaphore, #tpu.memory_space<semaphore_mem>>, %arg30: memref<!tpu.dma_semaphore, #tpu.memory_space<semaphore_mem>>, %arg31: memref<!tpu.dma_semaphore, #tpu.memory_space<semaphore_mem>>, %arg32: memref<!tpu.dma_semaphore, #tpu.memory_space<semaphore_mem>>, %arg33: memref<!tpu.dma_semaphore, #tpu.memory_space<semaphore_mem>>, %arg34: memref<!tpu.dma_semaphore, #tpu.memory_space<semaphore_mem>>, %arg35: memref<!tpu.dma_semaphore, #tpu.memory_space<semaphore_mem>>) attributes {dimension_semantics = [#tpu.dimension_semantics<core_parallel>, #tpu.dimension_semantics<subcore_parallel>], iteration_bounds = array<i64: 2, 16>, scalar_prefetch = 0 : i64, scratch_operands = 27 : i64, tpu.core_type = #tpu.core_type<sc_vector_subcore>, window_params = [{transform_indices = #map}, {transform_indices = #map}, {transform_indices = #map1}, {transform_indices = #map1}, {transform_indices = #map}, {transform_indices = #map2}, {transform_indices = #map}]} {
    %mul3A = arith.constant 2 : i32
    %mul3A_0 = arith.muli %arg1, %mul3A : i32
    %add3A = arith.addi %mul3A_0, %arg0 : i32
    %lt3A = arith.constant 15 : i32
    %lt3A_1 = arith.cmpi slt, %arg1, %lt3A : i32
    %convert_element_type3A = arith.extui %lt3A_1 : i1 to i32
    %cond3A = arith.constant 0 : i32
    %cond3A_2 = arith.cmpi ne, %convert_element_type3A, %cond3A : i32
    scf.if %cond3A_2 {
      %mul3A_78 = arith.constant 6256 : i32
      %mul3A_79 = arith.muli %arg1, %mul3A_78 : i32
      "tpu.region"() ({
        %run_scoped3A = tpu.sem_alloc : memref<!tpu.dma_semaphore, #tpu.memory_space<semaphore_mem>>
        %dma_start3A_80 = arith.constant 0 : i32
        %dma_start3A_81 = tpu.memref_slice %arg25[%mul3A_79, %dma_start3A_80] : memref<100008x8xf32, #tpu.memory_space<vmem_shared>> -> memref<6256x8xf32, #tpu.memory_space<vmem_shared>>
        %dma_start3A_82 = arith.constant 0 : i32
        %dma_start3A_83 = tpu.memref_slice %arg5[%mul3A_79, %dma_start3A_82] : memref<100008x8xf32, #tpu.memory_space<hbm>> -> memref<6256x8xf32, #tpu.memory_space<hbm>>
        tpu.enqueue_dma source(%dma_start3A_83 : memref<6256x8xf32, #tpu.memory_space<hbm>>) target(%dma_start3A_81 : memref<6256x8xf32, #tpu.memory_space<vmem_shared>>) target_semaphore(%run_scoped3A : memref<!tpu.dma_semaphore, #tpu.memory_space<semaphore_mem>>)
        %dma_wait3A = arith.constant 0 : i32
        %dma_wait3A_84 = tpu.memref_slice %arg25[%mul3A_79, %dma_wait3A] : memref<100008x8xf32, #tpu.memory_space<vmem_shared>> -> memref<6256x8xf32, #tpu.memory_space<vmem_shared>>
        %dma_wait3A_85 = arith.constant 0 : i32
        %dma_wait3A_86 = tpu.memref_slice %arg5[%mul3A_79, %dma_wait3A_85] : memref<100008x8xf32, #tpu.memory_space<hbm>> -> memref<6256x8xf32, #tpu.memory_space<hbm>>
        tpu.wait_dma2 semaphore(%run_scoped3A : memref<!tpu.dma_semaphore, #tpu.memory_space<semaphore_mem>>) src(%dma_wait3A_86 : memref<6256x8xf32, #tpu.memory_space<hbm>>) dst(%dma_wait3A_84 : memref<6256x8xf32, #tpu.memory_space<vmem_shared>>)
        tpu.yield
      }) : () -> ()
    } else {
    }
    %eq3A = arith.constant 15 : i32
    %eq3A_3 = arith.cmpi eq, %arg1, %eq3A : i32
    %convert_element_type3A_4 = arith.extui %eq3A_3 : i1 to i32
    %cond3A_5 = arith.constant 0 : i32
    %cond3A_6 = arith.cmpi ne, %convert_element_type3A_4, %cond3A_5 : i32
    scf.if %cond3A_6 {
      "tpu.region"() ({
        %run_scoped3A = tpu.sem_alloc : memref<!tpu.dma_semaphore, #tpu.memory_space<semaphore_mem>>
        %dma_start3A_78 = arith.constant 93840 : i32
        %dma_start3A_79 = arith.constant 0 : i32
        %dma_start3A_80 = tpu.memref_slice %arg25[%dma_start3A_78, %dma_start3A_79] : memref<100008x8xf32, #tpu.memory_space<vmem_shared>> -> memref<6168x8xf32, #tpu.memory_space<vmem_shared>>
        %dma_start3A_81 = arith.constant 93840 : i32
        %dma_start3A_82 = arith.constant 0 : i32
        %dma_start3A_83 = tpu.memref_slice %arg5[%dma_start3A_81, %dma_start3A_82] : memref<100008x8xf32, #tpu.memory_space<hbm>> -> memref<6168x8xf32, #tpu.memory_space<hbm>>
        tpu.enqueue_dma source(%dma_start3A_83 : memref<6168x8xf32, #tpu.memory_space<hbm>>) target(%dma_start3A_80 : memref<6168x8xf32, #tpu.memory_space<vmem_shared>>) target_semaphore(%run_scoped3A : memref<!tpu.dma_semaphore, #tpu.memory_space<semaphore_mem>>)
        %dma_wait3A = arith.constant 93840 : i32
        %dma_wait3A_84 = arith.constant 0 : i32
        %dma_wait3A_85 = tpu.memref_slice %arg25[%dma_wait3A, %dma_wait3A_84] : memref<100008x8xf32, #tpu.memory_space<vmem_shared>> -> memref<6168x8xf32, #tpu.memory_space<vmem_shared>>
        %dma_wait3A_86 = arith.constant 93840 : i32
        %dma_wait3A_87 = arith.constant 0 : i32
        %dma_wait3A_88 = tpu.memref_slice %arg5[%dma_wait3A_86, %dma_wait3A_87] : memref<100008x8xf32, #tpu.memory_space<hbm>> -> memref<6168x8xf32, #tpu.memory_space<hbm>>
        tpu.wait_dma2 semaphore(%run_scoped3A : memref<!tpu.dma_semaphore, #tpu.memory_space<semaphore_mem>>) src(%dma_wait3A_88 : memref<6168x8xf32, #tpu.memory_space<hbm>>) dst(%dma_wait3A_85 : memref<6168x8xf32, #tpu.memory_space<vmem_shared>>)
        tpu.yield
      }) : () -> ()
    } else {
    }
    %lt3A_7 = arith.constant 15 : i32
    %lt3A_8 = arith.cmpi slt, %arg1, %lt3A_7 : i32
    %convert_element_type3A_9 = arith.extui %lt3A_8 : i1 to i32
    %cond3A_10 = arith.constant 0 : i32
    %cond3A_11 = arith.cmpi ne, %convert_element_type3A_9, %cond3A_10 : i32
    scf.if %cond3A_11 {
      %mul3A_78 = arith.constant 12512 : i32
      %mul3A_79 = arith.muli %arg1, %mul3A_78 : i32
      "tpu.region"() ({
        %run_scoped3A = tpu.sem_alloc : memref<!tpu.dma_semaphore, #tpu.memory_space<semaphore_mem>>
        %dma_start3A_80 = arith.constant 0 : i32
        %dma_start3A_81 = tpu.memref_slice %arg24[%dma_start3A_80] : memref<12512xf32, #tpu.memory_space<vmem>> -> memref<12512xf32, #tpu.memory_space<vmem>>
        %dma_start3A_82 = tpu.memref_slice %arg6[%mul3A_79] : memref<200016xf32, #tpu.memory_space<hbm>> -> memref<12512xf32, #tpu.memory_space<hbm>>
        %dma_start3A_83 = arith.constant 0 : i32
        %dma_start3A_84 = tpu.memref_slice %arg24[%dma_start3A_83] : memref<12512xf32, #tpu.memory_space<vmem>> -> memref<12512xf32, #tpu.memory_space<vmem>>
        %dma_start3A_85 = tpu.memref_slice %arg6[%mul3A_79] : memref<200016xf32, #tpu.memory_space<hbm>> -> memref<12512xf32, #tpu.memory_space<hbm>>
        tpu.enqueue_dma source(%dma_start3A_85 : memref<12512xf32, #tpu.memory_space<hbm>>) target(%dma_start3A_84 : memref<12512xf32, #tpu.memory_space<vmem>>) target_semaphore(%run_scoped3A : memref<!tpu.dma_semaphore, #tpu.memory_space<semaphore_mem>>)
        %dma_wait3A = arith.constant 0 : i32
        %dma_wait3A_86 = tpu.memref_slice %arg24[%dma_wait3A] : memref<12512xf32, #tpu.memory_space<vmem>> -> memref<12512xf32, #tpu.memory_space<vmem>>
        %dma_wait3A_87 = tpu.memref_slice %arg6[%mul3A_79] : memref<200016xf32, #tpu.memory_space<hbm>> -> memref<12512xf32, #tpu.memory_space<hbm>>
        %dma_wait3A_88 = arith.constant 0 : i32
        %dma_wait3A_89 = tpu.memref_slice %arg24[%dma_wait3A_88] : memref<12512xf32, #tpu.memory_space<vmem>> -> memref<12512xf32, #tpu.memory_space<vmem>>
        %dma_wait3A_90 = tpu.memref_slice %arg6[%mul3A_79] : memref<200016xf32, #tpu.memory_space<hbm>> -> memref<12512xf32, #tpu.memory_space<hbm>>
        tpu.wait_dma2 semaphore(%run_scoped3A : memref<!tpu.dma_semaphore, #tpu.memory_space<semaphore_mem>>) src(%dma_wait3A_90 : memref<12512xf32, #tpu.memory_space<hbm>>) dst(%dma_wait3A_89 : memref<12512xf32, #tpu.memory_space<vmem>>)
        tpu.yield
      }) : () -> ()
      "tpu.region"() ({
        %run_scoped3A = tpu.sem_alloc : memref<!tpu.dma_semaphore, #tpu.memory_space<semaphore_mem>>
        %dma_start3A_80 = arith.constant 0 : i32
        %dma_start3A_81 = tpu.memref_slice %arg24[%dma_start3A_80] : memref<12512xf32, #tpu.memory_space<vmem>> -> memref<12512xf32, #tpu.memory_space<vmem>>
        %dma_start3A_82 = tpu.memref_slice %arg26[%mul3A_79] : memref<200016xf32, #tpu.memory_space<vmem_shared>> -> memref<12512xf32, #tpu.memory_space<vmem_shared>>
        %dma_start3A_83 = tpu.memref_slice %arg26[%mul3A_79] : memref<200016xf32, #tpu.memory_space<vmem_shared>> -> memref<12512xf32, #tpu.memory_space<vmem_shared>>
        %dma_start3A_84 = arith.constant 0 : i32
        %dma_start3A_85 = tpu.memref_slice %arg24[%dma_start3A_84] : memref<12512xf32, #tpu.memory_space<vmem>> -> memref<12512xf32, #tpu.memory_space<vmem>>
        tpu.enqueue_dma source(%dma_start3A_85 : memref<12512xf32, #tpu.memory_space<vmem>>) target(%dma_start3A_83 : memref<12512xf32, #tpu.memory_space<vmem_shared>>) target_semaphore(%run_scoped3A : memref<!tpu.dma_semaphore, #tpu.memory_space<semaphore_mem>>)
        %dma_wait3A = arith.constant 0 : i32
        %dma_wait3A_86 = tpu.memref_slice %arg24[%dma_wait3A] : memref<12512xf32, #tpu.memory_space<vmem>> -> memref<12512xf32, #tpu.memory_space<vmem>>
        %dma_wait3A_87 = tpu.memref_slice %arg26[%mul3A_79] : memref<200016xf32, #tpu.memory_space<vmem_shared>> -> memref<12512xf32, #tpu.memory_space<vmem_shared>>
        %dma_wait3A_88 = tpu.memref_slice %arg26[%mul3A_79] : memref<200016xf32, #tpu.memory_space<vmem_shared>> -> memref<12512xf32, #tpu.memory_space<vmem_shared>>
        %dma_wait3A_89 = arith.constant 0 : i32
        %dma_wait3A_90 = tpu.memref_slice %arg24[%dma_wait3A_89] : memref<12512xf32, #tpu.memory_space<vmem>> -> memref<12512xf32, #tpu.memory_space<vmem>>
        tpu.wait_dma2 semaphore(%run_scoped3A : memref<!tpu.dma_semaphore, #tpu.memory_space<semaphore_mem>>) src(%dma_wait3A_90 : memref<12512xf32, #tpu.memory_space<vmem>>) dst(%dma_wait3A_88 : memref<12512xf32, #tpu.memory_space<vmem_shared>>)
        tpu.yield
      }) : () -> ()
    } else {
    }
    %eq3A_12 = arith.constant 15 : i32
    %eq3A_13 = arith.cmpi eq, %arg1, %eq3A_12 : i32
    %convert_element_type3A_14 = arith.extui %eq3A_13 : i1 to i32
    %cond3A_15 = arith.constant 0 : i32
    %cond3A_16 = arith.cmpi ne, %convert_element_type3A_14, %cond3A_15 : i32
    scf.if %cond3A_16 {
      "tpu.region"() ({
        %run_scoped3A = tpu.sem_alloc : memref<!tpu.dma_semaphore, #tpu.memory_space<semaphore_mem>>
        %dma_start3A_78 = arith.constant 0 : i32
        %dma_start3A_79 = tpu.memref_slice %arg24[%dma_start3A_78] : memref<12512xf32, #tpu.memory_space<vmem>> -> memref<12336xf32, #tpu.memory_space<vmem>>
        %dma_start3A_80 = arith.constant 187680 : i32
        %dma_start3A_81 = tpu.memref_slice %arg6[%dma_start3A_80] : memref<200016xf32, #tpu.memory_space<hbm>> -> memref<12336xf32, #tpu.memory_space<hbm>>
        %dma_start3A_82 = arith.constant 0 : i32
        %dma_start3A_83 = tpu.memref_slice %arg24[%dma_start3A_82] : memref<12512xf32, #tpu.memory_space<vmem>> -> memref<12336xf32, #tpu.memory_space<vmem>>
        %dma_start3A_84 = arith.constant 187680 : i32
        %dma_start3A_85 = tpu.memref_slice %arg6[%dma_start3A_84] : memref<200016xf32, #tpu.memory_space<hbm>> -> memref<12336xf32, #tpu.memory_space<hbm>>
        tpu.enqueue_dma source(%dma_start3A_85 : memref<12336xf32, #tpu.memory_space<hbm>>) target(%dma_start3A_83 : memref<12336xf32, #tpu.memory_space<vmem>>) target_semaphore(%run_scoped3A : memref<!tpu.dma_semaphore, #tpu.memory_space<semaphore_mem>>)
        %dma_wait3A = arith.constant 0 : i32
        %dma_wait3A_86 = tpu.memref_slice %arg24[%dma_wait3A] : memref<12512xf32, #tpu.memory_space<vmem>> -> memref<12336xf32, #tpu.memory_space<vmem>>
        %dma_wait3A_87 = arith.constant 187680 : i32
        %dma_wait3A_88 = tpu.memref_slice %arg6[%dma_wait3A_87] : memref<200016xf32, #tpu.memory_space<hbm>> -> memref<12336xf32, #tpu.memory_space<hbm>>
        %dma_wait3A_89 = arith.constant 0 : i32
        %dma_wait3A_90 = tpu.memref_slice %arg24[%dma_wait3A_89] : memref<12512xf32, #tpu.memory_space<vmem>> -> memref<12336xf32, #tpu.memory_space<vmem>>
        %dma_wait3A_91 = arith.constant 187680 : i32
        %dma_wait3A_92 = tpu.memref_slice %arg6[%dma_wait3A_91] : memref<200016xf32, #tpu.memory_space<hbm>> -> memref<12336xf32, #tpu.memory_space<hbm>>
        tpu.wait_dma2 semaphore(%run_scoped3A : memref<!tpu.dma_semaphore, #tpu.memory_space<semaphore_mem>>) src(%dma_wait3A_92 : memref<12336xf32, #tpu.memory_space<hbm>>) dst(%dma_wait3A_90 : memref<12336xf32, #tpu.memory_space<vmem>>)
        tpu.yield
      }) : () -> ()
      "tpu.region"() ({
        %run_scoped3A = tpu.sem_alloc : memref<!tpu.dma_semaphore, #tpu.memory_space<semaphore_mem>>
        %dma_start3A_78 = arith.constant 0 : i32
        %dma_start3A_79 = tpu.memref_slice %arg24[%dma_start3A_78] : memref<12512xf32, #tpu.memory_space<vmem>> -> memref<12336xf32, #tpu.memory_space<vmem>>
        %dma_start3A_80 = arith.constant 187680 : i32
        %dma_start3A_81 = tpu.memref_slice %arg26[%dma_start3A_80] : memref<200016xf32, #tpu.memory_space<vmem_shared>> -> memref<12336xf32, #tpu.memory_space<vmem_shared>>
        %dma_start3A_82 = arith.constant 187680 : i32
        %dma_start3A_83 = tpu.memref_slice %arg26[%dma_start3A_82] : memref<200016xf32, #tpu.memory_space<vmem_shared>> -> memref<12336xf32, #tpu.memory_space<vmem_shared>>
        %dma_start3A_84 = arith.constant 0 : i32
        %dma_start3A_85 = tpu.memref_slice %arg24[%dma_start3A_84] : memref<12512xf32, #tpu.memory_space<vmem>> -> memref<12336xf32, #tpu.memory_space<vmem>>
        tpu.enqueue_dma source(%dma_start3A_85 : memref<12336xf32, #tpu.memory_space<vmem>>) target(%dma_start3A_83 : memref<12336xf32, #tpu.memory_space<vmem_shared>>) target_semaphore(%run_scoped3A : memref<!tpu.dma_semaphore, #tpu.memory_space<semaphore_mem>>)
        %dma_wait3A = arith.constant 0 : i32
        %dma_wait3A_86 = tpu.memref_slice %arg24[%dma_wait3A] : memref<12512xf32, #tpu.memory_space<vmem>> -> memref<12336xf32, #tpu.memory_space<vmem>>
        %dma_wait3A_87 = arith.constant 187680 : i32
        %dma_wait3A_88 = tpu.memref_slice %arg26[%dma_wait3A_87] : memref<200016xf32, #tpu.memory_space<vmem_shared>> -> memref<12336xf32, #tpu.memory_space<vmem_shared>>
        %dma_wait3A_89 = arith.constant 187680 : i32
        %dma_wait3A_90 = tpu.memref_slice %arg26[%dma_wait3A_89] : memref<200016xf32, #tpu.memory_space<vmem_shared>> -> memref<12336xf32, #tpu.memory_space<vmem_shared>>
        %dma_wait3A_91 = arith.constant 0 : i32
        %dma_wait3A_92 = tpu.memref_slice %arg24[%dma_wait3A_91] : memref<12512xf32, #tpu.memory_space<vmem>> -> memref<12336xf32, #tpu.memory_space<vmem>>
        tpu.wait_dma2 semaphore(%run_scoped3A : memref<!tpu.dma_semaphore, #tpu.memory_space<semaphore_mem>>) src(%dma_wait3A_92 : memref<12336xf32, #tpu.memory_space<vmem>>) dst(%dma_wait3A_90 : memref<12336xf32, #tpu.memory_space<vmem_shared>>)
        tpu.yield
      }) : () -> ()
    } else {
    }
    %barrier3A = arith.constant 0 : index
    tpu.barrier barrier_id(%barrier3A)
    %add3A_17 = arith.constant 0 : i32
    %add3A_18 = arith.addi %add3A_17, %add3A : i32
    %mul3A_19 = arith.constant 128 : i32
    %mul3A_20 = arith.muli %add3A_18, %mul3A_19 : i32
    %dma_start3A = tpu.memref_slice %arg2[%mul3A_20] : memref<6402048xi32, #tpu.memory_space<hbm>> -> memref<128xi32, #tpu.memory_space<hbm>>
    %dma_start3A_21 = tpu.memref_slice %arg2[%mul3A_20] : memref<6402048xi32, #tpu.memory_space<hbm>> -> memref<128xi32, #tpu.memory_space<hbm>>
    tpu.enqueue_dma source(%dma_start3A_21 : memref<128xi32, #tpu.memory_space<hbm>>) target(%arg9 : memref<128xi32, #tpu.memory_space<vmem>>) target_semaphore(%arg27 : memref<!tpu.dma_semaphore, #tpu.memory_space<semaphore_mem>>)
    %add3A_22 = arith.constant 0 : i32
    %add3A_23 = arith.addi %add3A_22, %add3A : i32
    %mul3A_24 = arith.constant 128 : i32
    %mul3A_25 = arith.muli %add3A_23, %mul3A_24 : i32
    %dma_start3A_26 = tpu.memref_slice %arg3[%mul3A_25] : memref<6402048xi32, #tpu.memory_space<hbm>> -> memref<128xi32, #tpu.memory_space<hbm>>
    %dma_start3A_27 = tpu.memref_slice %arg3[%mul3A_25] : memref<6402048xi32, #tpu.memory_space<hbm>> -> memref<128xi32, #tpu.memory_space<hbm>>
    tpu.enqueue_dma source(%dma_start3A_27 : memref<128xi32, #tpu.memory_space<hbm>>) target(%arg10 : memref<128xi32, #tpu.memory_space<vmem>>) target_semaphore(%arg27 : memref<!tpu.dma_semaphore, #tpu.memory_space<semaphore_mem>>)
    %add3A_28 = arith.constant 32 : i32
    %add3A_29 = arith.addi %add3A_28, %add3A : i32
    %mul3A_30 = arith.constant 128 : i32
    %mul3A_31 = arith.muli %add3A_29, %mul3A_30 : i32
    %dma_start3A_32 = tpu.memref_slice %arg2[%mul3A_31] : memref<6402048xi32, #tpu.memory_space<hbm>> -> memref<128xi32, #tpu.memory_space<hbm>>
    %dma_start3A_33 = tpu.memref_slice %arg2[%mul3A_31] : memref<6402048xi32, #tpu.memory_space<hbm>> -> memref<128xi32, #tpu.memory_space<hbm>>
    tpu.enqueue_dma source(%dma_start3A_33 : memref<128xi32, #tpu.memory_space<hbm>>) target(%arg14 : memref<128xi32, #tpu.memory_space<vmem>>) target_semaphore(%arg28 : memref<!tpu.dma_semaphore, #tpu.memory_space<semaphore_mem>>)
    %add3A_34 = arith.constant 32 : i32
    %add3A_35 = arith.addi %add3A_34, %add3A : i32
    %mul3A_36 = arith.constant 128 : i32
    %mul3A_37 = arith.muli %add3A_35, %mul3A_36 : i32
    %dma_start3A_38 = tpu.memref_slice %arg3[%mul3A_37] : memref<6402048xi32, #tpu.memory_space<hbm>> -> memref<128xi32, #tpu.memory_space<hbm>>
    %dma_start3A_39 = tpu.memref_slice %arg3[%mul3A_37] : memref<6402048xi32, #tpu.memory_space<hbm>> -> memref<128xi32, #tpu.memory_space<hbm>>
    tpu.enqueue_dma source(%dma_start3A_39 : memref<128xi32, #tpu.memory_space<hbm>>) target(%arg15 : memref<128xi32, #tpu.memory_space<vmem>>) target_semaphore(%arg28 : memref<!tpu.dma_semaphore, #tpu.memory_space<semaphore_mem>>)
    %add3A_40 = arith.constant 64 : i32
    %add3A_41 = arith.addi %add3A_40, %add3A : i32
    %mul3A_42 = arith.constant 128 : i32
    %mul3A_43 = arith.muli %add3A_41, %mul3A_42 : i32
    %dma_start3A_44 = tpu.memref_slice %arg2[%mul3A_43] : memref<6402048xi32, #tpu.memory_space<hbm>> -> memref<128xi32, #tpu.memory_space<hbm>>
    %dma_start3A_45 = tpu.memref_slice %arg2[%mul3A_43] : memref<6402048xi32, #tpu.memory_space<hbm>> -> memref<128xi32, #tpu.memory_space<hbm>>
    tpu.enqueue_dma source(%dma_start3A_45 : memref<128xi32, #tpu.memory_space<hbm>>) target(%arg19 : memref<128xi32, #tpu.memory_space<vmem>>) target_semaphore(%arg29 : memref<!tpu.dma_semaphore, #tpu.memory_space<semaphore_mem>>)
    %add3A_46 = arith.constant 64 : i32
    %add3A_47 = arith.addi %add3A_46, %add3A : i32
    %mul3A_48 = arith.constant 128 : i32
    %mul3A_49 = arith.muli %add3A_47, %mul3A_48 : i32
    %dma_start3A_50 = tpu.memref_slice %arg3[%mul3A_49] : memref<6402048xi32, #tpu.memory_space<hbm>> -> memref<128xi32, #tpu.memory_space<hbm>>
    %dma_start3A_51 = tpu.memref_slice %arg3[%mul3A_49] : memref<6402048xi32, #tpu.memory_space<hbm>> -> memref<128xi32, #tpu.memory_space<hbm>>
    tpu.enqueue_dma source(%dma_start3A_51 : memref<128xi32, #tpu.memory_space<hbm>>) target(%arg20 : memref<128xi32, #tpu.memory_space<vmem>>) target_semaphore(%arg29 : memref<!tpu.dma_semaphore, #tpu.memory_space<semaphore_mem>>)
    %scan3A = arith.constant 0 : i32
    %scan3A_52 = arith.constant 0 : i32
    %scan3A_53 = arith.constant 521 : i32
    %scan3A_54 = arith.addi %scan3A_52, %scan3A_53 : i32
    %scan3A_55 = arith.constant 1 : i32
    scf.for %scan3A_78 = %scan3A_52 to %scan3A_54 step %scan3A_55  : i32 {
      %mul3A_79 = arith.constant 3 : i32
      %mul3A_80 = arith.muli %scan3A_78, %mul3A_79 : i32
      %add3A_81 = arith.constant 0 : i32
      %add3A_82 = arith.addi %mul3A_80, %add3A_81 : i32
      %mul3A_83 = arith.constant 32 : i32
      %mul3A_84 = arith.muli %add3A_82, %mul3A_83 : i32
      %add3A_85 = arith.addi %mul3A_84, %add3A : i32
      %mul3A_86 = arith.constant 128 : i32
      %mul3A_87 = arith.muli %add3A_85, %mul3A_86 : i32
      %dma_wait3A = tpu.memref_slice %arg2[%mul3A_87] : memref<6402048xi32, #tpu.memory_space<hbm>> -> memref<128xi32, #tpu.memory_space<hbm>>
      %dma_wait3A_88 = tpu.memref_slice %arg2[%mul3A_87] : memref<6402048xi32, #tpu.memory_space<hbm>> -> memref<128xi32, #tpu.memory_space<hbm>>
      tpu.wait_dma2 semaphore(%arg27 : memref<!tpu.dma_semaphore, #tpu.memory_space<semaphore_mem>>) src(%dma_wait3A_88 : memref<128xi32, #tpu.memory_space<hbm>>) dst(%arg9 : memref<128xi32, #tpu.memory_space<vmem>>)
      %dma_wait3A_89 = tpu.memref_slice %arg3[%mul3A_87] : memref<6402048xi32, #tpu.memory_space<hbm>> -> memref<128xi32, #tpu.memory_space<hbm>>
      %dma_wait3A_90 = tpu.memref_slice %arg3[%mul3A_87] : memref<6402048xi32, #tpu.memory_space<hbm>> -> memref<128xi32, #tpu.memory_space<hbm>>
      tpu.wait_dma2 semaphore(%arg27 : memref<!tpu.dma_semaphore, #tpu.memory_space<semaphore_mem>>) src(%dma_wait3A_90 : memref<128xi32, #tpu.memory_space<hbm>>) dst(%arg10 : memref<128xi32, #tpu.memory_space<vmem>>)
      %dma_start3A_91 = arith.constant 0 : i32
      %dma_start3A_92 = arith.constant 0 : i32
      %dma_start3A_93 = tpu.memref_slice %arg4[%dma_start3A_91, %dma_start3A_92] : memref<100000x8xf32, #tpu.memory_space<hbm>> -> memref<100000x8xf32, #tpu.memory_space<hbm>>
      tpu.enqueue_indirect_dma source(%dma_start3A_93 : memref<100000x8xf32, #tpu.memory_space<hbm>>) target(%arg11 : memref<128x8xf32, #tpu.memory_space<vmem>>) offsets(%arg9 : memref<128xi32, #tpu.memory_space<vmem>>) semaphore(%arg30 : memref<!tpu.dma_semaphore, #tpu.memory_space<semaphore_mem>>)
      %mul3A_94 = arith.constant 3 : i32
      %mul3A_95 = arith.muli %scan3A_78, %mul3A_94 : i32
      %add3A_96 = arith.constant 1 : i32
      %add3A_97 = arith.addi %mul3A_95, %add3A_96 : i32
      %mul3A_98 = arith.constant 32 : i32
      %mul3A_99 = arith.muli %add3A_97, %mul3A_98 : i32
      %add3A_100 = arith.addi %mul3A_99, %add3A : i32
      %mul3A_101 = arith.constant 128 : i32
      %mul3A_102 = arith.muli %add3A_100, %mul3A_101 : i32
      %dma_wait3A_103 = tpu.memref_slice %arg2[%mul3A_102] : memref<6402048xi32, #tpu.memory_space<hbm>> -> memref<128xi32, #tpu.memory_space<hbm>>
      %dma_wait3A_104 = tpu.memref_slice %arg2[%mul3A_102] : memref<6402048xi32, #tpu.memory_space<hbm>> -> memref<128xi32, #tpu.memory_space<hbm>>
      tpu.wait_dma2 semaphore(%arg28 : memref<!tpu.dma_semaphore, #tpu.memory_space<semaphore_mem>>) src(%dma_wait3A_104 : memref<128xi32, #tpu.memory_space<hbm>>) dst(%arg14 : memref<128xi32, #tpu.memory_space<vmem>>)
      %dma_wait3A_105 = tpu.memref_slice %arg3[%mul3A_102] : memref<6402048xi32, #tpu.memory_space<hbm>> -> memref<128xi32, #tpu.memory_space<hbm>>
      %dma_wait3A_106 = tpu.memref_slice %arg3[%mul3A_102] : memref<6402048xi32, #tpu.memory_space<hbm>> -> memref<128xi32, #tpu.memory_space<hbm>>
      tpu.wait_dma2 semaphore(%arg28 : memref<!tpu.dma_semaphore, #tpu.memory_space<semaphore_mem>>) src(%dma_wait3A_106 : memref<128xi32, #tpu.memory_space<hbm>>) dst(%arg15 : memref<128xi32, #tpu.memory_space<vmem>>)
      %dma_start3A_107 = arith.constant 0 : i32
      %dma_start3A_108 = arith.constant 0 : i32
      %dma_start3A_109 = tpu.memref_slice %arg4[%dma_start3A_107, %dma_start3A_108] : memref<100000x8xf32, #tpu.memory_space<hbm>> -> memref<100000x8xf32, #tpu.memory_space<hbm>>
      tpu.enqueue_indirect_dma source(%dma_start3A_109 : memref<100000x8xf32, #tpu.memory_space<hbm>>) target(%arg16 : memref<128x8xf32, #tpu.memory_space<vmem>>) offsets(%arg14 : memref<128xi32, #tpu.memory_space<vmem>>) semaphore(%arg31 : memref<!tpu.dma_semaphore, #tpu.memory_space<semaphore_mem>>)
      %mul3A_110 = arith.constant 3 : i32
      %mul3A_111 = arith.muli %scan3A_78, %mul3A_110 : i32
      %add3A_112 = arith.constant 2 : i32
      %add3A_113 = arith.addi %mul3A_111, %add3A_112 : i32
      %mul3A_114 = arith.constant 32 : i32
      %mul3A_115 = arith.muli %add3A_113, %mul3A_114 : i32
      %add3A_116 = arith.addi %mul3A_115, %add3A : i32
      %mul3A_117 = arith.constant 128 : i32
      %mul3A_118 = arith.muli %add3A_116, %mul3A_117 : i32
      %dma_wait3A_119 = tpu.memref_slice %arg2[%mul3A_118] : memref<6402048xi32, #tpu.memory_space<hbm>> -> memref<128xi32, #tpu.memory_space<hbm>>
      %dma_wait3A_120 = tpu.memref_slice %arg2[%mul3A_118] : memref<6402048xi32, #tpu.memory_space<hbm>> -> memref<128xi32, #tpu.memory_space<hbm>>
      tpu.wait_dma2 semaphore(%arg29 : memref<!tpu.dma_semaphore, #tpu.memory_space<semaphore_mem>>) src(%dma_wait3A_120 : memref<128xi32, #tpu.memory_space<hbm>>) dst(%arg19 : memref<128xi32, #tpu.memory_space<vmem>>)
      %dma_wait3A_121 = tpu.memref_slice %arg3[%mul3A_118] : memref<6402048xi32, #tpu.memory_space<hbm>> -> memref<128xi32, #tpu.memory_space<hbm>>
      %dma_wait3A_122 = tpu.memref_slice %arg3[%mul3A_118] : memref<6402048xi32, #tpu.memory_space<hbm>> -> memref<128xi32, #tpu.memory_space<hbm>>
      tpu.wait_dma2 semaphore(%arg29 : memref<!tpu.dma_semaphore, #tpu.memory_space<semaphore_mem>>) src(%dma_wait3A_122 : memref<128xi32, #tpu.memory_space<hbm>>) dst(%arg20 : memref<128xi32, #tpu.memory_space<vmem>>)
      %dma_start3A_123 = arith.constant 0 : i32
      %dma_start3A_124 = arith.constant 0 : i32
      %dma_start3A_125 = tpu.memref_slice %arg4[%dma_start3A_123, %dma_start3A_124] : memref<100000x8xf32, #tpu.memory_space<hbm>> -> memref<100000x8xf32, #tpu.memory_space<hbm>>
      tpu.enqueue_indirect_dma source(%dma_start3A_125 : memref<100000x8xf32, #tpu.memory_space<hbm>>) target(%arg21 : memref<128x8xf32, #tpu.memory_space<vmem>>) offsets(%arg19 : memref<128xi32, #tpu.memory_space<vmem>>) semaphore(%arg32 : memref<!tpu.dma_semaphore, #tpu.memory_space<semaphore_mem>>)
      %broadcast_in_dim3A = arith.constant 1.000000e+00 : f32
      %broadcast_in_dim3A_126 = vector.broadcast %broadcast_in_dim3A : f32 to vector<16xf32>
      %broadcast_in_dim3A_127 = arith.constant 0.000000e+00 : f32
      %broadcast_in_dim3A_128 = vector.broadcast %broadcast_in_dim3A_127 : f32 to vector<16xf32>
      %get3A = arith.constant 0 : index
      %get3A_129 = tpu.vector_load %arg9[%get3A] {strides = array<i32>} : memref<128xi32, #tpu.memory_space<vmem>>, vector<16xi32>,
      %get3A_130 = vector.shape_cast %get3A_129 : vector<16xi32> to vector<16xi32>
      %get3A_131 = arith.constant 0 : index
      %get3A_132 = tpu.vector_load %arg10[%get3A_131] {strides = array<i32>} : memref<128xi32, #tpu.memory_space<vmem>>, vector<16xi32>,
      %get3A_133 = vector.shape_cast %get3A_132 : vector<16xi32> to vector<16xi32>
      %lt3A_134 = arith.constant 2 : i32
      %lt3A_135 = vector.broadcast %lt3A_134 : i32 to vector<16xi32>
      %lt3A_136 = arith.cmpi slt, %get3A_133, %lt3A_135 : vector<16xi32>
      %mul3A_137 = arith.constant 2 : i32
      %mul3A_138 = vector.broadcast %mul3A_137 : i32 to vector<16xi32>
      %mul3A_139 = arith.muli %get3A_130, %mul3A_138 : vector<16xi32>
      %add3A_140 = arith.addi %mul3A_139, %get3A_133 : vector<16xi32>
      %jit3A = arith.constant -1 : i32
      %broadcast_in_dim3A_141 = vector.broadcast %jit3A : i32 to vector<16xi32>
      %select_n3A = arith.select %lt3A_136, %add3A_140, %broadcast_in_dim3A_141 : vector<16xi1>, vector<16xi32>
      %swap3A = arith.constant 0 : index
      %swap3A_142 = tpu.vector_load %arg12[%swap3A] {strides = array<i32>} : memref<128xi32, #tpu.memory_space<vmem>>, vector<16xi32>,
      %swap3A_143 = vector.shape_cast %swap3A_142 : vector<16xi32> to vector<16xi32>
      %swap3A_144 = vector.shape_cast %select_n3A : vector<16xi32> to vector<16xi32>
      tpu.vector_store %arg12[%swap3A], %swap3A_144 {strides = array<i32>} : memref<128xi32, #tpu.memory_space<vmem>>, vector<16xi32>,
      %select_n3A_145 = arith.select %lt3A_136, %broadcast_in_dim3A_126, %broadcast_in_dim3A_128 : vector<16xi1>, vector<16xf32>
      %swap3A_146 = arith.constant 0 : index
      %swap3A_147 = tpu.vector_load %arg13[%swap3A_146] {strides = array<i32>} : memref<128xf32, #tpu.memory_space<vmem>>, vector<16xf32>,
      %swap3A_148 = vector.shape_cast %swap3A_147 : vector<16xf32> to vector<16xf32>
      %swap3A_149 = vector.shape_cast %select_n3A_145 : vector<16xf32> to vector<16xf32>
      tpu.vector_store %arg13[%swap3A_146], %swap3A_149 {strides = array<i32>} : memref<128xf32, #tpu.memory_space<vmem>>, vector<16xf32>,
      %get3A_150 = arith.constant 16 : index
      %get3A_151 = tpu.vector_load %arg9[%get3A_150] {strides = array<i32>} : memref<128xi32, #tpu.memory_space<vmem>>, vector<16xi32>,
      %get3A_152 = vector.shape_cast %get3A_151 : vector<16xi32> to vector<16xi32>
      %get3A_153 = arith.constant 16 : index
      %get3A_154 = tpu.vector_load %arg10[%get3A_153] {strides = array<i32>} : memref<128xi32, #tpu.memory_space<vmem>>, vector<16xi32>,
      %get3A_155 = vector.shape_cast %get3A_154 : vector<16xi32> to vector<16xi32>
      %lt3A_156 = arith.constant 2 : i32
      %lt3A_157 = vector.broadcast %lt3A_156 : i32 to vector<16xi32>
      %lt3A_158 = arith.cmpi slt, %get3A_155, %lt3A_157 : vector<16xi32>
      %mul3A_159 = arith.constant 2 : i32
      %mul3A_160 = vector.broadcast %mul3A_159 : i32 to vector<16xi32>
      %mul3A_161 = arith.muli %get3A_152, %mul3A_160 : vector<16xi32>
      %add3A_162 = arith.addi %mul3A_161, %get3A_155 : vector<16xi32>
      %jit3A_163 = arith.constant -1 : i32
      %broadcast_in_dim3A_164 = vector.broadcast %jit3A_163 : i32 to vector<16xi32>
      %select_n3A_165 = arith.select %lt3A_158, %add3A_162, %broadcast_in_dim3A_164 : vector<16xi1>, vector<16xi32>
      %swap3A_166 = arith.constant 16 : index
      %swap3A_167 = tpu.vector_load %arg12[%swap3A_166] {strides = array<i32>} : memref<128xi32, #tpu.memory_space<vmem>>, vector<16xi32>,
      %swap3A_168 = vector.shape_cast %swap3A_167 : vector<16xi32> to vector<16xi32>
      %swap3A_169 = vector.shape_cast %select_n3A_165 : vector<16xi32> to vector<16xi32>
      tpu.vector_store %arg12[%swap3A_166], %swap3A_169 {strides = array<i32>} : memref<128xi32, #tpu.memory_space<vmem>>, vector<16xi32>,
      %select_n3A_170 = arith.select %lt3A_158, %broadcast_in_dim3A_126, %broadcast_in_dim3A_128 : vector<16xi1>, vector<16xf32>
      %swap3A_171 = arith.constant 16 : index
      %swap3A_172 = tpu.vector_load %arg13[%swap3A_171] {strides = array<i32>} : memref<128xf32, #tpu.memory_space<vmem>>, vector<16xf32>,
      %swap3A_173 = vector.shape_cast %swap3A_172 : vector<16xf32> to vector<16xf32>
      %swap3A_174 = vector.shape_cast %select_n3A_170 : vector<16xf32> to vector<16xf32>
      tpu.vector_store %arg13[%swap3A_171], %swap3A_174 {strides = array<i32>} : memref<128xf32, #tpu.memory_space<vmem>>, vector<16xf32>,
      %get3A_175 = arith.constant 32 : index
      %get3A_176 = tpu.vector_load %arg9[%get3A_175] {strides = array<i32>} : memref<128xi32, #tpu.memory_space<vmem>>, vector<16xi32>,
      %get3A_177 = vector.shape_cast %get3A_176 : vector<16xi32> to vector<16xi32>
      %get3A_178 = arith.constant 32 : index
      %get3A_179 = tpu.vector_load %arg10[%get3A_178] {strides = array<i32>} : memref<128xi32, #tpu.memory_space<vmem>>, vector<16xi32>,
      %get3A_180 = vector.shape_cast %get3A_179 : vector<16xi32> to vector<16xi32>
      %lt3A_181 = arith.constant 2 : i32
      %lt3A_182 = vector.broadcast %lt3A_181 : i32 to vector<16xi32>
      %lt3A_183 = arith.cmpi slt, %get3A_180, %lt3A_182 : vector<16xi32>
      %mul3A_184 = arith.constant 2 : i32
      %mul3A_185 = vector.broadcast %mul3A_184 : i32 to vector<16xi32>
      %mul3A_186 = arith.muli %get3A_177, %mul3A_185 : vector<16xi32>
      %add3A_187 = arith.addi %mul3A_186, %get3A_180 : vector<16xi32>
      %jit3A_188 = arith.constant -1 : i32
      %broadcast_in_dim3A_189 = vector.broadcast %jit3A_188 : i32 to vector<16xi32>
      %select_n3A_190 = arith.select %lt3A_183, %add3A_187, %broadcast_in_dim3A_189 : vector<16xi1>, vector<16xi32>
      %swap3A_191 = arith.constant 32 : index
      %swap3A_192 = tpu.vector_load %arg12[%swap3A_191] {strides = array<i32>} : memref<128xi32, #tpu.memory_space<vmem>>, vector<16xi32>,
      %swap3A_193 = vector.shape_cast %swap3A_192 : vector<16xi32> to vector<16xi32>
      %swap3A_194 = vector.shape_cast %select_n3A_190 : vector<16xi32> to vector<16xi32>
      tpu.vector_store %arg12[%swap3A_191], %swap3A_194 {strides = array<i32>} : memref<128xi32, #tpu.memory_space<vmem>>, vector<16xi32>,
      %select_n3A_195 = arith.select %lt3A_183, %broadcast_in_dim3A_126, %broadcast_in_dim3A_128 : vector<16xi1>, vector<16xf32>
      %swap3A_196 = arith.constant 32 : index
      %swap3A_197 = tpu.vector_load %arg13[%swap3A_196] {strides = array<i32>} : memref<128xf32, #tpu.memory_space<vmem>>, vector<16xf32>,
      %swap3A_198 = vector.shape_cast %swap3A_197 : vector<16xf32> to vector<16xf32>
      %swap3A_199 = vector.shape_cast %select_n3A_195 : vector<16xf32> to vector<16xf32>
      tpu.vector_store %arg13[%swap3A_196], %swap3A_199 {strides = array<i32>} : memref<128xf32, #tpu.memory_space<vmem>>, vector<16xf32>,
      %get3A_200 = arith.constant 48 : index
      %get3A_201 = tpu.vector_load %arg9[%get3A_200] {strides = array<i32>} : memref<128xi32, #tpu.memory_space<vmem>>, vector<16xi32>,
      %get3A_202 = vector.shape_cast %get3A_201 : vector<16xi32> to vector<16xi32>
      %get3A_203 = arith.constant 48 : index
      %get3A_204 = tpu.vector_load %arg10[%get3A_203] {strides = array<i32>} : memref<128xi32, #tpu.memory_space<vmem>>, vector<16xi32>,
      %get3A_205 = vector.shape_cast %get3A_204 : vector<16xi32> to vector<16xi32>
      %lt3A_206 = arith.constant 2 : i32
      %lt3A_207 = vector.broadcast %lt3A_206 : i32 to vector<16xi32>
      %lt3A_208 = arith.cmpi slt, %get3A_205, %lt3A_207 : vector<16xi32>
      %mul3A_209 = arith.constant 2 : i32
      %mul3A_210 = vector.broadcast %mul3A_209 : i32 to vector<16xi32>
      %mul3A_211 = arith.muli %get3A_202, %mul3A_210 : vector<16xi32>
      %add3A_212 = arith.addi %mul3A_211, %get3A_205 : vector<16xi32>
      %jit3A_213 = arith.constant -1 : i32
      %broadcast_in_dim3A_214 = vector.broadcast %jit3A_213 : i32 to vector<16xi32>
      %select_n3A_215 = arith.select %lt3A_208, %add3A_212, %broadcast_in_dim3A_214 : vector<16xi1>, vector<16xi32>
      %swap3A_216 = arith.constant 48 : index
      %swap3A_217 = tpu.vector_load %arg12[%swap3A_216] {strides = array<i32>} : memref<128xi32, #tpu.memory_space<vmem>>, vector<16xi32>,
      %swap3A_218 = vector.shape_cast %swap3A_217 : vector<16xi32> to vector<16xi32>
      %swap3A_219 = vector.shape_cast %select_n3A_215 : vector<16xi32> to vector<16xi32>
      tpu.vector_store %arg12[%swap3A_216], %swap3A_219 {strides = array<i32>} : memref<128xi32, #tpu.memory_space<vmem>>, vector<16xi32>,
      %select_n3A_220 = arith.select %lt3A_208, %broadcast_in_dim3A_126, %broadcast_in_dim3A_128 : vector<16xi1>, vector<16xf32>
      %swap3A_221 = arith.constant 48 : index
      %swap3A_222 = tpu.vector_load %arg13[%swap3A_221] {strides = array<i32>} : memref<128xf32, #tpu.memory_space<vmem>>, vector<16xf32>,
      %swap3A_223 = vector.shape_cast %swap3A_222 : vector<16xf32> to vector<16xf32>
      %swap3A_224 = vector.shape_cast %select_n3A_220 : vector<16xf32> to vector<16xf32>
      tpu.vector_store %arg13[%swap3A_221], %swap3A_224 {strides = array<i32>} : memref<128xf32, #tpu.memory_space<vmem>>, vector<16xf32>,
      %get3A_225 = arith.constant 64 : index
      %get3A_226 = tpu.vector_load %arg9[%get3A_225] {strides = array<i32>} : memref<128xi32, #tpu.memory_space<vmem>>, vector<16xi32>,
      %get3A_227 = vector.shape_cast %get3A_226 : vector<16xi32> to vector<16xi32>
      %get3A_228 = arith.constant 64 : index
      %get3A_229 = tpu.vector_load %arg10[%get3A_228] {strides = array<i32>} : memref<128xi32, #tpu.memory_space<vmem>>, vector<16xi32>,
      %get3A_230 = vector.shape_cast %get3A_229 : vector<16xi32> to vector<16xi32>
      %lt3A_231 = arith.constant 2 : i32
      %lt3A_232 = vector.broadcast %lt3A_231 : i32 to vector<16xi32>
      %lt3A_233 = arith.cmpi slt, %get3A_230, %lt3A_232 : vector<16xi32>
      %mul3A_234 = arith.constant 2 : i32
      %mul3A_235 = vector.broadcast %mul3A_234 : i32 to vector<16xi32>
      %mul3A_236 = arith.muli %get3A_227, %mul3A_235 : vector<16xi32>
      %add3A_237 = arith.addi %mul3A_236, %get3A_230 : vector<16xi32>
      %jit3A_238 = arith.constant -1 : i32
      %broadcast_in_dim3A_239 = vector.broadcast %jit3A_238 : i32 to vector<16xi32>
      %select_n3A_240 = arith.select %lt3A_233, %add3A_237, %broadcast_in_dim3A_239 : vector<16xi1>, vector<16xi32>
      %swap3A_241 = arith.constant 64 : index
      %swap3A_242 = tpu.vector_load %arg12[%swap3A_241] {strides = array<i32>} : memref<128xi32, #tpu.memory_space<vmem>>, vector<16xi32>,
      %swap3A_243 = vector.shape_cast %swap3A_242 : vector<16xi32> to vector<16xi32>
      %swap3A_244 = vector.shape_cast %select_n3A_240 : vector<16xi32> to vector<16xi32>
      tpu.vector_store %arg12[%swap3A_241], %swap3A_244 {strides = array<i32>} : memref<128xi32, #tpu.memory_space<vmem>>, vector<16xi32>,
      %select_n3A_245 = arith.select %lt3A_233, %broadcast_in_dim3A_126, %broadcast_in_dim3A_128 : vector<16xi1>, vector<16xf32>
      %swap3A_246 = arith.constant 64 : index
      %swap3A_247 = tpu.vector_load %arg13[%swap3A_246] {strides = array<i32>} : memref<128xf32, #tpu.memory_space<vmem>>, vector<16xf32>,
      %swap3A_248 = vector.shape_cast %swap3A_247 : vector<16xf32> to vector<16xf32>
      %swap3A_249 = vector.shape_cast %select_n3A_245 : vector<16xf32> to vector<16xf32>
      tpu.vector_store %arg13[%swap3A_246], %swap3A_249 {strides = array<i32>} : memref<128xf32, #tpu.memory_space<vmem>>, vector<16xf32>,
      %get3A_250 = arith.constant 80 : index
      %get3A_251 = tpu.vector_load %arg9[%get3A_250] {strides = array<i32>} : memref<128xi32, #tpu.memory_space<vmem>>, vector<16xi32>,
      %get3A_252 = vector.shape_cast %get3A_251 : vector<16xi32> to vector<16xi32>
      %get3A_253 = arith.constant 80 : index
      %get3A_254 = tpu.vector_load %arg10[%get3A_253] {strides = array<i32>} : memref<128xi32, #tpu.memory_space<vmem>>, vector<16xi32>,
      %get3A_255 = vector.shape_cast %get3A_254 : vector<16xi32> to vector<16xi32>
      %lt3A_256 = arith.constant 2 : i32
      %lt3A_257 = vector.broadcast %lt3A_256 : i32 to vector<16xi32>
      %lt3A_258 = arith.cmpi slt, %get3A_255, %lt3A_257 : vector<16xi32>
      %mul3A_259 = arith.constant 2 : i32
      %mul3A_260 = vector.broadcast %mul3A_259 : i32 to vector<16xi32>
      %mul3A_261 = arith.muli %get3A_252, %mul3A_260 : vector<16xi32>
      %add3A_262 = arith.addi %mul3A_261, %get3A_255 : vector<16xi32>
      %jit3A_263 = arith.constant -1 : i32
      %broadcast_in_dim3A_264 = vector.broadcast %jit3A_263 : i32 to vector<16xi32>
      %select_n3A_265 = arith.select %lt3A_258, %add3A_262, %broadcast_in_dim3A_264 : vector<16xi1>, vector<16xi32>
      %swap3A_266 = arith.constant 80 : index
      %swap3A_267 = tpu.vector_load %arg12[%swap3A_266] {strides = array<i32>} : memref<128xi32, #tpu.memory_space<vmem>>, vector<16xi32>,
      %swap3A_268 = vector.shape_cast %swap3A_267 : vector<16xi32> to vector<16xi32>
      %swap3A_269 = vector.shape_cast %select_n3A_265 : vector<16xi32> to vector<16xi32>
      tpu.vector_store %arg12[%swap3A_266], %swap3A_269 {strides = array<i32>} : memref<128xi32, #tpu.memory_space<vmem>>, vector<16xi32>,
      %select_n3A_270 = arith.select %lt3A_258, %broadcast_in_dim3A_126, %broadcast_in_dim3A_128 : vector<16xi1>, vector<16xf32>
      %swap3A_271 = arith.constant 80 : index
      %swap3A_272 = tpu.vector_load %arg13[%swap3A_271] {strides = array<i32>} : memref<128xf32, #tpu.memory_space<vmem>>, vector<16xf32>,
      %swap3A_273 = vector.shape_cast %swap3A_272 : vector<16xf32> to vector<16xf32>
      %swap3A_274 = vector.shape_cast %select_n3A_270 : vector<16xf32> to vector<16xf32>
      tpu.vector_store %arg13[%swap3A_271], %swap3A_274 {strides = array<i32>} : memref<128xf32, #tpu.memory_space<vmem>>, vector<16xf32>,
      %get3A_275 = arith.constant 96 : index
      %get3A_276 = tpu.vector_load %arg9[%get3A_275] {strides = array<i32>} : memref<128xi32, #tpu.memory_space<vmem>>, vector<16xi32>,
      %get3A_277 = vector.shape_cast %get3A_276 : vector<16xi32> to vector<16xi32>
      %get3A_278 = arith.constant 96 : index
      %get3A_279 = tpu.vector_load %arg10[%get3A_278] {strides = array<i32>} : memref<128xi32, #tpu.memory_space<vmem>>, vector<16xi32>,
      %get3A_280 = vector.shape_cast %get3A_279 : vector<16xi32> to vector<16xi32>
      %lt3A_281 = arith.constant 2 : i32
      %lt3A_282 = vector.broadcast %lt3A_281 : i32 to vector<16xi32>
      %lt3A_283 = arith.cmpi slt, %get3A_280, %lt3A_282 : vector<16xi32>
      %mul3A_284 = arith.constant 2 : i32
      %mul3A_285 = vector.broadcast %mul3A_284 : i32 to vector<16xi32>
      %mul3A_286 = arith.muli %get3A_277, %mul3A_285 : vector<16xi32>
      %add3A_287 = arith.addi %mul3A_286, %get3A_280 : vector<16xi32>
      %jit3A_288 = arith.constant -1 : i32
      %broadcast_in_dim3A_289 = vector.broadcast %jit3A_288 : i32 to vector<16xi32>
      %select_n3A_290 = arith.select %lt3A_283, %add3A_287, %broadcast_in_dim3A_289 : vector<16xi1>, vector<16xi32>
      %swap3A_291 = arith.constant 96 : index
      %swap3A_292 = tpu.vector_load %arg12[%swap3A_291] {strides = array<i32>} : memref<128xi32, #tpu.memory_space<vmem>>, vector<16xi32>,
      %swap3A_293 = vector.shape_cast %swap3A_292 : vector<16xi32> to vector<16xi32>
      %swap3A_294 = vector.shape_cast %select_n3A_290 : vector<16xi32> to vector<16xi32>
      tpu.vector_store %arg12[%swap3A_291], %swap3A_294 {strides = array<i32>} : memref<128xi32, #tpu.memory_space<vmem>>, vector<16xi32>,
      %select_n3A_295 = arith.select %lt3A_283, %broadcast_in_dim3A_126, %broadcast_in_dim3A_128 : vector<16xi1>, vector<16xf32>
      %swap3A_296 = arith.constant 96 : index
      %swap3A_297 = tpu.vector_load %arg13[%swap3A_296] {strides = array<i32>} : memref<128xf32, #tpu.memory_space<vmem>>, vector<16xf32>,
      %swap3A_298 = vector.shape_cast %swap3A_297 : vector<16xf32> to vector<16xf32>
      %swap3A_299 = vector.shape_cast %select_n3A_295 : vector<16xf32> to vector<16xf32>
      tpu.vector_store %arg13[%swap3A_296], %swap3A_299 {strides = array<i32>} : memref<128xf32, #tpu.memory_space<vmem>>, vector<16xf32>,
      %get3A_300 = arith.constant 112 : index
      %get3A_301 = tpu.vector_load %arg9[%get3A_300] {strides = array<i32>} : memref<128xi32, #tpu.memory_space<vmem>>, vector<16xi32>,
      %get3A_302 = vector.shape_cast %get3A_301 : vector<16xi32> to vector<16xi32>
      %get3A_303 = arith.constant 112 : index
      %get3A_304 = tpu.vector_load %arg10[%get3A_303] {strides = array<i32>} : memref<128xi32, #tpu.memory_space<vmem>>, vector<16xi32>,
      %get3A_305 = vector.shape_cast %get3A_304 : vector<16xi32> to vector<16xi32>
      %lt3A_306 = arith.constant 2 : i32
      %lt3A_307 = vector.broadcast %lt3A_306 : i32 to vector<16xi32>
      %lt3A_308 = arith.cmpi slt, %get3A_305, %lt3A_307 : vector<16xi32>
      %mul3A_309 = arith.constant 2 : i32
      %mul3A_310 = vector.broadcast %mul3A_309 : i32 to vector<16xi32>
      %mul3A_311 = arith.muli %get3A_302, %mul3A_310 : vector<16xi32>
      %add3A_312 = arith.addi %mul3A_311, %get3A_305 : vector<16xi32>
      %jit3A_313 = arith.constant -1 : i32
      %broadcast_in_dim3A_314 = vector.broadcast %jit3A_313 : i32 to vector<16xi32>
      %select_n3A_315 = arith.select %lt3A_308, %add3A_312, %broadcast_in_dim3A_314 : vector<16xi1>, vector<16xi32>
      %swap3A_316 = arith.constant 112 : index
      %swap3A_317 = tpu.vector_load %arg12[%swap3A_316] {strides = array<i32>} : memref<128xi32, #tpu.memory_space<vmem>>, vector<16xi32>,
      %swap3A_318 = vector.shape_cast %swap3A_317 : vector<16xi32> to vector<16xi32>
      %swap3A_319 = vector.shape_cast %select_n3A_315 : vector<16xi32> to vector<16xi32>
      tpu.vector_store %arg12[%swap3A_316], %swap3A_319 {strides = array<i32>} : memref<128xi32, #tpu.memory_space<vmem>>, vector<16xi32>,
      %select_n3A_320 = arith.select %lt3A_308, %broadcast_in_dim3A_126, %broadcast_in_dim3A_128 : vector<16xi1>, vector<16xf32>
      %swap3A_321 = arith.constant 112 : index
      %swap3A_322 = tpu.vector_load %arg13[%swap3A_321] {strides = array<i32>} : memref<128xf32, #tpu.memory_space<vmem>>, vector<16xf32>,
      %swap3A_323 = vector.shape_cast %swap3A_322 : vector<16xf32> to vector<16xf32>
      %swap3A_324 = vector.shape_cast %select_n3A_320 : vector<16xf32> to vector<16xf32>
      tpu.vector_store %arg13[%swap3A_321], %swap3A_324 {strides = array<i32>} : memref<128xf32, #tpu.memory_space<vmem>>, vector<16xf32>,
      %get3A_325 = arith.constant 0 : index
      %get3A_326 = tpu.vector_load %arg14[%get3A_325] {strides = array<i32>} : memref<128xi32, #tpu.memory_space<vmem>>, vector<16xi32>,
      %get3A_327 = vector.shape_cast %get3A_326 : vector<16xi32> to vector<16xi32>
      %get3A_328 = arith.constant 0 : index
      %get3A_329 = tpu.vector_load %arg15[%get3A_328] {strides = array<i32>} : memref<128xi32, #tpu.memory_space<vmem>>, vector<16xi32>,
      %get3A_330 = vector.shape_cast %get3A_329 : vector<16xi32> to vector<16xi32>
      %lt3A_331 = arith.constant 2 : i32
      %lt3A_332 = vector.broadcast %lt3A_331 : i32 to vector<16xi32>
      %lt3A_333 = arith.cmpi slt, %get3A_330, %lt3A_332 : vector<16xi32>
      %mul3A_334 = arith.constant 2 : i32
      %mul3A_335 = vector.broadcast %mul3A_334 : i32 to vector<16xi32>
      %mul3A_336 = arith.muli %get3A_327, %mul3A_335 : vector<16xi32>
      %add3A_337 = arith.addi %mul3A_336, %get3A_330 : vector<16xi32>
      %jit3A_338 = arith.constant -1 : i32
      %broadcast_in_dim3A_339 = vector.broadcast %jit3A_338 : i32 to vector<16xi32>
      %select_n3A_340 = arith.select %lt3A_333, %add3A_337, %broadcast_in_dim3A_339 : vector<16xi1>, vector<16xi32>
      %swap3A_341 = arith.constant 0 : index
      %swap3A_342 = tpu.vector_load %arg17[%swap3A_341] {strides = array<i32>} : memref<128xi32, #tpu.memory_space<vmem>>, vector<16xi32>,
      %swap3A_343 = vector.shape_cast %swap3A_342 : vector<16xi32> to vector<16xi32>
      %swap3A_344 = vector.shape_cast %select_n3A_340 : vector<16xi32> to vector<16xi32>
      tpu.vector_store %arg17[%swap3A_341], %swap3A_344 {strides = array<i32>} : memref<128xi32, #tpu.memory_space<vmem>>, vector<16xi32>,
      %select_n3A_345 = arith.select %lt3A_333, %broadcast_in_dim3A_126, %broadcast_in_dim3A_128 : vector<16xi1>, vector<16xf32>
      %swap3A_346 = arith.constant 0 : index
      %swap3A_347 = tpu.vector_load %arg18[%swap3A_346] {strides = array<i32>} : memref<128xf32, #tpu.memory_space<vmem>>, vector<16xf32>,
      %swap3A_348 = vector.shape_cast %swap3A_347 : vector<16xf32> to vector<16xf32>
      %swap3A_349 = vector.shape_cast %select_n3A_345 : vector<16xf32> to vector<16xf32>
      tpu.vector_store %arg18[%swap3A_346], %swap3A_349 {strides = array<i32>} : memref<128xf32, #tpu.memory_space<vmem>>, vector<16xf32>,
      %get3A_350 = arith.constant 16 : index
      %get3A_351 = tpu.vector_load %arg14[%get3A_350] {strides = array<i32>} : memref<128xi32, #tpu.memory_space<vmem>>, vector<16xi32>,
      %get3A_352 = vector.shape_cast %get3A_351 : vector<16xi32> to vector<16xi32>
      %get3A_353 = arith.constant 16 : index
      %get3A_354 = tpu.vector_load %arg15[%get3A_353] {strides = array<i32>} : memref<128xi32, #tpu.memory_space<vmem>>, vector<16xi32>,
      %get3A_355 = vector.shape_cast %get3A_354 : vector<16xi32> to vector<16xi32>
      %lt3A_356 = arith.constant 2 : i32
      %lt3A_357 = vector.broadcast %lt3A_356 : i32 to vector<16xi32>
      %lt3A_358 = arith.cmpi slt, %get3A_355, %lt3A_357 : vector<16xi32>
      %mul3A_359 = arith.constant 2 : i32
      %mul3A_360 = vector.broadcast %mul3A_359 : i32 to vector<16xi32>
      %mul3A_361 = arith.muli %get3A_352, %mul3A_360 : vector<16xi32>
      %add3A_362 = arith.addi %mul3A_361, %get3A_355 : vector<16xi32>
      %jit3A_363 = arith.constant -1 : i32
      %broadcast_in_dim3A_364 = vector.broadcast %jit3A_363 : i32 to vector<16xi32>
      %select_n3A_365 = arith.select %lt3A_358, %add3A_362, %broadcast_in_dim3A_364 : vector<16xi1>, vector<16xi32>
      %swap3A_366 = arith.constant 16 : index
      %swap3A_367 = tpu.vector_load %arg17[%swap3A_366] {strides = array<i32>} : memref<128xi32, #tpu.memory_space<vmem>>, vector<16xi32>,
      %swap3A_368 = vector.shape_cast %swap3A_367 : vector<16xi32> to vector<16xi32>
      %swap3A_369 = vector.shape_cast %select_n3A_365 : vector<16xi32> to vector<16xi32>
      tpu.vector_store %arg17[%swap3A_366], %swap3A_369 {strides = array<i32>} : memref<128xi32, #tpu.memory_space<vmem>>, vector<16xi32>,
      %select_n3A_370 = arith.select %lt3A_358, %broadcast_in_dim3A_126, %broadcast_in_dim3A_128 : vector<16xi1>, vector<16xf32>
      %swap3A_371 = arith.constant 16 : index
      %swap3A_372 = tpu.vector_load %arg18[%swap3A_371] {strides = array<i32>} : memref<128xf32, #tpu.memory_space<vmem>>, vector<16xf32>,
      %swap3A_373 = vector.shape_cast %swap3A_372 : vector<16xf32> to vector<16xf32>
      %swap3A_374 = vector.shape_cast %select_n3A_370 : vector<16xf32> to vector<16xf32>
      tpu.vector_store %arg18[%swap3A_371], %swap3A_374 {strides = array<i32>} : memref<128xf32, #tpu.memory_space<vmem>>, vector<16xf32>,
      %get3A_375 = arith.constant 32 : index
      %get3A_376 = tpu.vector_load %arg14[%get3A_375] {strides = array<i32>} : memref<128xi32, #tpu.memory_space<vmem>>, vector<16xi32>,
      %get3A_377 = vector.shape_cast %get3A_376 : vector<16xi32> to vector<16xi32>
      %get3A_378 = arith.constant 32 : index
      %get3A_379 = tpu.vector_load %arg15[%get3A_378] {strides = array<i32>} : memref<128xi32, #tpu.memory_space<vmem>>, vector<16xi32>,
      %get3A_380 = vector.shape_cast %get3A_379 : vector<16xi32> to vector<16xi32>
      %lt3A_381 = arith.constant 2 : i32
      %lt3A_382 = vector.broadcast %lt3A_381 : i32 to vector<16xi32>
      %lt3A_383 = arith.cmpi slt, %get3A_380, %lt3A_382 : vector<16xi32>
      %mul3A_384 = arith.constant 2 : i32
      %mul3A_385 = vector.broadcast %mul3A_384 : i32 to vector<16xi32>
      %mul3A_386 = arith.muli %get3A_377, %mul3A_385 : vector<16xi32>
      %add3A_387 = arith.addi %mul3A_386, %get3A_380 : vector<16xi32>
      %jit3A_388 = arith.constant -1 : i32
      %broadcast_in_dim3A_389 = vector.broadcast %jit3A_388 : i32 to vector<16xi32>
      %select_n3A_390 = arith.select %lt3A_383, %add3A_387, %broadcast_in_dim3A_389 : vector<16xi1>, vector<16xi32>
      %swap3A_391 = arith.constant 32 : index
      %swap3A_392 = tpu.vector_load %arg17[%swap3A_391] {strides = array<i32>} : memref<128xi32, #tpu.memory_space<vmem>>, vector<16xi32>,
      %swap3A_393 = vector.shape_cast %swap3A_392 : vector<16xi32> to vector<16xi32>
      %swap3A_394 = vector.shape_cast %select_n3A_390 : vector<16xi32> to vector<16xi32>
      tpu.vector_store %arg17[%swap3A_391], %swap3A_394 {strides = array<i32>} : memref<128xi32, #tpu.memory_space<vmem>>, vector<16xi32>,
      %select_n3A_395 = arith.select %lt3A_383, %broadcast_in_dim3A_126, %broadcast_in_dim3A_128 : vector<16xi1>, vector<16xf32>
      %swap3A_396 = arith.constant 32 : index
      %swap3A_397 = tpu.vector_load %arg18[%swap3A_396] {strides = array<i32>} : memref<128xf32, #tpu.memory_space<vmem>>, vector<16xf32>,
      %swap3A_398 = vector.shape_cast %swap3A_397 : vector<16xf32> to vector<16xf32>
      %swap3A_399 = vector.shape_cast %select_n3A_395 : vector<16xf32> to vector<16xf32>
      tpu.vector_store %arg18[%swap3A_396], %swap3A_399 {strides = array<i32>} : memref<128xf32, #tpu.memory_space<vmem>>, vector<16xf32>,
      %get3A_400 = arith.constant 48 : index
      %get3A_401 = tpu.vector_load %arg14[%get3A_400] {strides = array<i32>} : memref<128xi32, #tpu.memory_space<vmem>>, vector<16xi32>,
      %get3A_402 = vector.shape_cast %get3A_401 : vector<16xi32> to vector<16xi32>
      %get3A_403 = arith.constant 48 : index
      %get3A_404 = tpu.vector_load %arg15[%get3A_403] {strides = array<i32>} : memref<128xi32, #tpu.memory_space<vmem>>, vector<16xi32>,
      %get3A_405 = vector.shape_cast %get3A_404 : vector<16xi32> to vector<16xi32>
      %lt3A_406 = arith.constant 2 : i32
      %lt3A_407 = vector.broadcast %lt3A_406 : i32 to vector<16xi32>
      %lt3A_408 = arith.cmpi slt, %get3A_405, %lt3A_407 : vector<16xi32>
      %mul3A_409 = arith.constant 2 : i32
      %mul3A_410 = vector.broadcast %mul3A_409 : i32 to vector<16xi32>
      %mul3A_411 = arith.muli %get3A_402, %mul3A_410 : vector<16xi32>
      %add3A_412 = arith.addi %mul3A_411, %get3A_405 : vector<16xi32>
      %jit3A_413 = arith.constant -1 : i32
      %broadcast_in_dim3A_414 = vector.broadcast %jit3A_413 : i32 to vector<16xi32>
      %select_n3A_415 = arith.select %lt3A_408, %add3A_412, %broadcast_in_dim3A_414 : vector<16xi1>, vector<16xi32>
      %swap3A_416 = arith.constant 48 : index
      %swap3A_417 = tpu.vector_load %arg17[%swap3A_416] {strides = array<i32>} : memref<128xi32, #tpu.memory_space<vmem>>, vector<16xi32>,
      %swap3A_418 = vector.shape_cast %swap3A_417 : vector<16xi32> to vector<16xi32>
      %swap3A_419 = vector.shape_cast %select_n3A_415 : vector<16xi32> to vector<16xi32>
      tpu.vector_store %arg17[%swap3A_416], %swap3A_419 {strides = array<i32>} : memref<128xi32, #tpu.memory_space<vmem>>, vector<16xi32>,
      %select_n3A_420 = arith.select %lt3A_408, %broadcast_in_dim3A_126, %broadcast_in_dim3A_128 : vector<16xi1>, vector<16xf32>
      %swap3A_421 = arith.constant 48 : index
      %swap3A_422 = tpu.vector_load %arg18[%swap3A_421] {strides = array<i32>} : memref<128xf32, #tpu.memory_space<vmem>>, vector<16xf32>,
      %swap3A_423 = vector.shape_cast %swap3A_422 : vector<16xf32> to vector<16xf32>
      %swap3A_424 = vector.shape_cast %select_n3A_420 : vector<16xf32> to vector<16xf32>
      tpu.vector_store %arg18[%swap3A_421], %swap3A_424 {strides = array<i32>} : memref<128xf32, #tpu.memory_space<vmem>>, vector<16xf32>,
      %get3A_425 = arith.constant 64 : index
      %get3A_426 = tpu.vector_load %arg14[%get3A_425] {strides = array<i32>} : memref<128xi32, #tpu.memory_space<vmem>>, vector<16xi32>,
      %get3A_427 = vector.shape_cast %get3A_426 : vector<16xi32> to vector<16xi32>
      %get3A_428 = arith.constant 64 : index
      %get3A_429 = tpu.vector_load %arg15[%get3A_428] {strides = array<i32>} : memref<128xi32, #tpu.memory_space<vmem>>, vector<16xi32>,
      %get3A_430 = vector.shape_cast %get3A_429 : vector<16xi32> to vector<16xi32>
      %lt3A_431 = arith.constant 2 : i32
      %lt3A_432 = vector.broadcast %lt3A_431 : i32 to vector<16xi32>
      %lt3A_433 = arith.cmpi slt, %get3A_430, %lt3A_432 : vector<16xi32>
      %mul3A_434 = arith.constant 2 : i32
      %mul3A_435 = vector.broadcast %mul3A_434 : i32 to vector<16xi32>
      %mul3A_436 = arith.muli %get3A_427, %mul3A_435 : vector<16xi32>
      %add3A_437 = arith.addi %mul3A_436, %get3A_430 : vector<16xi32>
      %jit3A_438 = arith.constant -1 : i32
      %broadcast_in_dim3A_439 = vector.broadcast %jit3A_438 : i32 to vector<16xi32>
      %select_n3A_440 = arith.select %lt3A_433, %add3A_437, %broadcast_in_dim3A_439 : vector<16xi1>, vector<16xi32>
      %swap3A_441 = arith.constant 64 : index
      %swap3A_442 = tpu.vector_load %arg17[%swap3A_441] {strides = array<i32>} : memref<128xi32, #tpu.memory_space<vmem>>, vector<16xi32>,
      %swap3A_443 = vector.shape_cast %swap3A_442 : vector<16xi32> to vector<16xi32>
      %swap3A_444 = vector.shape_cast %select_n3A_440 : vector<16xi32> to vector<16xi32>
      tpu.vector_store %arg17[%swap3A_441], %swap3A_444 {strides = array<i32>} : memref<128xi32, #tpu.memory_space<vmem>>, vector<16xi32>,
      %select_n3A_445 = arith.select %lt3A_433, %broadcast_in_dim3A_126, %broadcast_in_dim3A_128 : vector<16xi1>, vector<16xf32>
      %swap3A_446 = arith.constant 64 : index
      %swap3A_447 = tpu.vector_load %arg18[%swap3A_446] {strides = array<i32>} : memref<128xf32, #tpu.memory_space<vmem>>, vector<16xf32>,
      %swap3A_448 = vector.shape_cast %swap3A_447 : vector<16xf32> to vector<16xf32>
      %swap3A_449 = vector.shape_cast %select_n3A_445 : vector<16xf32> to vector<16xf32>
      tpu.vector_store %arg18[%swap3A_446], %swap3A_449 {strides = array<i32>} : memref<128xf32, #tpu.memory_space<vmem>>, vector<16xf32>,
      %get3A_450 = arith.constant 80 : index
      %get3A_451 = tpu.vector_load %arg14[%get3A_450] {strides = array<i32>} : memref<128xi32, #tpu.memory_space<vmem>>, vector<16xi32>,
      %get3A_452 = vector.shape_cast %get3A_451 : vector<16xi32> to vector<16xi32>
      %get3A_453 = arith.constant 80 : index
      %get3A_454 = tpu.vector_load %arg15[%get3A_453] {strides = array<i32>} : memref<128xi32, #tpu.memory_space<vmem>>, vector<16xi32>,
      %get3A_455 = vector.shape_cast %get3A_454 : vector<16xi32> to vector<16xi32>
      %lt3A_456 = arith.constant 2 : i32
      %lt3A_457 = vector.broadcast %lt3A_456 : i32 to vector<16xi32>
      %lt3A_458 = arith.cmpi slt, %get3A_455, %lt3A_457 : vector<16xi32>
      %mul3A_459 = arith.constant 2 : i32
      %mul3A_460 = vector.broadcast %mul3A_459 : i32 to vector<16xi32>
      %mul3A_461 = arith.muli %get3A_452, %mul3A_460 : vector<16xi32>
      %add3A_462 = arith.addi %mul3A_461, %get3A_455 : vector<16xi32>
      %jit3A_463 = arith.constant -1 : i32
      %broadcast_in_dim3A_464 = vector.broadcast %jit3A_463 : i32 to vector<16xi32>
      %select_n3A_465 = arith.select %lt3A_458, %add3A_462, %broadcast_in_dim3A_464 : vector<16xi1>, vector<16xi32>
      %swap3A_466 = arith.constant 80 : index
      %swap3A_467 = tpu.vector_load %arg17[%swap3A_466] {strides = array<i32>} : memref<128xi32, #tpu.memory_space<vmem>>, vector<16xi32>,
      %swap3A_468 = vector.shape_cast %swap3A_467 : vector<16xi32> to vector<16xi32>
      %swap3A_469 = vector.shape_cast %select_n3A_465 : vector<16xi32> to vector<16xi32>
      tpu.vector_store %arg17[%swap3A_466], %swap3A_469 {strides = array<i32>} : memref<128xi32, #tpu.memory_space<vmem>>, vector<16xi32>,
      %select_n3A_470 = arith.select %lt3A_458, %broadcast_in_dim3A_126, %broadcast_in_dim3A_128 : vector<16xi1>, vector<16xf32>
      %swap3A_471 = arith.constant 80 : index
      %swap3A_472 = tpu.vector_load %arg18[%swap3A_471] {strides = array<i32>} : memref<128xf32, #tpu.memory_space<vmem>>, vector<16xf32>,
      %swap3A_473 = vector.shape_cast %swap3A_472 : vector<16xf32> to vector<16xf32>
      %swap3A_474 = vector.shape_cast %select_n3A_470 : vector<16xf32> to vector<16xf32>
      tpu.vector_store %arg18[%swap3A_471], %swap3A_474 {strides = array<i32>} : memref<128xf32, #tpu.memory_space<vmem>>, vector<16xf32>,
      %get3A_475 = arith.constant 96 : index
      %get3A_476 = tpu.vector_load %arg14[%get3A_475] {strides = array<i32>} : memref<128xi32, #tpu.memory_space<vmem>>, vector<16xi32>,
      %get3A_477 = vector.shape_cast %get3A_476 : vector<16xi32> to vector<16xi32>
      %get3A_478 = arith.constant 96 : index
      %get3A_479 = tpu.vector_load %arg15[%get3A_478] {strides = array<i32>} : memref<128xi32, #tpu.memory_space<vmem>>, vector<16xi32>,
      %get3A_480 = vector.shape_cast %get3A_479 : vector<16xi32> to vector<16xi32>
      %lt3A_481 = arith.constant 2 : i32
      %lt3A_482 = vector.broadcast %lt3A_481 : i32 to vector<16xi32>
      %lt3A_483 = arith.cmpi slt, %get3A_480, %lt3A_482 : vector<16xi32>
      %mul3A_484 = arith.constant 2 : i32
      %mul3A_485 = vector.broadcast %mul3A_484 : i32 to vector<16xi32>
      %mul3A_486 = arith.muli %get3A_477, %mul3A_485 : vector<16xi32>
      %add3A_487 = arith.addi %mul3A_486, %get3A_480 : vector<16xi32>
      %jit3A_488 = arith.constant -1 : i32
      %broadcast_in_dim3A_489 = vector.broadcast %jit3A_488 : i32 to vector<16xi32>
      %select_n3A_490 = arith.select %lt3A_483, %add3A_487, %broadcast_in_dim3A_489 : vector<16xi1>, vector<16xi32>
      %swap3A_491 = arith.constant 96 : index
      %swap3A_492 = tpu.vector_load %arg17[%swap3A_491] {strides = array<i32>} : memref<128xi32, #tpu.memory_space<vmem>>, vector<16xi32>,
      %swap3A_493 = vector.shape_cast %swap3A_492 : vector<16xi32> to vector<16xi32>
      %swap3A_494 = vector.shape_cast %select_n3A_490 : vector<16xi32> to vector<16xi32>
      tpu.vector_store %arg17[%swap3A_491], %swap3A_494 {strides = array<i32>} : memref<128xi32, #tpu.memory_space<vmem>>, vector<16xi32>,
      %select_n3A_495 = arith.select %lt3A_483, %broadcast_in_dim3A_126, %broadcast_in_dim3A_128 : vector<16xi1>, vector<16xf32>
      %swap3A_496 = arith.constant 96 : index
      %swap3A_497 = tpu.vector_load %arg18[%swap3A_496] {strides = array<i32>} : memref<128xf32, #tpu.memory_space<vmem>>, vector<16xf32>,
      %swap3A_498 = vector.shape_cast %swap3A_497 : vector<16xf32> to vector<16xf32>
      %swap3A_499 = vector.shape_cast %select_n3A_495 : vector<16xf32> to vector<16xf32>
      tpu.vector_store %arg18[%swap3A_496], %swap3A_499 {strides = array<i32>} : memref<128xf32, #tpu.memory_space<vmem>>, vector<16xf32>,
      %get3A_500 = arith.constant 112 : index
      %get3A_501 = tpu.vector_load %arg14[%get3A_500] {strides = array<i32>} : memref<128xi32, #tpu.memory_space<vmem>>, vector<16xi32>,
      %get3A_502 = vector.shape_cast %get3A_501 : vector<16xi32> to vector<16xi32>
      %get3A_503 = arith.constant 112 : index
      %get3A_504 = tpu.vector_load %arg15[%get3A_503] {strides = array<i32>} : memref<128xi32, #tpu.memory_space<vmem>>, vector<16xi32>,
      %get3A_505 = vector.shape_cast %get3A_504 : vector<16xi32> to vector<16xi32>
      %lt3A_506 = arith.constant 2 : i32
      %lt3A_507 = vector.broadcast %lt3A_506 : i32 to vector<16xi32>
      %lt3A_508 = arith.cmpi slt, %get3A_505, %lt3A_507 : vector<16xi32>
      %mul3A_509 = arith.constant 2 : i32
      %mul3A_510 = vector.broadcast %mul3A_509 : i32 to vector<16xi32>
      %mul3A_511 = arith.muli %get3A_502, %mul3A_510 : vector<16xi32>
      %add3A_512 = arith.addi %mul3A_511, %get3A_505 : vector<16xi32>
      %jit3A_513 = arith.constant -1 : i32
      %broadcast_in_dim3A_514 = vector.broadcast %jit3A_513 : i32 to vector<16xi32>
      %select_n3A_515 = arith.select %lt3A_508, %add3A_512, %broadcast_in_dim3A_514 : vector<16xi1>, vector<16xi32>
      %swap3A_516 = arith.constant 112 : index
      %swap3A_517 = tpu.vector_load %arg17[%swap3A_516] {strides = array<i32>} : memref<128xi32, #tpu.memory_space<vmem>>, vector<16xi32>,
      %swap3A_518 = vector.shape_cast %swap3A_517 : vector<16xi32> to vector<16xi32>
      %swap3A_519 = vector.shape_cast %select_n3A_515 : vector<16xi32> to vector<16xi32>
      tpu.vector_store %arg17[%swap3A_516], %swap3A_519 {strides = array<i32>} : memref<128xi32, #tpu.memory_space<vmem>>, vector<16xi32>,
      %select_n3A_520 = arith.select %lt3A_508, %broadcast_in_dim3A_126, %broadcast_in_dim3A_128 : vector<16xi1>, vector<16xf32>
      %swap3A_521 = arith.constant 112 : index
      %swap3A_522 = tpu.vector_load %arg18[%swap3A_521] {strides = array<i32>} : memref<128xf32, #tpu.memory_space<vmem>>, vector<16xf32>,
      %swap3A_523 = vector.shape_cast %swap3A_522 : vector<16xf32> to vector<16xf32>
      %swap3A_524 = vector.shape_cast %select_n3A_520 : vector<16xf32> to vector<16xf32>
      tpu.vector_store %arg18[%swap3A_521], %swap3A_524 {strides = array<i32>} : memref<128xf32, #tpu.memory_space<vmem>>, vector<16xf32>,
      %get3A_525 = arith.constant 0 : index
      %get3A_526 = tpu.vector_load %arg19[%get3A_525] {strides = array<i32>} : memref<128xi32, #tpu.memory_space<vmem>>, vector<16xi32>,
      %get3A_527 = vector.shape_cast %get3A_526 : vector<16xi32> to vector<16xi32>
      %get3A_528 = arith.constant 0 : index
      %get3A_529 = tpu.vector_load %arg20[%get3A_528] {strides = array<i32>} : memref<128xi32, #tpu.memory_space<vmem>>, vector<16xi32>,
      %get3A_530 = vector.shape_cast %get3A_529 : vector<16xi32> to vector<16xi32>
      %lt3A_531 = arith.constant 2 : i32
      %lt3A_532 = vector.broadcast %lt3A_531 : i32 to vector<16xi32>
      %lt3A_533 = arith.cmpi slt, %get3A_530, %lt3A_532 : vector<16xi32>
      %mul3A_534 = arith.constant 2 : i32
      %mul3A_535 = vector.broadcast %mul3A_534 : i32 to vector<16xi32>
      %mul3A_536 = arith.muli %get3A_527, %mul3A_535 : vector<16xi32>
      %add3A_537 = arith.addi %mul3A_536, %get3A_530 : vector<16xi32>
      %jit3A_538 = arith.constant -1 : i32
      %broadcast_in_dim3A_539 = vector.broadcast %jit3A_538 : i32 to vector<16xi32>
      %select_n3A_540 = arith.select %lt3A_533, %add3A_537, %broadcast_in_dim3A_539 : vector<16xi1>, vector<16xi32>
      %swap3A_541 = arith.constant 0 : index
      %swap3A_542 = tpu.vector_load %arg22[%swap3A_541] {strides = array<i32>} : memref<128xi32, #tpu.memory_space<vmem>>, vector<16xi32>,
      %swap3A_543 = vector.shape_cast %swap3A_542 : vector<16xi32> to vector<16xi32>
      %swap3A_544 = vector.shape_cast %select_n3A_540 : vector<16xi32> to vector<16xi32>
      tpu.vector_store %arg22[%swap3A_541], %swap3A_544 {strides = array<i32>} : memref<128xi32, #tpu.memory_space<vmem>>, vector<16xi32>,
      %select_n3A_545 = arith.select %lt3A_533, %broadcast_in_dim3A_126, %broadcast_in_dim3A_128 : vector<16xi1>, vector<16xf32>
      %swap3A_546 = arith.constant 0 : index
      %swap3A_547 = tpu.vector_load %arg23[%swap3A_546] {strides = array<i32>} : memref<128xf32, #tpu.memory_space<vmem>>, vector<16xf32>,
      %swap3A_548 = vector.shape_cast %swap3A_547 : vector<16xf32> to vector<16xf32>
      %swap3A_549 = vector.shape_cast %select_n3A_545 : vector<16xf32> to vector<16xf32>
      tpu.vector_store %arg23[%swap3A_546], %swap3A_549 {strides = array<i32>} : memref<128xf32, #tpu.memory_space<vmem>>, vector<16xf32>,
      %get3A_550 = arith.constant 16 : index
      %get3A_551 = tpu.vector_load %arg19[%get3A_550] {strides = array<i32>} : memref<128xi32, #tpu.memory_space<vmem>>, vector<16xi32>,
      %get3A_552 = vector.shape_cast %get3A_551 : vector<16xi32> to vector<16xi32>
      %get3A_553 = arith.constant 16 : index
      %get3A_554 = tpu.vector_load %arg20[%get3A_553] {strides = array<i32>} : memref<128xi32, #tpu.memory_space<vmem>>, vector<16xi32>,
      %get3A_555 = vector.shape_cast %get3A_554 : vector<16xi32> to vector<16xi32>
      %lt3A_556 = arith.constant 2 : i32
      %lt3A_557 = vector.broadcast %lt3A_556 : i32 to vector<16xi32>
      %lt3A_558 = arith.cmpi slt, %get3A_555, %lt3A_557 : vector<16xi32>
      %mul3A_559 = arith.constant 2 : i32
      %mul3A_560 = vector.broadcast %mul3A_559 : i32 to vector<16xi32>
      %mul3A_561 = arith.muli %get3A_552, %mul3A_560 : vector<16xi32>
      %add3A_562 = arith.addi %mul3A_561, %get3A_555 : vector<16xi32>
      %jit3A_563 = arith.constant -1 : i32
      %broadcast_in_dim3A_564 = vector.broadcast %jit3A_563 : i32 to vector<16xi32>
      %select_n3A_565 = arith.select %lt3A_558, %add3A_562, %broadcast_in_dim3A_564 : vector<16xi1>, vector<16xi32>
      %swap3A_566 = arith.constant 16 : index
      %swap3A_567 = tpu.vector_load %arg22[%swap3A_566] {strides = array<i32>} : memref<128xi32, #tpu.memory_space<vmem>>, vector<16xi32>,
      %swap3A_568 = vector.shape_cast %swap3A_567 : vector<16xi32> to vector<16xi32>
      %swap3A_569 = vector.shape_cast %select_n3A_565 : vector<16xi32> to vector<16xi32>
      tpu.vector_store %arg22[%swap3A_566], %swap3A_569 {strides = array<i32>} : memref<128xi32, #tpu.memory_space<vmem>>, vector<16xi32>,
      %select_n3A_570 = arith.select %lt3A_558, %broadcast_in_dim3A_126, %broadcast_in_dim3A_128 : vector<16xi1>, vector<16xf32>
      %swap3A_571 = arith.constant 16 : index
      %swap3A_572 = tpu.vector_load %arg23[%swap3A_571] {strides = array<i32>} : memref<128xf32, #tpu.memory_space<vmem>>, vector<16xf32>,
      %swap3A_573 = vector.shape_cast %swap3A_572 : vector<16xf32> to vector<16xf32>
      %swap3A_574 = vector.shape_cast %select_n3A_570 : vector<16xf32> to vector<16xf32>
      tpu.vector_store %arg23[%swap3A_571], %swap3A_574 {strides = array<i32>} : memref<128xf32, #tpu.memory_space<vmem>>, vector<16xf32>,
      %get3A_575 = arith.constant 32 : index
      %get3A_576 = tpu.vector_load %arg19[%get3A_575] {strides = array<i32>} : memref<128xi32, #tpu.memory_space<vmem>>, vector<16xi32>,
      %get3A_577 = vector.shape_cast %get3A_576 : vector<16xi32> to vector<16xi32>
      %get3A_578 = arith.constant 32 : index
      %get3A_579 = tpu.vector_load %arg20[%get3A_578] {strides = array<i32>} : memref<128xi32, #tpu.memory_space<vmem>>, vector<16xi32>,
      %get3A_580 = vector.shape_cast %get3A_579 : vector<16xi32> to vector<16xi32>
      %lt3A_581 = arith.constant 2 : i32
      %lt3A_582 = vector.broadcast %lt3A_581 : i32 to vector<16xi32>
      %lt3A_583 = arith.cmpi slt, %get3A_580, %lt3A_582 : vector<16xi32>
      %mul3A_584 = arith.constant 2 : i32
      %mul3A_585 = vector.broadcast %mul3A_584 : i32 to vector<16xi32>
      %mul3A_586 = arith.muli %get3A_577, %mul3A_585 : vector<16xi32>
      %add3A_587 = arith.addi %mul3A_586, %get3A_580 : vector<16xi32>
      %jit3A_588 = arith.constant -1 : i32
      %broadcast_in_dim3A_589 = vector.broadcast %jit3A_588 : i32 to vector<16xi32>
      %select_n3A_590 = arith.select %lt3A_583, %add3A_587, %broadcast_in_dim3A_589 : vector<16xi1>, vector<16xi32>
      %swap3A_591 = arith.constant 32 : index
      %swap3A_592 = tpu.vector_load %arg22[%swap3A_591] {strides = array<i32>} : memref<128xi32, #tpu.memory_space<vmem>>, vector<16xi32>,
      %swap3A_593 = vector.shape_cast %swap3A_592 : vector<16xi32> to vector<16xi32>
      %swap3A_594 = vector.shape_cast %select_n3A_590 : vector<16xi32> to vector<16xi32>
      tpu.vector_store %arg22[%swap3A_591], %swap3A_594 {strides = array<i32>} : memref<128xi32, #tpu.memory_space<vmem>>, vector<16xi32>,
      %select_n3A_595 = arith.select %lt3A_583, %broadcast_in_dim3A_126, %broadcast_in_dim3A_128 : vector<16xi1>, vector<16xf32>
      %swap3A_596 = arith.constant 32 : index
      %swap3A_597 = tpu.vector_load %arg23[%swap3A_596] {strides = array<i32>} : memref<128xf32, #tpu.memory_space<vmem>>, vector<16xf32>,
      %swap3A_598 = vector.shape_cast %swap3A_597 : vector<16xf32> to vector<16xf32>
      %swap3A_599 = vector.shape_cast %select_n3A_595 : vector<16xf32> to vector<16xf32>
      tpu.vector_store %arg23[%swap3A_596], %swap3A_599 {strides = array<i32>} : memref<128xf32, #tpu.memory_space<vmem>>, vector<16xf32>,
      %get3A_600 = arith.constant 48 : index
      %get3A_601 = tpu.vector_load %arg19[%get3A_600] {strides = array<i32>} : memref<128xi32, #tpu.memory_space<vmem>>, vector<16xi32>,
      %get3A_602 = vector.shape_cast %get3A_601 : vector<16xi32> to vector<16xi32>
      %get3A_603 = arith.constant 48 : index
      %get3A_604 = tpu.vector_load %arg20[%get3A_603] {strides = array<i32>} : memref<128xi32, #tpu.memory_space<vmem>>, vector<16xi32>,
      %get3A_605 = vector.shape_cast %get3A_604 : vector<16xi32> to vector<16xi32>
      %lt3A_606 = arith.constant 2 : i32
      %lt3A_607 = vector.broadcast %lt3A_606 : i32 to vector<16xi32>
      %lt3A_608 = arith.cmpi slt, %get3A_605, %lt3A_607 : vector<16xi32>
      %mul3A_609 = arith.constant 2 : i32
      %mul3A_610 = vector.broadcast %mul3A_609 : i32 to vector<16xi32>
      %mul3A_611 = arith.muli %get3A_602, %mul3A_610 : vector<16xi32>
      %add3A_612 = arith.addi %mul3A_611, %get3A_605 : vector<16xi32>
      %jit3A_613 = arith.constant -1 : i32
      %broadcast_in_dim3A_614 = vector.broadcast %jit3A_613 : i32 to vector<16xi32>
      %select_n3A_615 = arith.select %lt3A_608, %add3A_612, %broadcast_in_dim3A_614 : vector<16xi1>, vector<16xi32>
      %swap3A_616 = arith.constant 48 : index
      %swap3A_617 = tpu.vector_load %arg22[%swap3A_616] {strides = array<i32>} : memref<128xi32, #tpu.memory_space<vmem>>, vector<16xi32>,
      %swap3A_618 = vector.shape_cast %swap3A_617 : vector<16xi32> to vector<16xi32>
      %swap3A_619 = vector.shape_cast %select_n3A_615 : vector<16xi32> to vector<16xi32>
      tpu.vector_store %arg22[%swap3A_616], %swap3A_619 {strides = array<i32>} : memref<128xi32, #tpu.memory_space<vmem>>, vector<16xi32>,
      %select_n3A_620 = arith.select %lt3A_608, %broadcast_in_dim3A_126, %broadcast_in_dim3A_128 : vector<16xi1>, vector<16xf32>
      %swap3A_621 = arith.constant 48 : index
      %swap3A_622 = tpu.vector_load %arg23[%swap3A_621] {strides = array<i32>} : memref<128xf32, #tpu.memory_space<vmem>>, vector<16xf32>,
      %swap3A_623 = vector.shape_cast %swap3A_622 : vector<16xf32> to vector<16xf32>
      %swap3A_624 = vector.shape_cast %select_n3A_620 : vector<16xf32> to vector<16xf32>
      tpu.vector_store %arg23[%swap3A_621], %swap3A_624 {strides = array<i32>} : memref<128xf32, #tpu.memory_space<vmem>>, vector<16xf32>,
      %get3A_625 = arith.constant 64 : index
      %get3A_626 = tpu.vector_load %arg19[%get3A_625] {strides = array<i32>} : memref<128xi32, #tpu.memory_space<vmem>>, vector<16xi32>,
      %get3A_627 = vector.shape_cast %get3A_626 : vector<16xi32> to vector<16xi32>
      %get3A_628 = arith.constant 64 : index
      %get3A_629 = tpu.vector_load %arg20[%get3A_628] {strides = array<i32>} : memref<128xi32, #tpu.memory_space<vmem>>, vector<16xi32>,
      %get3A_630 = vector.shape_cast %get3A_629 : vector<16xi32> to vector<16xi32>
      %lt3A_631 = arith.constant 2 : i32
      %lt3A_632 = vector.broadcast %lt3A_631 : i32 to vector<16xi32>
      %lt3A_633 = arith.cmpi slt, %get3A_630, %lt3A_632 : vector<16xi32>
      %mul3A_634 = arith.constant 2 : i32
      %mul3A_635 = vector.broadcast %mul3A_634 : i32 to vector<16xi32>
      %mul3A_636 = arith.muli %get3A_627, %mul3A_635 : vector<16xi32>
      %add3A_637 = arith.addi %mul3A_636, %get3A_630 : vector<16xi32>
      %jit3A_638 = arith.constant -1 : i32
      %broadcast_in_dim3A_639 = vector.broadcast %jit3A_638 : i32 to vector<16xi32>
      %select_n3A_640 = arith.select %lt3A_633, %add3A_637, %broadcast_in_dim3A_639 : vector<16xi1>, vector<16xi32>
      %swap3A_641 = arith.constant 64 : index
      %swap3A_642 = tpu.vector_load %arg22[%swap3A_641] {strides = array<i32>} : memref<128xi32, #tpu.memory_space<vmem>>, vector<16xi32>,
      %swap3A_643 = vector.shape_cast %swap3A_642 : vector<16xi32> to vector<16xi32>
      %swap3A_644 = vector.shape_cast %select_n3A_640 : vector<16xi32> to vector<16xi32>
      tpu.vector_store %arg22[%swap3A_641], %swap3A_644 {strides = array<i32>} : memref<128xi32, #tpu.memory_space<vmem>>, vector<16xi32>,
      %select_n3A_645 = arith.select %lt3A_633, %broadcast_in_dim3A_126, %broadcast_in_dim3A_128 : vector<16xi1>, vector<16xf32>
      %swap3A_646 = arith.constant 64 : index
      %swap3A_647 = tpu.vector_load %arg23[%swap3A_646] {strides = array<i32>} : memref<128xf32, #tpu.memory_space<vmem>>, vector<16xf32>,
      %swap3A_648 = vector.shape_cast %swap3A_647 : vector<16xf32> to vector<16xf32>
      %swap3A_649 = vector.shape_cast %select_n3A_645 : vector<16xf32> to vector<16xf32>
      tpu.vector_store %arg23[%swap3A_646], %swap3A_649 {strides = array<i32>} : memref<128xf32, #tpu.memory_space<vmem>>, vector<16xf32>,
      %get3A_650 = arith.constant 80 : index
      %get3A_651 = tpu.vector_load %arg19[%get3A_650] {strides = array<i32>} : memref<128xi32, #tpu.memory_space<vmem>>, vector<16xi32>,
      %get3A_652 = vector.shape_cast %get3A_651 : vector<16xi32> to vector<16xi32>
      %get3A_653 = arith.constant 80 : index
      %get3A_654 = tpu.vector_load %arg20[%get3A_653] {strides = array<i32>} : memref<128xi32, #tpu.memory_space<vmem>>, vector<16xi32>,
      %get3A_655 = vector.shape_cast %get3A_654 : vector<16xi32> to vector<16xi32>
      %lt3A_656 = arith.constant 2 : i32
      %lt3A_657 = vector.broadcast %lt3A_656 : i32 to vector<16xi32>
      %lt3A_658 = arith.cmpi slt, %get3A_655, %lt3A_657 : vector<16xi32>
      %mul3A_659 = arith.constant 2 : i32
      %mul3A_660 = vector.broadcast %mul3A_659 : i32 to vector<16xi32>
      %mul3A_661 = arith.muli %get3A_652, %mul3A_660 : vector<16xi32>
      %add3A_662 = arith.addi %mul3A_661, %get3A_655 : vector<16xi32>
      %jit3A_663 = arith.constant -1 : i32
      %broadcast_in_dim3A_664 = vector.broadcast %jit3A_663 : i32 to vector<16xi32>
      %select_n3A_665 = arith.select %lt3A_658, %add3A_662, %broadcast_in_dim3A_664 : vector<16xi1>, vector<16xi32>
      %swap3A_666 = arith.constant 80 : index
      %swap3A_667 = tpu.vector_load %arg22[%swap3A_666] {strides = array<i32>} : memref<128xi32, #tpu.memory_space<vmem>>, vector<16xi32>,
      %swap3A_668 = vector.shape_cast %swap3A_667 : vector<16xi32> to vector<16xi32>
      %swap3A_669 = vector.shape_cast %select_n3A_665 : vector<16xi32> to vector<16xi32>
      tpu.vector_store %arg22[%swap3A_666], %swap3A_669 {strides = array<i32>} : memref<128xi32, #tpu.memory_space<vmem>>, vector<16xi32>,
      %select_n3A_670 = arith.select %lt3A_658, %broadcast_in_dim3A_126, %broadcast_in_dim3A_128 : vector<16xi1>, vector<16xf32>
      %swap3A_671 = arith.constant 80 : index
      %swap3A_672 = tpu.vector_load %arg23[%swap3A_671] {strides = array<i32>} : memref<128xf32, #tpu.memory_space<vmem>>, vector<16xf32>,
      %swap3A_673 = vector.shape_cast %swap3A_672 : vector<16xf32> to vector<16xf32>
      %swap3A_674 = vector.shape_cast %select_n3A_670 : vector<16xf32> to vector<16xf32>
      tpu.vector_store %arg23[%swap3A_671], %swap3A_674 {strides = array<i32>} : memref<128xf32, #tpu.memory_space<vmem>>, vector<16xf32>,
      %get3A_675 = arith.constant 96 : index
      %get3A_676 = tpu.vector_load %arg19[%get3A_675] {strides = array<i32>} : memref<128xi32, #tpu.memory_space<vmem>>, vector<16xi32>,
      %get3A_677 = vector.shape_cast %get3A_676 : vector<16xi32> to vector<16xi32>
      %get3A_678 = arith.constant 96 : index
      %get3A_679 = tpu.vector_load %arg20[%get3A_678] {strides = array<i32>} : memref<128xi32, #tpu.memory_space<vmem>>, vector<16xi32>,
      %get3A_680 = vector.shape_cast %get3A_679 : vector<16xi32> to vector<16xi32>
      %lt3A_681 = arith.constant 2 : i32
      %lt3A_682 = vector.broadcast %lt3A_681 : i32 to vector<16xi32>
      %lt3A_683 = arith.cmpi slt, %get3A_680, %lt3A_682 : vector<16xi32>
      %mul3A_684 = arith.constant 2 : i32
      %mul3A_685 = vector.broadcast %mul3A_684 : i32 to vector<16xi32>
      %mul3A_686 = arith.muli %get3A_677, %mul3A_685 : vector<16xi32>
      %add3A_687 = arith.addi %mul3A_686, %get3A_680 : vector<16xi32>
      %jit3A_688 = arith.constant -1 : i32
      %broadcast_in_dim3A_689 = vector.broadcast %jit3A_688 : i32 to vector<16xi32>
      %select_n3A_690 = arith.select %lt3A_683, %add3A_687, %broadcast_in_dim3A_689 : vector<16xi1>, vector<16xi32>
      %swap3A_691 = arith.constant 96 : index
      %swap3A_692 = tpu.vector_load %arg22[%swap3A_691] {strides = array<i32>} : memref<128xi32, #tpu.memory_space<vmem>>, vector<16xi32>,
      %swap3A_693 = vector.shape_cast %swap3A_692 : vector<16xi32> to vector<16xi32>
      %swap3A_694 = vector.shape_cast %select_n3A_690 : vector<16xi32> to vector<16xi32>
      tpu.vector_store %arg22[%swap3A_691], %swap3A_694 {strides = array<i32>} : memref<128xi32, #tpu.memory_space<vmem>>, vector<16xi32>,
      %select_n3A_695 = arith.select %lt3A_683, %broadcast_in_dim3A_126, %broadcast_in_dim3A_128 : vector<16xi1>, vector<16xf32>
      %swap3A_696 = arith.constant 96 : index
      %swap3A_697 = tpu.vector_load %arg23[%swap3A_696] {strides = array<i32>} : memref<128xf32, #tpu.memory_space<vmem>>, vector<16xf32>,
      %swap3A_698 = vector.shape_cast %swap3A_697 : vector<16xf32> to vector<16xf32>
      %swap3A_699 = vector.shape_cast %select_n3A_695 : vector<16xf32> to vector<16xf32>
      tpu.vector_store %arg23[%swap3A_696], %swap3A_699 {strides = array<i32>} : memref<128xf32, #tpu.memory_space<vmem>>, vector<16xf32>,
      %get3A_700 = arith.constant 112 : index
      %get3A_701 = tpu.vector_load %arg19[%get3A_700] {strides = array<i32>} : memref<128xi32, #tpu.memory_space<vmem>>, vector<16xi32>,
      %get3A_702 = vector.shape_cast %get3A_701 : vector<16xi32> to vector<16xi32>
      %get3A_703 = arith.constant 112 : index
      %get3A_704 = tpu.vector_load %arg20[%get3A_703] {strides = array<i32>} : memref<128xi32, #tpu.memory_space<vmem>>, vector<16xi32>,
      %get3A_705 = vector.shape_cast %get3A_704 : vector<16xi32> to vector<16xi32>
      %lt3A_706 = arith.constant 2 : i32
      %lt3A_707 = vector.broadcast %lt3A_706 : i32 to vector<16xi32>
      %lt3A_708 = arith.cmpi slt, %get3A_705, %lt3A_707 : vector<16xi32>
      %mul3A_709 = arith.constant 2 : i32
      %mul3A_710 = vector.broadcast %mul3A_709 : i32 to vector<16xi32>
      %mul3A_711 = arith.muli %get3A_702, %mul3A_710 : vector<16xi32>
      %add3A_712 = arith.addi %mul3A_711, %get3A_705 : vector<16xi32>
      %jit3A_713 = arith.constant -1 : i32
      %broadcast_in_dim3A_714 = vector.broadcast %jit3A_713 : i32 to vector<16xi32>
      %select_n3A_715 = arith.select %lt3A_708, %add3A_712, %broadcast_in_dim3A_714 : vector<16xi1>, vector<16xi32>
      %swap3A_716 = arith.constant 112 : index
      %swap3A_717 = tpu.vector_load %arg22[%swap3A_716] {strides = array<i32>} : memref<128xi32, #tpu.memory_space<vmem>>, vector<16xi32>,
      %swap3A_718 = vector.shape_cast %swap3A_717 : vector<16xi32> to vector<16xi32>
      %swap3A_719 = vector.shape_cast %select_n3A_715 : vector<16xi32> to vector<16xi32>
      tpu.vector_store %arg22[%swap3A_716], %swap3A_719 {strides = array<i32>} : memref<128xi32, #tpu.memory_space<vmem>>, vector<16xi32>,
      %select_n3A_720 = arith.select %lt3A_708, %broadcast_in_dim3A_126, %broadcast_in_dim3A_128 : vector<16xi1>, vector<16xf32>
      %swap3A_721 = arith.constant 112 : index
      %swap3A_722 = tpu.vector_load %arg23[%swap3A_721] {strides = array<i32>} : memref<128xf32, #tpu.memory_space<vmem>>, vector<16xf32>,
      %swap3A_723 = vector.shape_cast %swap3A_722 : vector<16xf32> to vector<16xf32>
      %swap3A_724 = vector.shape_cast %select_n3A_720 : vector<16xf32> to vector<16xf32>
      tpu.vector_store %arg23[%swap3A_721], %swap3A_724 {strides = array<i32>} : memref<128xf32, #tpu.memory_space<vmem>>, vector<16xf32>,
      %dma_wait3A_725 = arith.constant 0 : i32
      %dma_wait3A_726 = arith.constant 0 : i32
      %dma_wait3A_727 = tpu.memref_slice %arg4[%dma_wait3A_725, %dma_wait3A_726] : memref<100000x8xf32, #tpu.memory_space<hbm>> -> memref<100000x8xf32, #tpu.memory_space<hbm>>
      tpu.wait_indirect_dma semaphore(%arg30 : memref<!tpu.dma_semaphore, #tpu.memory_space<semaphore_mem>>) src(%dma_wait3A_727 : memref<100000x8xf32, #tpu.memory_space<hbm>>) dst(%arg11 : memref<128x8xf32, #tpu.memory_space<vmem>>)
      %dma_start3A_728 = arith.constant 0 : i32
      %dma_start3A_729 = arith.constant 0 : i32
      %dma_start3A_730 = tpu.memref_slice %arg25[%dma_start3A_728, %dma_start3A_729] : memref<100008x8xf32, #tpu.memory_space<vmem_shared>> -> memref<100008x8xf32, #tpu.memory_space<vmem_shared>>
      %dma_start3A_731 = arith.constant 100000 : i32
      tpu.enqueue_indirect_dma source(%arg11 : memref<128x8xf32, #tpu.memory_space<vmem>>) target(%dma_start3A_730 : memref<100008x8xf32, #tpu.memory_space<vmem_shared>>) offsets(%arg10 : memref<128xi32, #tpu.memory_space<vmem>>) offset_filter(%dma_start3A_731) semaphore(%arg33 : memref<!tpu.dma_semaphore, #tpu.memory_space<semaphore_mem>>) {add = true}
      %dma_start3A_732 = arith.constant 0 : i32
      %dma_start3A_733 = tpu.memref_slice %arg26[%dma_start3A_732] : memref<200016xf32, #tpu.memory_space<vmem_shared>> -> memref<200016xf32, #tpu.memory_space<vmem_shared>>
      %dma_start3A_734 = arith.constant -1 : i32
      tpu.enqueue_indirect_dma source(%arg13 : memref<128xf32, #tpu.memory_space<vmem>>) target(%dma_start3A_733 : memref<200016xf32, #tpu.memory_space<vmem_shared>>) offsets(%arg12 : memref<128xi32, #tpu.memory_space<vmem>>) offset_filter(%dma_start3A_734) semaphore(%arg33 : memref<!tpu.dma_semaphore, #tpu.memory_space<semaphore_mem>>) {add = true}
      %dma_wait3A_735 = arith.constant 0 : i32
      %dma_wait3A_736 = arith.constant 0 : i32
      %dma_wait3A_737 = tpu.memref_slice %arg4[%dma_wait3A_735, %dma_wait3A_736] : memref<100000x8xf32, #tpu.memory_space<hbm>> -> memref<100000x8xf32, #tpu.memory_space<hbm>>
      tpu.wait_indirect_dma semaphore(%arg31 : memref<!tpu.dma_semaphore, #tpu.memory_space<semaphore_mem>>) src(%dma_wait3A_737 : memref<100000x8xf32, #tpu.memory_space<hbm>>) dst(%arg16 : memref<128x8xf32, #tpu.memory_space<vmem>>)
      %dma_start3A_738 = arith.constant 0 : i32
      %dma_start3A_739 = arith.constant 0 : i32
      %dma_start3A_740 = tpu.memref_slice %arg25[%dma_start3A_738, %dma_start3A_739] : memref<100008x8xf32, #tpu.memory_space<vmem_shared>> -> memref<100008x8xf32, #tpu.memory_space<vmem_shared>>
      %dma_start3A_741 = arith.constant 100000 : i32
      tpu.enqueue_indirect_dma source(%arg16 : memref<128x8xf32, #tpu.memory_space<vmem>>) target(%dma_start3A_740 : memref<100008x8xf32, #tpu.memory_space<vmem_shared>>) offsets(%arg15 : memref<128xi32, #tpu.memory_space<vmem>>) offset_filter(%dma_start3A_741) semaphore(%arg34 : memref<!tpu.dma_semaphore, #tpu.memory_space<semaphore_mem>>) {add = true}
      %dma_start3A_742 = arith.constant 0 : i32
      %dma_start3A_743 = tpu.memref_slice %arg26[%dma_start3A_742] : memref<200016xf32, #tpu.memory_space<vmem_shared>> -> memref<200016xf32, #tpu.memory_space<vmem_shared>>
      %dma_start3A_744 = arith.constant -1 : i32
      tpu.enqueue_indirect_dma source(%arg18 : memref<128xf32, #tpu.memory_space<vmem>>) target(%dma_start3A_743 : memref<200016xf32, #tpu.memory_space<vmem_shared>>) offsets(%arg17 : memref<128xi32, #tpu.memory_space<vmem>>) offset_filter(%dma_start3A_744) semaphore(%arg34 : memref<!tpu.dma_semaphore, #tpu.memory_space<semaphore_mem>>) {add = true}
      %dma_wait3A_745 = arith.constant 0 : i32
      %dma_wait3A_746 = arith.constant 0 : i32
      %dma_wait3A_747 = tpu.memref_slice %arg4[%dma_wait3A_745, %dma_wait3A_746] : memref<100000x8xf32, #tpu.memory_space<hbm>> -> memref<100000x8xf32, #tpu.memory_space<hbm>>
      tpu.wait_indirect_dma semaphore(%arg32 : memref<!tpu.dma_semaphore, #tpu.memory_space<semaphore_mem>>) src(%dma_wait3A_747 : memref<100000x8xf32, #tpu.memory_space<hbm>>) dst(%arg21 : memref<128x8xf32, #tpu.memory_space<vmem>>)
      %dma_start3A_748 = arith.constant 0 : i32
      %dma_start3A_749 = arith.constant 0 : i32
      %dma_start3A_750 = tpu.memref_slice %arg25[%dma_start3A_748, %dma_start3A_749] : memref<100008x8xf32, #tpu.memory_space<vmem_shared>> -> memref<100008x8xf32, #tpu.memory_space<vmem_shared>>
      %dma_start3A_751 = arith.constant 100000 : i32
      tpu.enqueue_indirect_dma source(%arg21 : memref<128x8xf32, #tpu.memory_space<vmem>>) target(%dma_start3A_750 : memref<100008x8xf32, #tpu.memory_space<vmem_shared>>) offsets(%arg20 : memref<128xi32, #tpu.memory_space<vmem>>) offset_filter(%dma_start3A_751) semaphore(%arg35 : memref<!tpu.dma_semaphore, #tpu.memory_space<semaphore_mem>>) {add = true}
      %dma_start3A_752 = arith.constant 0 : i32
      %dma_start3A_753 = tpu.memref_slice %arg26[%dma_start3A_752] : memref<200016xf32, #tpu.memory_space<vmem_shared>> -> memref<200016xf32, #tpu.memory_space<vmem_shared>>
      %dma_start3A_754 = arith.constant -1 : i32
      tpu.enqueue_indirect_dma source(%arg23 : memref<128xf32, #tpu.memory_space<vmem>>) target(%dma_start3A_753 : memref<200016xf32, #tpu.memory_space<vmem_shared>>) offsets(%arg22 : memref<128xi32, #tpu.memory_space<vmem>>) offset_filter(%dma_start3A_754) semaphore(%arg35 : memref<!tpu.dma_semaphore, #tpu.memory_space<semaphore_mem>>) {add = true}
      %dma_wait3A_755 = arith.constant 0 : i32
      %dma_wait3A_756 = arith.constant 0 : i32
      %dma_wait3A_757 = tpu.memref_slice %arg25[%dma_wait3A_755, %dma_wait3A_756] : memref<100008x8xf32, #tpu.memory_space<vmem_shared>> -> memref<100008x8xf32, #tpu.memory_space<vmem_shared>>
      tpu.wait_indirect_dma semaphore(%arg33 : memref<!tpu.dma_semaphore, #tpu.memory_space<semaphore_mem>>) src(%arg11 : memref<128x8xf32, #tpu.memory_space<vmem>>) dst(%dma_wait3A_757 : memref<100008x8xf32, #tpu.memory_space<vmem_shared>>)
      %dma_wait3A_758 = arith.constant 0 : i32
      %dma_wait3A_759 = tpu.memref_slice %arg26[%dma_wait3A_758] : memref<200016xf32, #tpu.memory_space<vmem_shared>> -> memref<200016xf32, #tpu.memory_space<vmem_shared>>
      tpu.wait_indirect_dma semaphore(%arg33 : memref<!tpu.dma_semaphore, #tpu.memory_space<semaphore_mem>>) src(%arg13 : memref<128xf32, #tpu.memory_space<vmem>>) dst(%dma_wait3A_759 : memref<200016xf32, #tpu.memory_space<vmem_shared>>)
      %dma_wait3A_760 = arith.constant 0 : i32
      %dma_wait3A_761 = arith.constant 0 : i32
      %dma_wait3A_762 = tpu.memref_slice %arg25[%dma_wait3A_760, %dma_wait3A_761] : memref<100008x8xf32, #tpu.memory_space<vmem_shared>> -> memref<100008x8xf32, #tpu.memory_space<vmem_shared>>
      tpu.wait_indirect_dma semaphore(%arg34 : memref<!tpu.dma_semaphore, #tpu.memory_space<semaphore_mem>>) src(%arg16 : memref<128x8xf32, #tpu.memory_space<vmem>>) dst(%dma_wait3A_762 : memref<100008x8xf32, #tpu.memory_space<vmem_shared>>)
      %dma_wait3A_763 = arith.constant 0 : i32
      %dma_wait3A_764 = tpu.memref_slice %arg26[%dma_wait3A_763] : memref<200016xf32, #tpu.memory_space<vmem_shared>> -> memref<200016xf32, #tpu.memory_space<vmem_shared>>
      tpu.wait_indirect_dma semaphore(%arg34 : memref<!tpu.dma_semaphore, #tpu.memory_space<semaphore_mem>>) src(%arg18 : memref<128xf32, #tpu.memory_space<vmem>>) dst(%dma_wait3A_764 : memref<200016xf32, #tpu.memory_space<vmem_shared>>)
      %dma_wait3A_765 = arith.constant 0 : i32
      %dma_wait3A_766 = arith.constant 0 : i32
      %dma_wait3A_767 = tpu.memref_slice %arg25[%dma_wait3A_765, %dma_wait3A_766] : memref<100008x8xf32, #tpu.memory_space<vmem_shared>> -> memref<100008x8xf32, #tpu.memory_space<vmem_shared>>
      tpu.wait_indirect_dma semaphore(%arg35 : memref<!tpu.dma_semaphore, #tpu.memory_space<semaphore_mem>>) src(%arg21 : memref<128x8xf32, #tpu.memory_space<vmem>>) dst(%dma_wait3A_767 : memref<100008x8xf32, #tpu.memory_space<vmem_shared>>)
      %dma_wait3A_768 = arith.constant 0 : i32
      %dma_wait3A_769 = tpu.memref_slice %arg26[%dma_wait3A_768] : memref<200016xf32, #tpu.memory_space<vmem_shared>> -> memref<200016xf32, #tpu.memory_space<vmem_shared>>
      tpu.wait_indirect_dma semaphore(%arg35 : memref<!tpu.dma_semaphore, #tpu.memory_space<semaphore_mem>>) src(%arg23 : memref<128xf32, #tpu.memory_space<vmem>>) dst(%dma_wait3A_769 : memref<200016xf32, #tpu.memory_space<vmem_shared>>)
      %add3A_770 = arith.constant 1 : i32
      %add3A_771 = arith.addi %scan3A_78, %add3A_770 : i32
      %lt3A_772 = arith.constant 521 : i32
      %lt3A_773 = arith.cmpi slt, %add3A_771, %lt3A_772 : i32
      %convert_element_type3A_774 = arith.extui %lt3A_773 : i1 to i32
      %cond3A_775 = arith.constant 0 : i32
      %cond3A_776 = arith.cmpi ne, %convert_element_type3A_774, %cond3A_775 : i32
      scf.if %cond3A_776 {
        %add3A_777 = arith.constant 1 : i32
        %add3A_778 = arith.addi %scan3A_78, %add3A_777 : i32
        %mul3A_779 = arith.constant 3 : i32
        %mul3A_780 = arith.muli %add3A_778, %mul3A_779 : i32
        %add3A_781 = arith.constant 0 : i32
        %add3A_782 = arith.addi %mul3A_780, %add3A_781 : i32
        %mul3A_783 = arith.constant 32 : i32
        %mul3A_784 = arith.muli %add3A_782, %mul3A_783 : i32
        %add3A_785 = arith.addi %mul3A_784, %add3A : i32
        %mul3A_786 = arith.constant 128 : i32
        %mul3A_787 = arith.muli %add3A_785, %mul3A_786 : i32
        %dma_start3A_788 = tpu.memref_slice %arg2[%mul3A_787] : memref<6402048xi32, #tpu.memory_space<hbm>> -> memref<128xi32, #tpu.memory_space<hbm>>
        %dma_start3A_789 = tpu.memref_slice %arg2[%mul3A_787] : memref<6402048xi32, #tpu.memory_space<hbm>> -> memref<128xi32, #tpu.memory_space<hbm>>
        tpu.enqueue_dma source(%dma_start3A_789 : memref<128xi32, #tpu.memory_space<hbm>>) target(%arg9 : memref<128xi32, #tpu.memory_space<vmem>>) target_semaphore(%arg27 : memref<!tpu.dma_semaphore, #tpu.memory_space<semaphore_mem>>)
        %dma_start3A_790 = tpu.memref_slice %arg3[%mul3A_787] : memref<6402048xi32, #tpu.memory_space<hbm>> -> memref<128xi32, #tpu.memory_space<hbm>>
        %dma_start3A_791 = tpu.memref_slice %arg3[%mul3A_787] : memref<6402048xi32, #tpu.memory_space<hbm>> -> memref<128xi32, #tpu.memory_space<hbm>>
        tpu.enqueue_dma source(%dma_start3A_791 : memref<128xi32, #tpu.memory_space<hbm>>) target(%arg10 : memref<128xi32, #tpu.memory_space<vmem>>) target_semaphore(%arg27 : memref<!tpu.dma_semaphore, #tpu.memory_space<semaphore_mem>>)
        %add3A_792 = arith.constant 1 : i32
        %add3A_793 = arith.addi %scan3A_78, %add3A_792 : i32
        %mul3A_794 = arith.constant 3 : i32
        %mul3A_795 = arith.muli %add3A_793, %mul3A_794 : i32
        %add3A_796 = arith.constant 1 : i32
        %add3A_797 = arith.addi %mul3A_795, %add3A_796 : i32
        %mul3A_798 = arith.constant 32 : i32
        %mul3A_799 = arith.muli %add3A_797, %mul3A_798 : i32
        %add3A_800 = arith.addi %mul3A_799, %add3A : i32
        %mul3A_801 = arith.constant 128 : i32
        %mul3A_802 = arith.muli %add3A_800, %mul3A_801 : i32
        %dma_start3A_803 = tpu.memref_slice %arg2[%mul3A_802] : memref<6402048xi32, #tpu.memory_space<hbm>> -> memref<128xi32, #tpu.memory_space<hbm>>
        %dma_start3A_804 = tpu.memref_slice %arg2[%mul3A_802] : memref<6402048xi32, #tpu.memory_space<hbm>> -> memref<128xi32, #tpu.memory_space<hbm>>
        tpu.enqueue_dma source(%dma_start3A_804 : memref<128xi32, #tpu.memory_space<hbm>>) target(%arg14 : memref<128xi32, #tpu.memory_space<vmem>>) target_semaphore(%arg28 : memref<!tpu.dma_semaphore, #tpu.memory_space<semaphore_mem>>)
        %dma_start3A_805 = tpu.memref_slice %arg3[%mul3A_802] : memref<6402048xi32, #tpu.memory_space<hbm>> -> memref<128xi32, #tpu.memory_space<hbm>>
        %dma_start3A_806 = tpu.memref_slice %arg3[%mul3A_802] : memref<6402048xi32, #tpu.memory_space<hbm>> -> memref<128xi32, #tpu.memory_space<hbm>>
        tpu.enqueue_dma source(%dma_start3A_806 : memref<128xi32, #tpu.memory_space<hbm>>) target(%arg15 : memref<128xi32, #tpu.memory_space<vmem>>) target_semaphore(%arg28 : memref<!tpu.dma_semaphore, #tpu.memory_space<semaphore_mem>>)
        %add3A_807 = arith.constant 1 : i32
        %add3A_808 = arith.addi %scan3A_78, %add3A_807 : i32
        %mul3A_809 = arith.constant 3 : i32
        %mul3A_810 = arith.muli %add3A_808, %mul3A_809 : i32
        %add3A_811 = arith.constant 2 : i32
        %add3A_812 = arith.addi %mul3A_810, %add3A_811 : i32
        %mul3A_813 = arith.constant 32 : i32
        %mul3A_814 = arith.muli %add3A_812, %mul3A_813 : i32
        %add3A_815 = arith.addi %mul3A_814, %add3A : i32
        %mul3A_816 = arith.constant 128 : i32
        %mul3A_817 = arith.muli %add3A_815, %mul3A_816 : i32
        %dma_start3A_818 = tpu.memref_slice %arg2[%mul3A_817] : memref<6402048xi32, #tpu.memory_space<hbm>> -> memref<128xi32, #tpu.memory_space<hbm>>
        %dma_start3A_819 = tpu.memref_slice %arg2[%mul3A_817] : memref<6402048xi32, #tpu.memory_space<hbm>> -> memref<128xi32, #tpu.memory_space<hbm>>
        tpu.enqueue_dma source(%dma_start3A_819 : memref<128xi32, #tpu.memory_space<hbm>>) target(%arg19 : memref<128xi32, #tpu.memory_space<vmem>>) target_semaphore(%arg29 : memref<!tpu.dma_semaphore, #tpu.memory_space<semaphore_mem>>)
        %dma_start3A_820 = tpu.memref_slice %arg3[%mul3A_817] : memref<6402048xi32, #tpu.memory_space<hbm>> -> memref<128xi32, #tpu.memory_space<hbm>>
        %dma_start3A_821 = tpu.memref_slice %arg3[%mul3A_817] : memref<6402048xi32, #tpu.memory_space<hbm>> -> memref<128xi32, #tpu.memory_space<hbm>>
        tpu.enqueue_dma source(%dma_start3A_821 : memref<128xi32, #tpu.memory_space<hbm>>) target(%arg20 : memref<128xi32, #tpu.memory_space<vmem>>) target_semaphore(%arg29 : memref<!tpu.dma_semaphore, #tpu.memory_space<semaphore_mem>>)
      } else {
      }
    }
    %scan3A_56 = arith.constant 521 : i32
    %barrier3A_57 = arith.constant 0 : index
    tpu.barrier barrier_id(%barrier3A_57)
    %lt3A_58 = arith.constant 15 : i32
    %lt3A_59 = arith.cmpi slt, %arg1, %lt3A_58 : i32
    %convert_element_type3A_60 = arith.extui %lt3A_59 : i1 to i32
    %cond3A_61 = arith.constant 0 : i32
    %cond3A_62 = arith.cmpi ne, %convert_element_type3A_60, %cond3A_61 : i32
    scf.if %cond3A_62 {
      %mul3A_78 = arith.constant 6256 : i32
      %mul3A_79 = arith.muli %arg1, %mul3A_78 : i32
      "tpu.region"() ({
        %run_scoped3A = tpu.sem_alloc : memref<!tpu.dma_semaphore, #tpu.memory_space<semaphore_mem>>
        %dma_start3A_80 = arith.constant 0 : i32
        %dma_start3A_81 = tpu.memref_slice %arg7[%arg0, %mul3A_79, %dma_start3A_80] : memref<2x100000x8xf32, #tpu.memory_space<hbm>> -> memref<1x6256x8xf32, #tpu.memory_space<hbm>>
        %dma_start3A_82 = tpu.memref_squeeze %dma_start3A_81 : memref<1x6256x8xf32, #tpu.memory_space<hbm>> -> memref<6256x8xf32, #tpu.memory_space<hbm>>
        %dma_start3A_83 = arith.constant 0 : i32
        %dma_start3A_84 = tpu.memref_slice %arg25[%mul3A_79, %dma_start3A_83] : memref<100008x8xf32, #tpu.memory_space<vmem_shared>> -> memref<6256x8xf32, #tpu.memory_space<vmem_shared>>
        tpu.enqueue_dma source(%dma_start3A_84 : memref<6256x8xf32, #tpu.memory_space<vmem_shared>>) target(%dma_start3A_82 : memref<6256x8xf32, #tpu.memory_space<hbm>>) target_semaphore(%run_scoped3A : memref<!tpu.dma_semaphore, #tpu.memory_space<semaphore_mem>>)
        %dma_wait3A = arith.constant 0 : i32
        %dma_wait3A_85 = tpu.memref_slice %arg7[%arg0, %mul3A_79, %dma_wait3A] : memref<2x100000x8xf32, #tpu.memory_space<hbm>> -> memref<1x6256x8xf32, #tpu.memory_space<hbm>>
        %dma_wait3A_86 = tpu.memref_squeeze %dma_wait3A_85 : memref<1x6256x8xf32, #tpu.memory_space<hbm>> -> memref<6256x8xf32, #tpu.memory_space<hbm>>
        %dma_wait3A_87 = arith.constant 0 : i32
        %dma_wait3A_88 = tpu.memref_slice %arg25[%mul3A_79, %dma_wait3A_87] : memref<100008x8xf32, #tpu.memory_space<vmem_shared>> -> memref<6256x8xf32, #tpu.memory_space<vmem_shared>>
        tpu.wait_dma2 semaphore(%run_scoped3A : memref<!tpu.dma_semaphore, #tpu.memory_space<semaphore_mem>>) src(%dma_wait3A_88 : memref<6256x8xf32, #tpu.memory_space<vmem_shared>>) dst(%dma_wait3A_86 : memref<6256x8xf32, #tpu.memory_space<hbm>>)
        tpu.yield
      }) : () -> ()
    } else {
    }
    %eq3A_63 = arith.constant 15 : i32
    %eq3A_64 = arith.cmpi eq, %arg1, %eq3A_63 : i32
    %convert_element_type3A_65 = arith.extui %eq3A_64 : i1 to i32
    %cond3A_66 = arith.constant 0 : i32
    %cond3A_67 = arith.cmpi ne, %convert_element_type3A_65, %cond3A_66 : i32
    scf.if %cond3A_67 {
      "tpu.region"() ({
        %run_scoped3A = tpu.sem_alloc : memref<!tpu.dma_semaphore, #tpu.memory_space<semaphore_mem>>
        %dma_start3A_78 = arith.constant 93840 : i32
        %dma_start3A_79 = arith.constant 0 : i32
        %dma_start3A_80 = tpu.memref_slice %arg7[%arg0, %dma_start3A_78, %dma_start3A_79] : memref<2x100000x8xf32, #tpu.memory_space<hbm>> -> memref<1x6160x8xf32, #tpu.memory_space<hbm>>
        %dma_start3A_81 = tpu.memref_squeeze %dma_start3A_80 : memref<1x6160x8xf32, #tpu.memory_space<hbm>> -> memref<6160x8xf32, #tpu.memory_space<hbm>>
        %dma_start3A_82 = arith.constant 93840 : i32
        %dma_start3A_83 = arith.constant 0 : i32
        %dma_start3A_84 = tpu.memref_slice %arg25[%dma_start3A_82, %dma_start3A_83] : memref<100008x8xf32, #tpu.memory_space<vmem_shared>> -> memref<6160x8xf32, #tpu.memory_space<vmem_shared>>
        tpu.enqueue_dma source(%dma_start3A_84 : memref<6160x8xf32, #tpu.memory_space<vmem_shared>>) target(%dma_start3A_81 : memref<6160x8xf32, #tpu.memory_space<hbm>>) target_semaphore(%run_scoped3A : memref<!tpu.dma_semaphore, #tpu.memory_space<semaphore_mem>>)
        %dma_wait3A = arith.constant 93840 : i32
        %dma_wait3A_85 = arith.constant 0 : i32
        %dma_wait3A_86 = tpu.memref_slice %arg7[%arg0, %dma_wait3A, %dma_wait3A_85] : memref<2x100000x8xf32, #tpu.memory_space<hbm>> -> memref<1x6160x8xf32, #tpu.memory_space<hbm>>
        %dma_wait3A_87 = tpu.memref_squeeze %dma_wait3A_86 : memref<1x6160x8xf32, #tpu.memory_space<hbm>> -> memref<6160x8xf32, #tpu.memory_space<hbm>>
        %dma_wait3A_88 = arith.constant 93840 : i32
        %dma_wait3A_89 = arith.constant 0 : i32
        %dma_wait3A_90 = tpu.memref_slice %arg25[%dma_wait3A_88, %dma_wait3A_89] : memref<100008x8xf32, #tpu.memory_space<vmem_shared>> -> memref<6160x8xf32, #tpu.memory_space<vmem_shared>>
        tpu.wait_dma2 semaphore(%run_scoped3A : memref<!tpu.dma_semaphore, #tpu.memory_space<semaphore_mem>>) src(%dma_wait3A_90 : memref<6160x8xf32, #tpu.memory_space<vmem_shared>>) dst(%dma_wait3A_87 : memref<6160x8xf32, #tpu.memory_space<hbm>>)
        tpu.yield
      }) : () -> ()
    } else {
    }
    %lt3A_68 = arith.constant 15 : i32
    %lt3A_69 = arith.cmpi slt, %arg1, %lt3A_68 : i32
    %convert_element_type3A_70 = arith.extui %lt3A_69 : i1 to i32
    %cond3A_71 = arith.constant 0 : i32
    %cond3A_72 = arith.cmpi ne, %convert_element_type3A_70, %cond3A_71 : i32
    scf.if %cond3A_72 {
      %mul3A_78 = arith.constant 12512 : i32
      %mul3A_79 = arith.muli %arg1, %mul3A_78 : i32
      "tpu.region"() ({
        %run_scoped3A = tpu.sem_alloc : memref<!tpu.dma_semaphore, #tpu.memory_space<semaphore_mem>>
        %dma_start3A_83 = arith.constant 0 : i32
        %dma_start3A_84 = tpu.memref_slice %arg24[%dma_start3A_83] : memref<12512xf32, #tpu.memory_space<vmem>> -> memref<12512xf32, #tpu.memory_space<vmem>>
        %dma_start3A_85 = tpu.memref_slice %arg26[%mul3A_79] : memref<200016xf32, #tpu.memory_space<vmem_shared>> -> memref<12512xf32, #tpu.memory_space<vmem_shared>>
        %dma_start3A_86 = arith.constant 0 : i32
        %dma_start3A_87 = tpu.memref_slice %arg24[%dma_start3A_86] : memref<12512xf32, #tpu.memory_space<vmem>> -> memref<12512xf32, #tpu.memory_space<vmem>>
        %dma_start3A_88 = tpu.memref_slice %arg26[%mul3A_79] : memref<200016xf32, #tpu.memory_space<vmem_shared>> -> memref<12512xf32, #tpu.memory_space<vmem_shared>>
        tpu.enqueue_dma source(%dma_start3A_88 : memref<12512xf32, #tpu.memory_space<vmem_shared>>) target(%dma_start3A_87 : memref<12512xf32, #tpu.memory_space<vmem>>) target_semaphore(%run_scoped3A : memref<!tpu.dma_semaphore, #tpu.memory_space<semaphore_mem>>)
        %dma_wait3A = arith.constant 0 : i32
        %dma_wait3A_89 = tpu.memref_slice %arg24[%dma_wait3A] : memref<12512xf32, #tpu.memory_space<vmem>> -> memref<12512xf32, #tpu.memory_space<vmem>>
        %dma_wait3A_90 = tpu.memref_slice %arg26[%mul3A_79] : memref<200016xf32, #tpu.memory_space<vmem_shared>> -> memref<12512xf32, #tpu.memory_space<vmem_shared>>
        %dma_wait3A_91 = arith.constant 0 : i32
        %dma_wait3A_92 = tpu.memref_slice %arg24[%dma_wait3A_91] : memref<12512xf32, #tpu.memory_space<vmem>> -> memref<12512xf32, #tpu.memory_space<vmem>>
        %dma_wait3A_93 = tpu.memref_slice %arg26[%mul3A_79] : memref<200016xf32, #tpu.memory_space<vmem_shared>> -> memref<12512xf32, #tpu.memory_space<vmem_shared>>
        tpu.wait_dma2 semaphore(%run_scoped3A : memref<!tpu.dma_semaphore, #tpu.memory_space<semaphore_mem>>) src(%dma_wait3A_93 : memref<12512xf32, #tpu.memory_space<vmem_shared>>) dst(%dma_wait3A_92 : memref<12512xf32, #tpu.memory_space<vmem>>)
        tpu.yield
      }) : () -> ()
      %mul3A_80 = arith.constant 200000 : i32
      %mul3A_81 = arith.muli %arg0, %mul3A_80 : i32
      %add3A_82 = arith.addi %mul3A_81, %mul3A_79 : i32
      "tpu.region"() ({
        %run_scoped3A = tpu.sem_alloc : memref<!tpu.dma_semaphore, #tpu.memory_space<semaphore_mem>>
        %dma_start3A_83 = arith.constant 0 : i32
        %dma_start3A_84 = tpu.memref_slice %arg24[%dma_start3A_83] : memref<12512xf32, #tpu.memory_space<vmem>> -> memref<12512xf32, #tpu.memory_space<vmem>>
        %dma_start3A_85 = tpu.memref_slice %arg8[%add3A_82] : memref<400000xf32, #tpu.memory_space<hbm>> -> memref<12512xf32, #tpu.memory_space<hbm>>
        %dma_start3A_86 = tpu.memref_slice %arg8[%add3A_82] : memref<400000xf32, #tpu.memory_space<hbm>> -> memref<12512xf32, #tpu.memory_space<hbm>>
        %dma_start3A_87 = arith.constant 0 : i32
        %dma_start3A_88 = tpu.memref_slice %arg24[%dma_start3A_87] : memref<12512xf32, #tpu.memory_space<vmem>> -> memref<12512xf32, #tpu.memory_space<vmem>>
        tpu.enqueue_dma source(%dma_start3A_88 : memref<12512xf32, #tpu.memory_space<vmem>>) target(%dma_start3A_86 : memref<12512xf32, #tpu.memory_space<hbm>>) target_semaphore(%run_scoped3A : memref<!tpu.dma_semaphore, #tpu.memory_space<semaphore_mem>>)
        %dma_wait3A = arith.constant 0 : i32
        %dma_wait3A_89 = tpu.memref_slice %arg24[%dma_wait3A] : memref<12512xf32, #tpu.memory_space<vmem>> -> memref<12512xf32, #tpu.memory_space<vmem>>
        %dma_wait3A_90 = tpu.memref_slice %arg8[%add3A_82] : memref<400000xf32, #tpu.memory_space<hbm>> -> memref<12512xf32, #tpu.memory_space<hbm>>
        %dma_wait3A_91 = tpu.memref_slice %arg8[%add3A_82] : memref<400000xf32, #tpu.memory_space<hbm>> -> memref<12512xf32, #tpu.memory_space<hbm>>
        %dma_wait3A_92 = arith.constant 0 : i32
        %dma_wait3A_93 = tpu.memref_slice %arg24[%dma_wait3A_92] : memref<12512xf32, #tpu.memory_space<vmem>> -> memref<12512xf32, #tpu.memory_space<vmem>>
        tpu.wait_dma2 semaphore(%run_scoped3A : memref<!tpu.dma_semaphore, #tpu.memory_space<semaphore_mem>>) src(%dma_wait3A_93 : memref<12512xf32, #tpu.memory_space<vmem>>) dst(%dma_wait3A_91 : memref<12512xf32, #tpu.memory_space<hbm>>)
        tpu.yield
      }) : () -> ()
    } else {
    }
    %eq3A_73 = arith.constant 15 : i32
    %eq3A_74 = arith.cmpi eq, %arg1, %eq3A_73 : i32
    %convert_element_type3A_75 = arith.extui %eq3A_74 : i1 to i32
    %cond3A_76 = arith.constant 0 : i32
    %cond3A_77 = arith.cmpi ne, %convert_element_type3A_75, %cond3A_76 : i32
    scf.if %cond3A_77 {
      "tpu.region"() ({
        %run_scoped3A = tpu.sem_alloc : memref<!tpu.dma_semaphore, #tpu.memory_space<semaphore_mem>>
        %dma_start3A_82 = arith.constant 0 : i32
        %dma_start3A_83 = tpu.memref_slice %arg24[%dma_start3A_82] : memref<12512xf32, #tpu.memory_space<vmem>> -> memref<12320xf32, #tpu.memory_space<vmem>>
        %dma_start3A_84 = arith.constant 187680 : i32
        %dma_start3A_85 = tpu.memref_slice %arg26[%dma_start3A_84] : memref<200016xf32, #tpu.memory_space<vmem_shared>> -> memref<12320xf32, #tpu.memory_space<vmem_shared>>
        %dma_start3A_86 = arith.constant 0 : i32
        %dma_start3A_87 = tpu.memref_slice %arg24[%dma_start3A_86] : memref<12512xf32, #tpu.memory_space<vmem>> -> memref<12320xf32, #tpu.memory_space<vmem>>
        %dma_start3A_88 = arith.constant 187680 : i32
        %dma_start3A_89 = tpu.memref_slice %arg26[%dma_start3A_88] : memref<200016xf32, #tpu.memory_space<vmem_shared>> -> memref<12320xf32, #tpu.memory_space<vmem_shared>>
        tpu.enqueue_dma source(%dma_start3A_89 : memref<12320xf32, #tpu.memory_space<vmem_shared>>) target(%dma_start3A_87 : memref<12320xf32, #tpu.memory_space<vmem>>) target_semaphore(%run_scoped3A : memref<!tpu.dma_semaphore, #tpu.memory_space<semaphore_mem>>)
        %dma_wait3A = arith.constant 0 : i32
        %dma_wait3A_90 = tpu.memref_slice %arg24[%dma_wait3A] : memref<12512xf32, #tpu.memory_space<vmem>> -> memref<12320xf32, #tpu.memory_space<vmem>>
        %dma_wait3A_91 = arith.constant 187680 : i32
        %dma_wait3A_92 = tpu.memref_slice %arg26[%dma_wait3A_91] : memref<200016xf32, #tpu.memory_space<vmem_shared>> -> memref<12320xf32, #tpu.memory_space<vmem_shared>>
        %dma_wait3A_93 = arith.constant 0 : i32
        %dma_wait3A_94 = tpu.memref_slice %arg24[%dma_wait3A_93] : memref<12512xf32, #tpu.memory_space<vmem>> -> memref<12320xf32, #tpu.memory_space<vmem>>
        %dma_wait3A_95 = arith.constant 187680 : i32
        %dma_wait3A_96 = tpu.memref_slice %arg26[%dma_wait3A_95] : memref<200016xf32, #tpu.memory_space<vmem_shared>> -> memref<12320xf32, #tpu.memory_space<vmem_shared>>
        tpu.wait_dma2 semaphore(%run_scoped3A : memref<!tpu.dma_semaphore, #tpu.memory_space<semaphore_mem>>) src(%dma_wait3A_96 : memref<12320xf32, #tpu.memory_space<vmem_shared>>) dst(%dma_wait3A_94 : memref<12320xf32, #tpu.memory_space<vmem>>)
        tpu.yield
      }) : () -> ()
      %mul3A_78 = arith.constant 200000 : i32
      %mul3A_79 = arith.muli %arg0, %mul3A_78 : i32
      %add3A_80 = arith.constant 187680 : i32
      %add3A_81 = arith.addi %mul3A_79, %add3A_80 : i32
      "tpu.region"() ({
        %run_scoped3A = tpu.sem_alloc : memref<!tpu.dma_semaphore, #tpu.memory_space<semaphore_mem>>
        %dma_start3A_82 = arith.constant 0 : i32
        %dma_start3A_83 = tpu.memref_slice %arg24[%dma_start3A_82] : memref<12512xf32, #tpu.memory_space<vmem>> -> memref<12320xf32, #tpu.memory_space<vmem>>
        %dma_start3A_84 = tpu.memref_slice %arg8[%add3A_81] : memref<400000xf32, #tpu.memory_space<hbm>> -> memref<12320xf32, #tpu.memory_space<hbm>>
        %dma_start3A_85 = tpu.memref_slice %arg8[%add3A_81] : memref<400000xf32, #tpu.memory_space<hbm>> -> memref<12320xf32, #tpu.memory_space<hbm>>
        %dma_start3A_86 = arith.constant 0 : i32
        %dma_start3A_87 = tpu.memref_slice %arg24[%dma_start3A_86] : memref<12512xf32, #tpu.memory_space<vmem>> -> memref<12320xf32, #tpu.memory_space<vmem>>
        tpu.enqueue_dma source(%dma_start3A_87 : memref<12320xf32, #tpu.memory_space<vmem>>) target(%dma_start3A_85 : memref<12320xf32, #tpu.memory_space<hbm>>) target_semaphore(%run_scoped3A : memref<!tpu.dma_semaphore, #tpu.memory_space<semaphore_mem>>)
        %dma_wait3A = arith.constant 0 : i32
        %dma_wait3A_88 = tpu.memref_slice %arg24[%dma_wait3A] : memref<12512xf32, #tpu.memory_space<vmem>> -> memref<12320xf32, #tpu.memory_space<vmem>>
        %dma_wait3A_89 = tpu.memref_slice %arg8[%add3A_81] : memref<400000xf32, #tpu.memory_space<hbm>> -> memref<12320xf32, #tpu.memory_space<hbm>>
        %dma_wait3A_90 = tpu.memref_slice %arg8[%add3A_81] : memref<400000xf32, #tpu.memory_space<hbm>> -> memref<12320xf32, #tpu.memory_space<hbm>>
        %dma_wait3A_91 = arith.constant 0 : i32
        %dma_wait3A_92 = tpu.memref_slice %arg24[%dma_wait3A_91] : memref<12512xf32, #tpu.memory_space<vmem>> -> memref<12320xf32, #tpu.memory_space<vmem>>
        tpu.wait_dma2 semaphore(%run_scoped3A : memref<!tpu.dma_semaphore, #tpu.memory_space<semaphore_mem>>) src(%dma_wait3A_92 : memref<12320xf32, #tpu.memory_space<vmem>>) dst(%dma_wait3A_90 : memref<12320xf32, #tpu.memory_space<hbm>>)
        tpu.yield
      }) : () -> ()
    } else {
    }
    return
  }
}

#map = affine_map<(d0, d1) -> (0)>
#map1 = affine_map<(d0, d1) -> (0, 0)>
#map2 = affine_map<(d0, d1) -> (0, 0, 0)>
module attributes {stable_mosaic.version = 14 : i64} {
  func.func @_agg_pass_b(%arg0: i32, %arg1: i32, %arg2: memref<6402048xi32, #tpu.memory_space<hbm>>, %arg3: memref<6402048xi32, #tpu.memory_space<hbm>>, %arg4: memref<100000x16xf32, #tpu.memory_space<hbm>>, %arg5: memref<50008x16xf32, #tpu.memory_space<hbm>>, %arg6: memref<2x50000x16xf32, #tpu.memory_space<hbm>>, %arg7: memref<128xi32, #tpu.memory_space<vmem>>, %arg8: memref<128xi32, #tpu.memory_space<vmem>>, %arg9: memref<128xi32, #tpu.memory_space<vmem>>, %arg10: memref<128xi32, #tpu.memory_space<vmem>>, %arg11: memref<128x16xf32, #tpu.memory_space<vmem>>, %arg12: memref<128xi32, #tpu.memory_space<vmem>>, %arg13: memref<128xi32, #tpu.memory_space<vmem>>, %arg14: memref<128xi32, #tpu.memory_space<vmem>>, %arg15: memref<128xi32, #tpu.memory_space<vmem>>, %arg16: memref<128x16xf32, #tpu.memory_space<vmem>>, %arg17: memref<128xi32, #tpu.memory_space<vmem>>, %arg18: memref<128xi32, #tpu.memory_space<vmem>>, %arg19: memref<128xi32, #tpu.memory_space<vmem>>, %arg20: memref<128xi32, #tpu.memory_space<vmem>>, %arg21: memref<128x16xf32, #tpu.memory_space<vmem>>, %arg22: memref<50008x16xf32, #tpu.memory_space<vmem_shared>>, %arg23: memref<!tpu.dma_semaphore, #tpu.memory_space<semaphore_mem>>, %arg24: memref<!tpu.dma_semaphore, #tpu.memory_space<semaphore_mem>>, %arg25: memref<!tpu.dma_semaphore, #tpu.memory_space<semaphore_mem>>, %arg26: memref<!tpu.dma_semaphore, #tpu.memory_space<semaphore_mem>>, %arg27: memref<!tpu.dma_semaphore, #tpu.memory_space<semaphore_mem>>, %arg28: memref<!tpu.dma_semaphore, #tpu.memory_space<semaphore_mem>>, %arg29: memref<!tpu.dma_semaphore, #tpu.memory_space<semaphore_mem>>, %arg30: memref<!tpu.dma_semaphore, #tpu.memory_space<semaphore_mem>>, %arg31: memref<!tpu.dma_semaphore, #tpu.memory_space<semaphore_mem>>) attributes {dimension_semantics = [#tpu.dimension_semantics<core_parallel>, #tpu.dimension_semantics<subcore_parallel>], iteration_bounds = array<i64: 2, 16>, scalar_prefetch = 0 : i64, scratch_operands = 25 : i64, tpu.core_type = #tpu.core_type<sc_vector_subcore>, window_params = [{transform_indices = #map}, {transform_indices = #map}, {transform_indices = #map1}, {transform_indices = #map1}, {transform_indices = #map2}]} {
    %mul3A = arith.constant 50000 : i32
    %mul3A_0 = arith.muli %arg0, %mul3A : i32
    %lt3A = arith.constant 15 : i32
    %lt3A_1 = arith.cmpi slt, %arg1, %lt3A : i32
    %convert_element_type3A = arith.extui %lt3A_1 : i1 to i32
    %cond3A = arith.constant 0 : i32
    %cond3A_2 = arith.cmpi ne, %convert_element_type3A, %cond3A : i32
    scf.if %cond3A_2 {
      %mul3A_57 = arith.constant 3128 : i32
      %mul3A_58 = arith.muli %arg1, %mul3A_57 : i32
      "tpu.region"() ({
        %run_scoped3A = tpu.sem_alloc : memref<!tpu.dma_semaphore, #tpu.memory_space<semaphore_mem>>
        %dma_start3A_59 = arith.constant 0 : i32
        %dma_start3A_60 = tpu.memref_slice %arg22[%mul3A_58, %dma_start3A_59] : memref<50008x16xf32, #tpu.memory_space<vmem_shared>> -> memref<3128x16xf32, #tpu.memory_space<vmem_shared>>
        %dma_start3A_61 = arith.constant 0 : i32
        %dma_start3A_62 = tpu.memref_slice %arg5[%mul3A_58, %dma_start3A_61] : memref<50008x16xf32, #tpu.memory_space<hbm>> -> memref<3128x16xf32, #tpu.memory_space<hbm>>
        tpu.enqueue_dma source(%dma_start3A_62 : memref<3128x16xf32, #tpu.memory_space<hbm>>) target(%dma_start3A_60 : memref<3128x16xf32, #tpu.memory_space<vmem_shared>>) target_semaphore(%run_scoped3A : memref<!tpu.dma_semaphore, #tpu.memory_space<semaphore_mem>>)
        %dma_wait3A = arith.constant 0 : i32
        %dma_wait3A_63 = tpu.memref_slice %arg22[%mul3A_58, %dma_wait3A] : memref<50008x16xf32, #tpu.memory_space<vmem_shared>> -> memref<3128x16xf32, #tpu.memory_space<vmem_shared>>
        %dma_wait3A_64 = arith.constant 0 : i32
        %dma_wait3A_65 = tpu.memref_slice %arg5[%mul3A_58, %dma_wait3A_64] : memref<50008x16xf32, #tpu.memory_space<hbm>> -> memref<3128x16xf32, #tpu.memory_space<hbm>>
        tpu.wait_dma2 semaphore(%run_scoped3A : memref<!tpu.dma_semaphore, #tpu.memory_space<semaphore_mem>>) src(%dma_wait3A_65 : memref<3128x16xf32, #tpu.memory_space<hbm>>) dst(%dma_wait3A_63 : memref<3128x16xf32, #tpu.memory_space<vmem_shared>>)
        tpu.yield
      }) : () -> ()
    } else {
    }
    %eq3A = arith.constant 15 : i32
    %eq3A_3 = arith.cmpi eq, %arg1, %eq3A : i32
    %convert_element_type3A_4 = arith.extui %eq3A_3 : i1 to i32
    %cond3A_5 = arith.constant 0 : i32
    %cond3A_6 = arith.cmpi ne, %convert_element_type3A_4, %cond3A_5 : i32
    scf.if %cond3A_6 {
      "tpu.region"() ({
        %run_scoped3A = tpu.sem_alloc : memref<!tpu.dma_semaphore, #tpu.memory_space<semaphore_mem>>
        %dma_start3A_57 = arith.constant 46920 : i32
        %dma_start3A_58 = arith.constant 0 : i32
        %dma_start3A_59 = tpu.memref_slice %arg22[%dma_start3A_57, %dma_start3A_58] : memref<50008x16xf32, #tpu.memory_space<vmem_shared>> -> memref<3088x16xf32, #tpu.memory_space<vmem_shared>>
        %dma_start3A_60 = arith.constant 46920 : i32
        %dma_start3A_61 = arith.constant 0 : i32
        %dma_start3A_62 = tpu.memref_slice %arg5[%dma_start3A_60, %dma_start3A_61] : memref<50008x16xf32, #tpu.memory_space<hbm>> -> memref<3088x16xf32, #tpu.memory_space<hbm>>
        tpu.enqueue_dma source(%dma_start3A_62 : memref<3088x16xf32, #tpu.memory_space<hbm>>) target(%dma_start3A_59 : memref<3088x16xf32, #tpu.memory_space<vmem_shared>>) target_semaphore(%run_scoped3A : memref<!tpu.dma_semaphore, #tpu.memory_space<semaphore_mem>>)
        %dma_wait3A = arith.constant 46920 : i32
        %dma_wait3A_63 = arith.constant 0 : i32
        %dma_wait3A_64 = tpu.memref_slice %arg22[%dma_wait3A, %dma_wait3A_63] : memref<50008x16xf32, #tpu.memory_space<vmem_shared>> -> memref<3088x16xf32, #tpu.memory_space<vmem_shared>>
        %dma_wait3A_65 = arith.constant 46920 : i32
        %dma_wait3A_66 = arith.constant 0 : i32
        %dma_wait3A_67 = tpu.memref_slice %arg5[%dma_wait3A_65, %dma_wait3A_66] : memref<50008x16xf32, #tpu.memory_space<hbm>> -> memref<3088x16xf32, #tpu.memory_space<hbm>>
        tpu.wait_dma2 semaphore(%run_scoped3A : memref<!tpu.dma_semaphore, #tpu.memory_space<semaphore_mem>>) src(%dma_wait3A_67 : memref<3088x16xf32, #tpu.memory_space<hbm>>) dst(%dma_wait3A_64 : memref<3088x16xf32, #tpu.memory_space<vmem_shared>>)
        tpu.yield
      }) : () -> ()
    } else {
    }
    %barrier3A = arith.constant 0 : index
    tpu.barrier barrier_id(%barrier3A)
    %add3A = arith.constant 0 : i32
    %add3A_7 = arith.addi %add3A, %arg1 : i32
    %mul3A_8 = arith.constant 128 : i32
    %mul3A_9 = arith.muli %add3A_7, %mul3A_8 : i32
    %dma_start3A = tpu.memref_slice %arg2[%mul3A_9] : memref<6402048xi32, #tpu.memory_space<hbm>> -> memref<128xi32, #tpu.memory_space<hbm>>
    %dma_start3A_10 = tpu.memref_slice %arg2[%mul3A_9] : memref<6402048xi32, #tpu.memory_space<hbm>> -> memref<128xi32, #tpu.memory_space<hbm>>
    tpu.enqueue_dma source(%dma_start3A_10 : memref<128xi32, #tpu.memory_space<hbm>>) target(%arg7 : memref<128xi32, #tpu.memory_space<vmem>>) target_semaphore(%arg23 : memref<!tpu.dma_semaphore, #tpu.memory_space<semaphore_mem>>)
    %add3A_11 = arith.constant 0 : i32
    %add3A_12 = arith.addi %add3A_11, %arg1 : i32
    %mul3A_13 = arith.constant 128 : i32
    %mul3A_14 = arith.muli %add3A_12, %mul3A_13 : i32
    %dma_start3A_15 = tpu.memref_slice %arg3[%mul3A_14] : memref<6402048xi32, #tpu.memory_space<hbm>> -> memref<128xi32, #tpu.memory_space<hbm>>
    %dma_start3A_16 = tpu.memref_slice %arg3[%mul3A_14] : memref<6402048xi32, #tpu.memory_space<hbm>> -> memref<128xi32, #tpu.memory_space<hbm>>
    tpu.enqueue_dma source(%dma_start3A_16 : memref<128xi32, #tpu.memory_space<hbm>>) target(%arg8 : memref<128xi32, #tpu.memory_space<vmem>>) target_semaphore(%arg23 : memref<!tpu.dma_semaphore, #tpu.memory_space<semaphore_mem>>)
    %add3A_17 = arith.constant 16 : i32
    %add3A_18 = arith.addi %add3A_17, %arg1 : i32
    %mul3A_19 = arith.constant 128 : i32
    %mul3A_20 = arith.muli %add3A_18, %mul3A_19 : i32
    %dma_start3A_21 = tpu.memref_slice %arg2[%mul3A_20] : memref<6402048xi32, #tpu.memory_space<hbm>> -> memref<128xi32, #tpu.memory_space<hbm>>
    %dma_start3A_22 = tpu.memref_slice %arg2[%mul3A_20] : memref<6402048xi32, #tpu.memory_space<hbm>> -> memref<128xi32, #tpu.memory_space<hbm>>
    tpu.enqueue_dma source(%dma_start3A_22 : memref<128xi32, #tpu.memory_space<hbm>>) target(%arg12 : memref<128xi32, #tpu.memory_space<vmem>>) target_semaphore(%arg24 : memref<!tpu.dma_semaphore, #tpu.memory_space<semaphore_mem>>)
    %add3A_23 = arith.constant 16 : i32
    %add3A_24 = arith.addi %add3A_23, %arg1 : i32
    %mul3A_25 = arith.constant 128 : i32
    %mul3A_26 = arith.muli %add3A_24, %mul3A_25 : i32
    %dma_start3A_27 = tpu.memref_slice %arg3[%mul3A_26] : memref<6402048xi32, #tpu.memory_space<hbm>> -> memref<128xi32, #tpu.memory_space<hbm>>
    %dma_start3A_28 = tpu.memref_slice %arg3[%mul3A_26] : memref<6402048xi32, #tpu.memory_space<hbm>> -> memref<128xi32, #tpu.memory_space<hbm>>
    tpu.enqueue_dma source(%dma_start3A_28 : memref<128xi32, #tpu.memory_space<hbm>>) target(%arg13 : memref<128xi32, #tpu.memory_space<vmem>>) target_semaphore(%arg24 : memref<!tpu.dma_semaphore, #tpu.memory_space<semaphore_mem>>)
    %add3A_29 = arith.constant 32 : i32
    %add3A_30 = arith.addi %add3A_29, %arg1 : i32
    %mul3A_31 = arith.constant 128 : i32
    %mul3A_32 = arith.muli %add3A_30, %mul3A_31 : i32
    %dma_start3A_33 = tpu.memref_slice %arg2[%mul3A_32] : memref<6402048xi32, #tpu.memory_space<hbm>> -> memref<128xi32, #tpu.memory_space<hbm>>
    %dma_start3A_34 = tpu.memref_slice %arg2[%mul3A_32] : memref<6402048xi32, #tpu.memory_space<hbm>> -> memref<128xi32, #tpu.memory_space<hbm>>
    tpu.enqueue_dma source(%dma_start3A_34 : memref<128xi32, #tpu.memory_space<hbm>>) target(%arg17 : memref<128xi32, #tpu.memory_space<vmem>>) target_semaphore(%arg25 : memref<!tpu.dma_semaphore, #tpu.memory_space<semaphore_mem>>)
    %add3A_35 = arith.constant 32 : i32
    %add3A_36 = arith.addi %add3A_35, %arg1 : i32
    %mul3A_37 = arith.constant 128 : i32
    %mul3A_38 = arith.muli %add3A_36, %mul3A_37 : i32
    %dma_start3A_39 = tpu.memref_slice %arg3[%mul3A_38] : memref<6402048xi32, #tpu.memory_space<hbm>> -> memref<128xi32, #tpu.memory_space<hbm>>
    %dma_start3A_40 = tpu.memref_slice %arg3[%mul3A_38] : memref<6402048xi32, #tpu.memory_space<hbm>> -> memref<128xi32, #tpu.memory_space<hbm>>
    tpu.enqueue_dma source(%dma_start3A_40 : memref<128xi32, #tpu.memory_space<hbm>>) target(%arg18 : memref<128xi32, #tpu.memory_space<vmem>>) target_semaphore(%arg25 : memref<!tpu.dma_semaphore, #tpu.memory_space<semaphore_mem>>)
    %scan3A = arith.constant 0 : i32
    %scan3A_41 = arith.constant 0 : i32
    %scan3A_42 = arith.constant 1042 : i32
    %scan3A_43 = arith.addi %scan3A_41, %scan3A_42 : i32
    %scan3A_44 = arith.constant 1 : i32
    scf.for %scan3A_57 = %scan3A_41 to %scan3A_43 step %scan3A_44  : i32 {
      %mul3A_58 = arith.constant 3 : i32
      %mul3A_59 = arith.muli %scan3A_57, %mul3A_58 : i32
      %add3A_60 = arith.constant 0 : i32
      %add3A_61 = arith.addi %mul3A_59, %add3A_60 : i32
      %mul3A_62 = arith.constant 16 : i32
      %mul3A_63 = arith.muli %add3A_61, %mul3A_62 : i32
      %add3A_64 = arith.addi %mul3A_63, %arg1 : i32
      %mul3A_65 = arith.constant 128 : i32
      %mul3A_66 = arith.muli %add3A_64, %mul3A_65 : i32
      %dma_wait3A = tpu.memref_slice %arg2[%mul3A_66] : memref<6402048xi32, #tpu.memory_space<hbm>> -> memref<128xi32, #tpu.memory_space<hbm>>
      %dma_wait3A_67 = tpu.memref_slice %arg2[%mul3A_66] : memref<6402048xi32, #tpu.memory_space<hbm>> -> memref<128xi32, #tpu.memory_space<hbm>>
      tpu.wait_dma2 semaphore(%arg23 : memref<!tpu.dma_semaphore, #tpu.memory_space<semaphore_mem>>) src(%dma_wait3A_67 : memref<128xi32, #tpu.memory_space<hbm>>) dst(%arg7 : memref<128xi32, #tpu.memory_space<vmem>>)
      %dma_wait3A_68 = tpu.memref_slice %arg3[%mul3A_66] : memref<6402048xi32, #tpu.memory_space<hbm>> -> memref<128xi32, #tpu.memory_space<hbm>>
      %dma_wait3A_69 = tpu.memref_slice %arg3[%mul3A_66] : memref<6402048xi32, #tpu.memory_space<hbm>> -> memref<128xi32, #tpu.memory_space<hbm>>
      tpu.wait_dma2 semaphore(%arg23 : memref<!tpu.dma_semaphore, #tpu.memory_space<semaphore_mem>>) src(%dma_wait3A_69 : memref<128xi32, #tpu.memory_space<hbm>>) dst(%arg8 : memref<128xi32, #tpu.memory_space<vmem>>)
      %get3A = arith.constant 0 : index
      %get3A_70 = tpu.vector_load %arg8[%get3A] {strides = array<i32>} : memref<128xi32, #tpu.memory_space<vmem>>, vector<16xi32>,
      %get3A_71 = vector.shape_cast %get3A_70 : vector<16xi32> to vector<16xi32>
      %sub3A = vector.broadcast %mul3A_0 : i32 to vector<16xi32>
      %sub3A_72 = arith.subi %get3A_71, %sub3A : vector<16xi32>
      %ge3A = arith.constant 0 : i32
      %ge3A_73 = vector.broadcast %ge3A : i32 to vector<16xi32>
      %ge3A_74 = arith.cmpi sge, %sub3A_72, %ge3A_73 : vector<16xi32>
      %lt3A_75 = arith.constant 50000 : i32
      %lt3A_76 = vector.broadcast %lt3A_75 : i32 to vector<16xi32>
      %lt3A_77 = arith.cmpi slt, %sub3A_72, %lt3A_76 : vector<16xi32>
      %and3A = arith.andi %ge3A_74, %lt3A_77 : vector<16xi1>
      %jit3A = arith.constant -1 : i32
      %broadcast_in_dim3A = vector.broadcast %jit3A : i32 to vector<16xi32>
      %select_n3A = arith.select %and3A, %sub3A_72, %broadcast_in_dim3A : vector<16xi1>, vector<16xi32>
      %swap3A = arith.constant 0 : index
      %swap3A_78 = tpu.vector_load %arg9[%swap3A] {strides = array<i32>} : memref<128xi32, #tpu.memory_space<vmem>>, vector<16xi32>,
      %swap3A_79 = vector.shape_cast %swap3A_78 : vector<16xi32> to vector<16xi32>
      %swap3A_80 = vector.shape_cast %select_n3A : vector<16xi32> to vector<16xi32>
      tpu.vector_store %arg9[%swap3A], %swap3A_80 {strides = array<i32>} : memref<128xi32, #tpu.memory_space<vmem>>, vector<16xi32>,
      %get3A_81 = arith.constant 0 : index
      %get3A_82 = tpu.vector_load %arg7[%get3A_81] {strides = array<i32>} : memref<128xi32, #tpu.memory_space<vmem>>, vector<16xi32>,
      %get3A_83 = vector.shape_cast %get3A_82 : vector<16xi32> to vector<16xi32>
      %jit3A_84 = arith.constant -1 : i32
      %broadcast_in_dim3A_85 = vector.broadcast %jit3A_84 : i32 to vector<16xi32>
      %select_n3A_86 = arith.select %and3A, %get3A_83, %broadcast_in_dim3A_85 : vector<16xi1>, vector<16xi32>
      %swap3A_87 = arith.constant 0 : index
      %swap3A_88 = tpu.vector_load %arg10[%swap3A_87] {strides = array<i32>} : memref<128xi32, #tpu.memory_space<vmem>>, vector<16xi32>,
      %swap3A_89 = vector.shape_cast %swap3A_88 : vector<16xi32> to vector<16xi32>
      %swap3A_90 = vector.shape_cast %select_n3A_86 : vector<16xi32> to vector<16xi32>
      tpu.vector_store %arg10[%swap3A_87], %swap3A_90 {strides = array<i32>} : memref<128xi32, #tpu.memory_space<vmem>>, vector<16xi32>,
      %get3A_91 = arith.constant 16 : index
      %get3A_92 = tpu.vector_load %arg8[%get3A_91] {strides = array<i32>} : memref<128xi32, #tpu.memory_space<vmem>>, vector<16xi32>,
      %get3A_93 = vector.shape_cast %get3A_92 : vector<16xi32> to vector<16xi32>
      %sub3A_94 = vector.broadcast %mul3A_0 : i32 to vector<16xi32>
      %sub3A_95 = arith.subi %get3A_93, %sub3A_94 : vector<16xi32>
      %ge3A_96 = arith.constant 0 : i32
      %ge3A_97 = vector.broadcast %ge3A_96 : i32 to vector<16xi32>
      %ge3A_98 = arith.cmpi sge, %sub3A_95, %ge3A_97 : vector<16xi32>
      %lt3A_99 = arith.constant 50000 : i32
      %lt3A_100 = vector.broadcast %lt3A_99 : i32 to vector<16xi32>
      %lt3A_101 = arith.cmpi slt, %sub3A_95, %lt3A_100 : vector<16xi32>
      %and3A_102 = arith.andi %ge3A_98, %lt3A_101 : vector<16xi1>
      %jit3A_103 = arith.constant -1 : i32
      %broadcast_in_dim3A_104 = vector.broadcast %jit3A_103 : i32 to vector<16xi32>
      %select_n3A_105 = arith.select %and3A_102, %sub3A_95, %broadcast_in_dim3A_104 : vector<16xi1>, vector<16xi32>
      %swap3A_106 = arith.constant 16 : index
      %swap3A_107 = tpu.vector_load %arg9[%swap3A_106] {strides = array<i32>} : memref<128xi32, #tpu.memory_space<vmem>>, vector<16xi32>,
      %swap3A_108 = vector.shape_cast %swap3A_107 : vector<16xi32> to vector<16xi32>
      %swap3A_109 = vector.shape_cast %select_n3A_105 : vector<16xi32> to vector<16xi32>
      tpu.vector_store %arg9[%swap3A_106], %swap3A_109 {strides = array<i32>} : memref<128xi32, #tpu.memory_space<vmem>>, vector<16xi32>,
      %get3A_110 = arith.constant 16 : index
      %get3A_111 = tpu.vector_load %arg7[%get3A_110] {strides = array<i32>} : memref<128xi32, #tpu.memory_space<vmem>>, vector<16xi32>,
      %get3A_112 = vector.shape_cast %get3A_111 : vector<16xi32> to vector<16xi32>
      %jit3A_113 = arith.constant -1 : i32
      %broadcast_in_dim3A_114 = vector.broadcast %jit3A_113 : i32 to vector<16xi32>
      %select_n3A_115 = arith.select %and3A_102, %get3A_112, %broadcast_in_dim3A_114 : vector<16xi1>, vector<16xi32>
      %swap3A_116 = arith.constant 16 : index
      %swap3A_117 = tpu.vector_load %arg10[%swap3A_116] {strides = array<i32>} : memref<128xi32, #tpu.memory_space<vmem>>, vector<16xi32>,
      %swap3A_118 = vector.shape_cast %swap3A_117 : vector<16xi32> to vector<16xi32>
      %swap3A_119 = vector.shape_cast %select_n3A_115 : vector<16xi32> to vector<16xi32>
      tpu.vector_store %arg10[%swap3A_116], %swap3A_119 {strides = array<i32>} : memref<128xi32, #tpu.memory_space<vmem>>, vector<16xi32>,
      %get3A_120 = arith.constant 32 : index
      %get3A_121 = tpu.vector_load %arg8[%get3A_120] {strides = array<i32>} : memref<128xi32, #tpu.memory_space<vmem>>, vector<16xi32>,
      %get3A_122 = vector.shape_cast %get3A_121 : vector<16xi32> to vector<16xi32>
      %sub3A_123 = vector.broadcast %mul3A_0 : i32 to vector<16xi32>
      %sub3A_124 = arith.subi %get3A_122, %sub3A_123 : vector<16xi32>
      %ge3A_125 = arith.constant 0 : i32
      %ge3A_126 = vector.broadcast %ge3A_125 : i32 to vector<16xi32>
      %ge3A_127 = arith.cmpi sge, %sub3A_124, %ge3A_126 : vector<16xi32>
      %lt3A_128 = arith.constant 50000 : i32
      %lt3A_129 = vector.broadcast %lt3A_128 : i32 to vector<16xi32>
      %lt3A_130 = arith.cmpi slt, %sub3A_124, %lt3A_129 : vector<16xi32>
      %and3A_131 = arith.andi %ge3A_127, %lt3A_130 : vector<16xi1>
      %jit3A_132 = arith.constant -1 : i32
      %broadcast_in_dim3A_133 = vector.broadcast %jit3A_132 : i32 to vector<16xi32>
      %select_n3A_134 = arith.select %and3A_131, %sub3A_124, %broadcast_in_dim3A_133 : vector<16xi1>, vector<16xi32>
      %swap3A_135 = arith.constant 32 : index
      %swap3A_136 = tpu.vector_load %arg9[%swap3A_135] {strides = array<i32>} : memref<128xi32, #tpu.memory_space<vmem>>, vector<16xi32>,
      %swap3A_137 = vector.shape_cast %swap3A_136 : vector<16xi32> to vector<16xi32>
      %swap3A_138 = vector.shape_cast %select_n3A_134 : vector<16xi32> to vector<16xi32>
      tpu.vector_store %arg9[%swap3A_135], %swap3A_138 {strides = array<i32>} : memref<128xi32, #tpu.memory_space<vmem>>, vector<16xi32>,
      %get3A_139 = arith.constant 32 : index
      %get3A_140 = tpu.vector_load %arg7[%get3A_139] {strides = array<i32>} : memref<128xi32, #tpu.memory_space<vmem>>, vector<16xi32>,
      %get3A_141 = vector.shape_cast %get3A_140 : vector<16xi32> to vector<16xi32>
      %jit3A_142 = arith.constant -1 : i32
      %broadcast_in_dim3A_143 = vector.broadcast %jit3A_142 : i32 to vector<16xi32>
      %select_n3A_144 = arith.select %and3A_131, %get3A_141, %broadcast_in_dim3A_143 : vector<16xi1>, vector<16xi32>
      %swap3A_145 = arith.constant 32 : index
      %swap3A_146 = tpu.vector_load %arg10[%swap3A_145] {strides = array<i32>} : memref<128xi32, #tpu.memory_space<vmem>>, vector<16xi32>,
      %swap3A_147 = vector.shape_cast %swap3A_146 : vector<16xi32> to vector<16xi32>
      %swap3A_148 = vector.shape_cast %select_n3A_144 : vector<16xi32> to vector<16xi32>
      tpu.vector_store %arg10[%swap3A_145], %swap3A_148 {strides = array<i32>} : memref<128xi32, #tpu.memory_space<vmem>>, vector<16xi32>,
      %get3A_149 = arith.constant 48 : index
      %get3A_150 = tpu.vector_load %arg8[%get3A_149] {strides = array<i32>} : memref<128xi32, #tpu.memory_space<vmem>>, vector<16xi32>,
      %get3A_151 = vector.shape_cast %get3A_150 : vector<16xi32> to vector<16xi32>
      %sub3A_152 = vector.broadcast %mul3A_0 : i32 to vector<16xi32>
      %sub3A_153 = arith.subi %get3A_151, %sub3A_152 : vector<16xi32>
      %ge3A_154 = arith.constant 0 : i32
      %ge3A_155 = vector.broadcast %ge3A_154 : i32 to vector<16xi32>
      %ge3A_156 = arith.cmpi sge, %sub3A_153, %ge3A_155 : vector<16xi32>
      %lt3A_157 = arith.constant 50000 : i32
      %lt3A_158 = vector.broadcast %lt3A_157 : i32 to vector<16xi32>
      %lt3A_159 = arith.cmpi slt, %sub3A_153, %lt3A_158 : vector<16xi32>
      %and3A_160 = arith.andi %ge3A_156, %lt3A_159 : vector<16xi1>
      %jit3A_161 = arith.constant -1 : i32
      %broadcast_in_dim3A_162 = vector.broadcast %jit3A_161 : i32 to vector<16xi32>
      %select_n3A_163 = arith.select %and3A_160, %sub3A_153, %broadcast_in_dim3A_162 : vector<16xi1>, vector<16xi32>
      %swap3A_164 = arith.constant 48 : index
      %swap3A_165 = tpu.vector_load %arg9[%swap3A_164] {strides = array<i32>} : memref<128xi32, #tpu.memory_space<vmem>>, vector<16xi32>,
      %swap3A_166 = vector.shape_cast %swap3A_165 : vector<16xi32> to vector<16xi32>
      %swap3A_167 = vector.shape_cast %select_n3A_163 : vector<16xi32> to vector<16xi32>
      tpu.vector_store %arg9[%swap3A_164], %swap3A_167 {strides = array<i32>} : memref<128xi32, #tpu.memory_space<vmem>>, vector<16xi32>,
      %get3A_168 = arith.constant 48 : index
      %get3A_169 = tpu.vector_load %arg7[%get3A_168] {strides = array<i32>} : memref<128xi32, #tpu.memory_space<vmem>>, vector<16xi32>,
      %get3A_170 = vector.shape_cast %get3A_169 : vector<16xi32> to vector<16xi32>
      %jit3A_171 = arith.constant -1 : i32
      %broadcast_in_dim3A_172 = vector.broadcast %jit3A_171 : i32 to vector<16xi32>
      %select_n3A_173 = arith.select %and3A_160, %get3A_170, %broadcast_in_dim3A_172 : vector<16xi1>, vector<16xi32>
      %swap3A_174 = arith.constant 48 : index
      %swap3A_175 = tpu.vector_load %arg10[%swap3A_174] {strides = array<i32>} : memref<128xi32, #tpu.memory_space<vmem>>, vector<16xi32>,
      %swap3A_176 = vector.shape_cast %swap3A_175 : vector<16xi32> to vector<16xi32>
      %swap3A_177 = vector.shape_cast %select_n3A_173 : vector<16xi32> to vector<16xi32>
      tpu.vector_store %arg10[%swap3A_174], %swap3A_177 {strides = array<i32>} : memref<128xi32, #tpu.memory_space<vmem>>, vector<16xi32>,
      %get3A_178 = arith.constant 64 : index
      %get3A_179 = tpu.vector_load %arg8[%get3A_178] {strides = array<i32>} : memref<128xi32, #tpu.memory_space<vmem>>, vector<16xi32>,
      %get3A_180 = vector.shape_cast %get3A_179 : vector<16xi32> to vector<16xi32>
      %sub3A_181 = vector.broadcast %mul3A_0 : i32 to vector<16xi32>
      %sub3A_182 = arith.subi %get3A_180, %sub3A_181 : vector<16xi32>
      %ge3A_183 = arith.constant 0 : i32
      %ge3A_184 = vector.broadcast %ge3A_183 : i32 to vector<16xi32>
      %ge3A_185 = arith.cmpi sge, %sub3A_182, %ge3A_184 : vector<16xi32>
      %lt3A_186 = arith.constant 50000 : i32
      %lt3A_187 = vector.broadcast %lt3A_186 : i32 to vector<16xi32>
      %lt3A_188 = arith.cmpi slt, %sub3A_182, %lt3A_187 : vector<16xi32>
      %and3A_189 = arith.andi %ge3A_185, %lt3A_188 : vector<16xi1>
      %jit3A_190 = arith.constant -1 : i32
      %broadcast_in_dim3A_191 = vector.broadcast %jit3A_190 : i32 to vector<16xi32>
      %select_n3A_192 = arith.select %and3A_189, %sub3A_182, %broadcast_in_dim3A_191 : vector<16xi1>, vector<16xi32>
      %swap3A_193 = arith.constant 64 : index
      %swap3A_194 = tpu.vector_load %arg9[%swap3A_193] {strides = array<i32>} : memref<128xi32, #tpu.memory_space<vmem>>, vector<16xi32>,
      %swap3A_195 = vector.shape_cast %swap3A_194 : vector<16xi32> to vector<16xi32>
      %swap3A_196 = vector.shape_cast %select_n3A_192 : vector<16xi32> to vector<16xi32>
      tpu.vector_store %arg9[%swap3A_193], %swap3A_196 {strides = array<i32>} : memref<128xi32, #tpu.memory_space<vmem>>, vector<16xi32>,
      %get3A_197 = arith.constant 64 : index
      %get3A_198 = tpu.vector_load %arg7[%get3A_197] {strides = array<i32>} : memref<128xi32, #tpu.memory_space<vmem>>, vector<16xi32>,
      %get3A_199 = vector.shape_cast %get3A_198 : vector<16xi32> to vector<16xi32>
      %jit3A_200 = arith.constant -1 : i32
      %broadcast_in_dim3A_201 = vector.broadcast %jit3A_200 : i32 to vector<16xi32>
      %select_n3A_202 = arith.select %and3A_189, %get3A_199, %broadcast_in_dim3A_201 : vector<16xi1>, vector<16xi32>
      %swap3A_203 = arith.constant 64 : index
      %swap3A_204 = tpu.vector_load %arg10[%swap3A_203] {strides = array<i32>} : memref<128xi32, #tpu.memory_space<vmem>>, vector<16xi32>,
      %swap3A_205 = vector.shape_cast %swap3A_204 : vector<16xi32> to vector<16xi32>
      %swap3A_206 = vector.shape_cast %select_n3A_202 : vector<16xi32> to vector<16xi32>
      tpu.vector_store %arg10[%swap3A_203], %swap3A_206 {strides = array<i32>} : memref<128xi32, #tpu.memory_space<vmem>>, vector<16xi32>,
      %get3A_207 = arith.constant 80 : index
      %get3A_208 = tpu.vector_load %arg8[%get3A_207] {strides = array<i32>} : memref<128xi32, #tpu.memory_space<vmem>>, vector<16xi32>,
      %get3A_209 = vector.shape_cast %get3A_208 : vector<16xi32> to vector<16xi32>
      %sub3A_210 = vector.broadcast %mul3A_0 : i32 to vector<16xi32>
      %sub3A_211 = arith.subi %get3A_209, %sub3A_210 : vector<16xi32>
      %ge3A_212 = arith.constant 0 : i32
      %ge3A_213 = vector.broadcast %ge3A_212 : i32 to vector<16xi32>
      %ge3A_214 = arith.cmpi sge, %sub3A_211, %ge3A_213 : vector<16xi32>
      %lt3A_215 = arith.constant 50000 : i32
      %lt3A_216 = vector.broadcast %lt3A_215 : i32 to vector<16xi32>
      %lt3A_217 = arith.cmpi slt, %sub3A_211, %lt3A_216 : vector<16xi32>
      %and3A_218 = arith.andi %ge3A_214, %lt3A_217 : vector<16xi1>
      %jit3A_219 = arith.constant -1 : i32
      %broadcast_in_dim3A_220 = vector.broadcast %jit3A_219 : i32 to vector<16xi32>
      %select_n3A_221 = arith.select %and3A_218, %sub3A_211, %broadcast_in_dim3A_220 : vector<16xi1>, vector<16xi32>
      %swap3A_222 = arith.constant 80 : index
      %swap3A_223 = tpu.vector_load %arg9[%swap3A_222] {strides = array<i32>} : memref<128xi32, #tpu.memory_space<vmem>>, vector<16xi32>,
      %swap3A_224 = vector.shape_cast %swap3A_223 : vector<16xi32> to vector<16xi32>
      %swap3A_225 = vector.shape_cast %select_n3A_221 : vector<16xi32> to vector<16xi32>
      tpu.vector_store %arg9[%swap3A_222], %swap3A_225 {strides = array<i32>} : memref<128xi32, #tpu.memory_space<vmem>>, vector<16xi32>,
      %get3A_226 = arith.constant 80 : index
      %get3A_227 = tpu.vector_load %arg7[%get3A_226] {strides = array<i32>} : memref<128xi32, #tpu.memory_space<vmem>>, vector<16xi32>,
      %get3A_228 = vector.shape_cast %get3A_227 : vector<16xi32> to vector<16xi32>
      %jit3A_229 = arith.constant -1 : i32
      %broadcast_in_dim3A_230 = vector.broadcast %jit3A_229 : i32 to vector<16xi32>
      %select_n3A_231 = arith.select %and3A_218, %get3A_228, %broadcast_in_dim3A_230 : vector<16xi1>, vector<16xi32>
      %swap3A_232 = arith.constant 80 : index
      %swap3A_233 = tpu.vector_load %arg10[%swap3A_232] {strides = array<i32>} : memref<128xi32, #tpu.memory_space<vmem>>, vector<16xi32>,
      %swap3A_234 = vector.shape_cast %swap3A_233 : vector<16xi32> to vector<16xi32>
      %swap3A_235 = vector.shape_cast %select_n3A_231 : vector<16xi32> to vector<16xi32>
      tpu.vector_store %arg10[%swap3A_232], %swap3A_235 {strides = array<i32>} : memref<128xi32, #tpu.memory_space<vmem>>, vector<16xi32>,
      %get3A_236 = arith.constant 96 : index
      %get3A_237 = tpu.vector_load %arg8[%get3A_236] {strides = array<i32>} : memref<128xi32, #tpu.memory_space<vmem>>, vector<16xi32>,
      %get3A_238 = vector.shape_cast %get3A_237 : vector<16xi32> to vector<16xi32>
      %sub3A_239 = vector.broadcast %mul3A_0 : i32 to vector<16xi32>
      %sub3A_240 = arith.subi %get3A_238, %sub3A_239 : vector<16xi32>
      %ge3A_241 = arith.constant 0 : i32
      %ge3A_242 = vector.broadcast %ge3A_241 : i32 to vector<16xi32>
      %ge3A_243 = arith.cmpi sge, %sub3A_240, %ge3A_242 : vector<16xi32>
      %lt3A_244 = arith.constant 50000 : i32
      %lt3A_245 = vector.broadcast %lt3A_244 : i32 to vector<16xi32>
      %lt3A_246 = arith.cmpi slt, %sub3A_240, %lt3A_245 : vector<16xi32>
      %and3A_247 = arith.andi %ge3A_243, %lt3A_246 : vector<16xi1>
      %jit3A_248 = arith.constant -1 : i32
      %broadcast_in_dim3A_249 = vector.broadcast %jit3A_248 : i32 to vector<16xi32>
      %select_n3A_250 = arith.select %and3A_247, %sub3A_240, %broadcast_in_dim3A_249 : vector<16xi1>, vector<16xi32>
      %swap3A_251 = arith.constant 96 : index
      %swap3A_252 = tpu.vector_load %arg9[%swap3A_251] {strides = array<i32>} : memref<128xi32, #tpu.memory_space<vmem>>, vector<16xi32>,
      %swap3A_253 = vector.shape_cast %swap3A_252 : vector<16xi32> to vector<16xi32>
      %swap3A_254 = vector.shape_cast %select_n3A_250 : vector<16xi32> to vector<16xi32>
      tpu.vector_store %arg9[%swap3A_251], %swap3A_254 {strides = array<i32>} : memref<128xi32, #tpu.memory_space<vmem>>, vector<16xi32>,
      %get3A_255 = arith.constant 96 : index
      %get3A_256 = tpu.vector_load %arg7[%get3A_255] {strides = array<i32>} : memref<128xi32, #tpu.memory_space<vmem>>, vector<16xi32>,
      %get3A_257 = vector.shape_cast %get3A_256 : vector<16xi32> to vector<16xi32>
      %jit3A_258 = arith.constant -1 : i32
      %broadcast_in_dim3A_259 = vector.broadcast %jit3A_258 : i32 to vector<16xi32>
      %select_n3A_260 = arith.select %and3A_247, %get3A_257, %broadcast_in_dim3A_259 : vector<16xi1>, vector<16xi32>
      %swap3A_261 = arith.constant 96 : index
      %swap3A_262 = tpu.vector_load %arg10[%swap3A_261] {strides = array<i32>} : memref<128xi32, #tpu.memory_space<vmem>>, vector<16xi32>,
      %swap3A_263 = vector.shape_cast %swap3A_262 : vector<16xi32> to vector<16xi32>
      %swap3A_264 = vector.shape_cast %select_n3A_260 : vector<16xi32> to vector<16xi32>
      tpu.vector_store %arg10[%swap3A_261], %swap3A_264 {strides = array<i32>} : memref<128xi32, #tpu.memory_space<vmem>>, vector<16xi32>,
      %get3A_265 = arith.constant 112 : index
      %get3A_266 = tpu.vector_load %arg8[%get3A_265] {strides = array<i32>} : memref<128xi32, #tpu.memory_space<vmem>>, vector<16xi32>,
      %get3A_267 = vector.shape_cast %get3A_266 : vector<16xi32> to vector<16xi32>
      %sub3A_268 = vector.broadcast %mul3A_0 : i32 to vector<16xi32>
      %sub3A_269 = arith.subi %get3A_267, %sub3A_268 : vector<16xi32>
      %ge3A_270 = arith.constant 0 : i32
      %ge3A_271 = vector.broadcast %ge3A_270 : i32 to vector<16xi32>
      %ge3A_272 = arith.cmpi sge, %sub3A_269, %ge3A_271 : vector<16xi32>
      %lt3A_273 = arith.constant 50000 : i32
      %lt3A_274 = vector.broadcast %lt3A_273 : i32 to vector<16xi32>
      %lt3A_275 = arith.cmpi slt, %sub3A_269, %lt3A_274 : vector<16xi32>
      %and3A_276 = arith.andi %ge3A_272, %lt3A_275 : vector<16xi1>
      %jit3A_277 = arith.constant -1 : i32
      %broadcast_in_dim3A_278 = vector.broadcast %jit3A_277 : i32 to vector<16xi32>
      %select_n3A_279 = arith.select %and3A_276, %sub3A_269, %broadcast_in_dim3A_278 : vector<16xi1>, vector<16xi32>
      %swap3A_280 = arith.constant 112 : index
      %swap3A_281 = tpu.vector_load %arg9[%swap3A_280] {strides = array<i32>} : memref<128xi32, #tpu.memory_space<vmem>>, vector<16xi32>,
      %swap3A_282 = vector.shape_cast %swap3A_281 : vector<16xi32> to vector<16xi32>
      %swap3A_283 = vector.shape_cast %select_n3A_279 : vector<16xi32> to vector<16xi32>
      tpu.vector_store %arg9[%swap3A_280], %swap3A_283 {strides = array<i32>} : memref<128xi32, #tpu.memory_space<vmem>>, vector<16xi32>,
      %get3A_284 = arith.constant 112 : index
      %get3A_285 = tpu.vector_load %arg7[%get3A_284] {strides = array<i32>} : memref<128xi32, #tpu.memory_space<vmem>>, vector<16xi32>,
      %get3A_286 = vector.shape_cast %get3A_285 : vector<16xi32> to vector<16xi32>
      %jit3A_287 = arith.constant -1 : i32
      %broadcast_in_dim3A_288 = vector.broadcast %jit3A_287 : i32 to vector<16xi32>
      %select_n3A_289 = arith.select %and3A_276, %get3A_286, %broadcast_in_dim3A_288 : vector<16xi1>, vector<16xi32>
      %swap3A_290 = arith.constant 112 : index
      %swap3A_291 = tpu.vector_load %arg10[%swap3A_290] {strides = array<i32>} : memref<128xi32, #tpu.memory_space<vmem>>, vector<16xi32>,
      %swap3A_292 = vector.shape_cast %swap3A_291 : vector<16xi32> to vector<16xi32>
      %swap3A_293 = vector.shape_cast %select_n3A_289 : vector<16xi32> to vector<16xi32>
      tpu.vector_store %arg10[%swap3A_290], %swap3A_293 {strides = array<i32>} : memref<128xi32, #tpu.memory_space<vmem>>, vector<16xi32>,
      %dma_start3A_294 = arith.constant 0 : i32
      %dma_start3A_295 = arith.constant 0 : i32
      %dma_start3A_296 = tpu.memref_slice %arg4[%dma_start3A_294, %dma_start3A_295] : memref<100000x16xf32, #tpu.memory_space<hbm>> -> memref<100000x16xf32, #tpu.memory_space<hbm>>
      %dma_start3A_297 = arith.constant -1 : i32
      tpu.enqueue_indirect_dma source(%dma_start3A_296 : memref<100000x16xf32, #tpu.memory_space<hbm>>) target(%arg11 : memref<128x16xf32, #tpu.memory_space<vmem>>) offsets(%arg10 : memref<128xi32, #tpu.memory_space<vmem>>) offset_filter(%dma_start3A_297) semaphore(%arg26 : memref<!tpu.dma_semaphore, #tpu.memory_space<semaphore_mem>>)
      %mul3A_298 = arith.constant 3 : i32
      %mul3A_299 = arith.muli %scan3A_57, %mul3A_298 : i32
      %add3A_300 = arith.constant 1 : i32
      %add3A_301 = arith.addi %mul3A_299, %add3A_300 : i32
      %mul3A_302 = arith.constant 16 : i32
      %mul3A_303 = arith.muli %add3A_301, %mul3A_302 : i32
      %add3A_304 = arith.addi %mul3A_303, %arg1 : i32
      %mul3A_305 = arith.constant 128 : i32
      %mul3A_306 = arith.muli %add3A_304, %mul3A_305 : i32
      %dma_wait3A_307 = tpu.memref_slice %arg2[%mul3A_306] : memref<6402048xi32, #tpu.memory_space<hbm>> -> memref<128xi32, #tpu.memory_space<hbm>>
      %dma_wait3A_308 = tpu.memref_slice %arg2[%mul3A_306] : memref<6402048xi32, #tpu.memory_space<hbm>> -> memref<128xi32, #tpu.memory_space<hbm>>
      tpu.wait_dma2 semaphore(%arg24 : memref<!tpu.dma_semaphore, #tpu.memory_space<semaphore_mem>>) src(%dma_wait3A_308 : memref<128xi32, #tpu.memory_space<hbm>>) dst(%arg12 : memref<128xi32, #tpu.memory_space<vmem>>)
      %dma_wait3A_309 = tpu.memref_slice %arg3[%mul3A_306] : memref<6402048xi32, #tpu.memory_space<hbm>> -> memref<128xi32, #tpu.memory_space<hbm>>
      %dma_wait3A_310 = tpu.memref_slice %arg3[%mul3A_306] : memref<6402048xi32, #tpu.memory_space<hbm>> -> memref<128xi32, #tpu.memory_space<hbm>>
      tpu.wait_dma2 semaphore(%arg24 : memref<!tpu.dma_semaphore, #tpu.memory_space<semaphore_mem>>) src(%dma_wait3A_310 : memref<128xi32, #tpu.memory_space<hbm>>) dst(%arg13 : memref<128xi32, #tpu.memory_space<vmem>>)
      %get3A_311 = arith.constant 0 : index
      %get3A_312 = tpu.vector_load %arg13[%get3A_311] {strides = array<i32>} : memref<128xi32, #tpu.memory_space<vmem>>, vector<16xi32>,
      %get3A_313 = vector.shape_cast %get3A_312 : vector<16xi32> to vector<16xi32>
      %sub3A_314 = vector.broadcast %mul3A_0 : i32 to vector<16xi32>
      %sub3A_315 = arith.subi %get3A_313, %sub3A_314 : vector<16xi32>
      %ge3A_316 = arith.constant 0 : i32
      %ge3A_317 = vector.broadcast %ge3A_316 : i32 to vector<16xi32>
      %ge3A_318 = arith.cmpi sge, %sub3A_315, %ge3A_317 : vector<16xi32>
      %lt3A_319 = arith.constant 50000 : i32
      %lt3A_320 = vector.broadcast %lt3A_319 : i32 to vector<16xi32>
      %lt3A_321 = arith.cmpi slt, %sub3A_315, %lt3A_320 : vector<16xi32>
      %and3A_322 = arith.andi %ge3A_318, %lt3A_321 : vector<16xi1>
      %jit3A_323 = arith.constant -1 : i32
      %broadcast_in_dim3A_324 = vector.broadcast %jit3A_323 : i32 to vector<16xi32>
      %select_n3A_325 = arith.select %and3A_322, %sub3A_315, %broadcast_in_dim3A_324 : vector<16xi1>, vector<16xi32>
      %swap3A_326 = arith.constant 0 : index
      %swap3A_327 = tpu.vector_load %arg14[%swap3A_326] {strides = array<i32>} : memref<128xi32, #tpu.memory_space<vmem>>, vector<16xi32>,
      %swap3A_328 = vector.shape_cast %swap3A_327 : vector<16xi32> to vector<16xi32>
      %swap3A_329 = vector.shape_cast %select_n3A_325 : vector<16xi32> to vector<16xi32>
      tpu.vector_store %arg14[%swap3A_326], %swap3A_329 {strides = array<i32>} : memref<128xi32, #tpu.memory_space<vmem>>, vector<16xi32>,
      %get3A_330 = arith.constant 0 : index
      %get3A_331 = tpu.vector_load %arg12[%get3A_330] {strides = array<i32>} : memref<128xi32, #tpu.memory_space<vmem>>, vector<16xi32>,
      %get3A_332 = vector.shape_cast %get3A_331 : vector<16xi32> to vector<16xi32>
      %jit3A_333 = arith.constant -1 : i32
      %broadcast_in_dim3A_334 = vector.broadcast %jit3A_333 : i32 to vector<16xi32>
      %select_n3A_335 = arith.select %and3A_322, %get3A_332, %broadcast_in_dim3A_334 : vector<16xi1>, vector<16xi32>
      %swap3A_336 = arith.constant 0 : index
      %swap3A_337 = tpu.vector_load %arg15[%swap3A_336] {strides = array<i32>} : memref<128xi32, #tpu.memory_space<vmem>>, vector<16xi32>,
      %swap3A_338 = vector.shape_cast %swap3A_337 : vector<16xi32> to vector<16xi32>
      %swap3A_339 = vector.shape_cast %select_n3A_335 : vector<16xi32> to vector<16xi32>
      tpu.vector_store %arg15[%swap3A_336], %swap3A_339 {strides = array<i32>} : memref<128xi32, #tpu.memory_space<vmem>>, vector<16xi32>,
      %get3A_340 = arith.constant 16 : index
      %get3A_341 = tpu.vector_load %arg13[%get3A_340] {strides = array<i32>} : memref<128xi32, #tpu.memory_space<vmem>>, vector<16xi32>,
      %get3A_342 = vector.shape_cast %get3A_341 : vector<16xi32> to vector<16xi32>
      %sub3A_343 = vector.broadcast %mul3A_0 : i32 to vector<16xi32>
      %sub3A_344 = arith.subi %get3A_342, %sub3A_343 : vector<16xi32>
      %ge3A_345 = arith.constant 0 : i32
      %ge3A_346 = vector.broadcast %ge3A_345 : i32 to vector<16xi32>
      %ge3A_347 = arith.cmpi sge, %sub3A_344, %ge3A_346 : vector<16xi32>
      %lt3A_348 = arith.constant 50000 : i32
      %lt3A_349 = vector.broadcast %lt3A_348 : i32 to vector<16xi32>
      %lt3A_350 = arith.cmpi slt, %sub3A_344, %lt3A_349 : vector<16xi32>
      %and3A_351 = arith.andi %ge3A_347, %lt3A_350 : vector<16xi1>
      %jit3A_352 = arith.constant -1 : i32
      %broadcast_in_dim3A_353 = vector.broadcast %jit3A_352 : i32 to vector<16xi32>
      %select_n3A_354 = arith.select %and3A_351, %sub3A_344, %broadcast_in_dim3A_353 : vector<16xi1>, vector<16xi32>
      %swap3A_355 = arith.constant 16 : index
      %swap3A_356 = tpu.vector_load %arg14[%swap3A_355] {strides = array<i32>} : memref<128xi32, #tpu.memory_space<vmem>>, vector<16xi32>,
      %swap3A_357 = vector.shape_cast %swap3A_356 : vector<16xi32> to vector<16xi32>
      %swap3A_358 = vector.shape_cast %select_n3A_354 : vector<16xi32> to vector<16xi32>
      tpu.vector_store %arg14[%swap3A_355], %swap3A_358 {strides = array<i32>} : memref<128xi32, #tpu.memory_space<vmem>>, vector<16xi32>,
      %get3A_359 = arith.constant 16 : index
      %get3A_360 = tpu.vector_load %arg12[%get3A_359] {strides = array<i32>} : memref<128xi32, #tpu.memory_space<vmem>>, vector<16xi32>,
      %get3A_361 = vector.shape_cast %get3A_360 : vector<16xi32> to vector<16xi32>
      %jit3A_362 = arith.constant -1 : i32
      %broadcast_in_dim3A_363 = vector.broadcast %jit3A_362 : i32 to vector<16xi32>
      %select_n3A_364 = arith.select %and3A_351, %get3A_361, %broadcast_in_dim3A_363 : vector<16xi1>, vector<16xi32>
      %swap3A_365 = arith.constant 16 : index
      %swap3A_366 = tpu.vector_load %arg15[%swap3A_365] {strides = array<i32>} : memref<128xi32, #tpu.memory_space<vmem>>, vector<16xi32>,
      %swap3A_367 = vector.shape_cast %swap3A_366 : vector<16xi32> to vector<16xi32>
      %swap3A_368 = vector.shape_cast %select_n3A_364 : vector<16xi32> to vector<16xi32>
      tpu.vector_store %arg15[%swap3A_365], %swap3A_368 {strides = array<i32>} : memref<128xi32, #tpu.memory_space<vmem>>, vector<16xi32>,
      %get3A_369 = arith.constant 32 : index
      %get3A_370 = tpu.vector_load %arg13[%get3A_369] {strides = array<i32>} : memref<128xi32, #tpu.memory_space<vmem>>, vector<16xi32>,
      %get3A_371 = vector.shape_cast %get3A_370 : vector<16xi32> to vector<16xi32>
      %sub3A_372 = vector.broadcast %mul3A_0 : i32 to vector<16xi32>
      %sub3A_373 = arith.subi %get3A_371, %sub3A_372 : vector<16xi32>
      %ge3A_374 = arith.constant 0 : i32
      %ge3A_375 = vector.broadcast %ge3A_374 : i32 to vector<16xi32>
      %ge3A_376 = arith.cmpi sge, %sub3A_373, %ge3A_375 : vector<16xi32>
      %lt3A_377 = arith.constant 50000 : i32
      %lt3A_378 = vector.broadcast %lt3A_377 : i32 to vector<16xi32>
      %lt3A_379 = arith.cmpi slt, %sub3A_373, %lt3A_378 : vector<16xi32>
      %and3A_380 = arith.andi %ge3A_376, %lt3A_379 : vector<16xi1>
      %jit3A_381 = arith.constant -1 : i32
      %broadcast_in_dim3A_382 = vector.broadcast %jit3A_381 : i32 to vector<16xi32>
      %select_n3A_383 = arith.select %and3A_380, %sub3A_373, %broadcast_in_dim3A_382 : vector<16xi1>, vector<16xi32>
      %swap3A_384 = arith.constant 32 : index
      %swap3A_385 = tpu.vector_load %arg14[%swap3A_384] {strides = array<i32>} : memref<128xi32, #tpu.memory_space<vmem>>, vector<16xi32>,
      %swap3A_386 = vector.shape_cast %swap3A_385 : vector<16xi32> to vector<16xi32>
      %swap3A_387 = vector.shape_cast %select_n3A_383 : vector<16xi32> to vector<16xi32>
      tpu.vector_store %arg14[%swap3A_384], %swap3A_387 {strides = array<i32>} : memref<128xi32, #tpu.memory_space<vmem>>, vector<16xi32>,
      %get3A_388 = arith.constant 32 : index
      %get3A_389 = tpu.vector_load %arg12[%get3A_388] {strides = array<i32>} : memref<128xi32, #tpu.memory_space<vmem>>, vector<16xi32>,
      %get3A_390 = vector.shape_cast %get3A_389 : vector<16xi32> to vector<16xi32>
      %jit3A_391 = arith.constant -1 : i32
      %broadcast_in_dim3A_392 = vector.broadcast %jit3A_391 : i32 to vector<16xi32>
      %select_n3A_393 = arith.select %and3A_380, %get3A_390, %broadcast_in_dim3A_392 : vector<16xi1>, vector<16xi32>
      %swap3A_394 = arith.constant 32 : index
      %swap3A_395 = tpu.vector_load %arg15[%swap3A_394] {strides = array<i32>} : memref<128xi32, #tpu.memory_space<vmem>>, vector<16xi32>,
      %swap3A_396 = vector.shape_cast %swap3A_395 : vector<16xi32> to vector<16xi32>
      %swap3A_397 = vector.shape_cast %select_n3A_393 : vector<16xi32> to vector<16xi32>
      tpu.vector_store %arg15[%swap3A_394], %swap3A_397 {strides = array<i32>} : memref<128xi32, #tpu.memory_space<vmem>>, vector<16xi32>,
      %get3A_398 = arith.constant 48 : index
      %get3A_399 = tpu.vector_load %arg13[%get3A_398] {strides = array<i32>} : memref<128xi32, #tpu.memory_space<vmem>>, vector<16xi32>,
      %get3A_400 = vector.shape_cast %get3A_399 : vector<16xi32> to vector<16xi32>
      %sub3A_401 = vector.broadcast %mul3A_0 : i32 to vector<16xi32>
      %sub3A_402 = arith.subi %get3A_400, %sub3A_401 : vector<16xi32>
      %ge3A_403 = arith.constant 0 : i32
      %ge3A_404 = vector.broadcast %ge3A_403 : i32 to vector<16xi32>
      %ge3A_405 = arith.cmpi sge, %sub3A_402, %ge3A_404 : vector<16xi32>
      %lt3A_406 = arith.constant 50000 : i32
      %lt3A_407 = vector.broadcast %lt3A_406 : i32 to vector<16xi32>
      %lt3A_408 = arith.cmpi slt, %sub3A_402, %lt3A_407 : vector<16xi32>
      %and3A_409 = arith.andi %ge3A_405, %lt3A_408 : vector<16xi1>
      %jit3A_410 = arith.constant -1 : i32
      %broadcast_in_dim3A_411 = vector.broadcast %jit3A_410 : i32 to vector<16xi32>
      %select_n3A_412 = arith.select %and3A_409, %sub3A_402, %broadcast_in_dim3A_411 : vector<16xi1>, vector<16xi32>
      %swap3A_413 = arith.constant 48 : index
      %swap3A_414 = tpu.vector_load %arg14[%swap3A_413] {strides = array<i32>} : memref<128xi32, #tpu.memory_space<vmem>>, vector<16xi32>,
      %swap3A_415 = vector.shape_cast %swap3A_414 : vector<16xi32> to vector<16xi32>
      %swap3A_416 = vector.shape_cast %select_n3A_412 : vector<16xi32> to vector<16xi32>
      tpu.vector_store %arg14[%swap3A_413], %swap3A_416 {strides = array<i32>} : memref<128xi32, #tpu.memory_space<vmem>>, vector<16xi32>,
      %get3A_417 = arith.constant 48 : index
      %get3A_418 = tpu.vector_load %arg12[%get3A_417] {strides = array<i32>} : memref<128xi32, #tpu.memory_space<vmem>>, vector<16xi32>,
      %get3A_419 = vector.shape_cast %get3A_418 : vector<16xi32> to vector<16xi32>
      %jit3A_420 = arith.constant -1 : i32
      %broadcast_in_dim3A_421 = vector.broadcast %jit3A_420 : i32 to vector<16xi32>
      %select_n3A_422 = arith.select %and3A_409, %get3A_419, %broadcast_in_dim3A_421 : vector<16xi1>, vector<16xi32>
      %swap3A_423 = arith.constant 48 : index
      %swap3A_424 = tpu.vector_load %arg15[%swap3A_423] {strides = array<i32>} : memref<128xi32, #tpu.memory_space<vmem>>, vector<16xi32>,
      %swap3A_425 = vector.shape_cast %swap3A_424 : vector<16xi32> to vector<16xi32>
      %swap3A_426 = vector.shape_cast %select_n3A_422 : vector<16xi32> to vector<16xi32>
      tpu.vector_store %arg15[%swap3A_423], %swap3A_426 {strides = array<i32>} : memref<128xi32, #tpu.memory_space<vmem>>, vector<16xi32>,
      %get3A_427 = arith.constant 64 : index
      %get3A_428 = tpu.vector_load %arg13[%get3A_427] {strides = array<i32>} : memref<128xi32, #tpu.memory_space<vmem>>, vector<16xi32>,
      %get3A_429 = vector.shape_cast %get3A_428 : vector<16xi32> to vector<16xi32>
      %sub3A_430 = vector.broadcast %mul3A_0 : i32 to vector<16xi32>
      %sub3A_431 = arith.subi %get3A_429, %sub3A_430 : vector<16xi32>
      %ge3A_432 = arith.constant 0 : i32
      %ge3A_433 = vector.broadcast %ge3A_432 : i32 to vector<16xi32>
      %ge3A_434 = arith.cmpi sge, %sub3A_431, %ge3A_433 : vector<16xi32>
      %lt3A_435 = arith.constant 50000 : i32
      %lt3A_436 = vector.broadcast %lt3A_435 : i32 to vector<16xi32>
      %lt3A_437 = arith.cmpi slt, %sub3A_431, %lt3A_436 : vector<16xi32>
      %and3A_438 = arith.andi %ge3A_434, %lt3A_437 : vector<16xi1>
      %jit3A_439 = arith.constant -1 : i32
      %broadcast_in_dim3A_440 = vector.broadcast %jit3A_439 : i32 to vector<16xi32>
      %select_n3A_441 = arith.select %and3A_438, %sub3A_431, %broadcast_in_dim3A_440 : vector<16xi1>, vector<16xi32>
      %swap3A_442 = arith.constant 64 : index
      %swap3A_443 = tpu.vector_load %arg14[%swap3A_442] {strides = array<i32>} : memref<128xi32, #tpu.memory_space<vmem>>, vector<16xi32>,
      %swap3A_444 = vector.shape_cast %swap3A_443 : vector<16xi32> to vector<16xi32>
      %swap3A_445 = vector.shape_cast %select_n3A_441 : vector<16xi32> to vector<16xi32>
      tpu.vector_store %arg14[%swap3A_442], %swap3A_445 {strides = array<i32>} : memref<128xi32, #tpu.memory_space<vmem>>, vector<16xi32>,
      %get3A_446 = arith.constant 64 : index
      %get3A_447 = tpu.vector_load %arg12[%get3A_446] {strides = array<i32>} : memref<128xi32, #tpu.memory_space<vmem>>, vector<16xi32>,
      %get3A_448 = vector.shape_cast %get3A_447 : vector<16xi32> to vector<16xi32>
      %jit3A_449 = arith.constant -1 : i32
      %broadcast_in_dim3A_450 = vector.broadcast %jit3A_449 : i32 to vector<16xi32>
      %select_n3A_451 = arith.select %and3A_438, %get3A_448, %broadcast_in_dim3A_450 : vector<16xi1>, vector<16xi32>
      %swap3A_452 = arith.constant 64 : index
      %swap3A_453 = tpu.vector_load %arg15[%swap3A_452] {strides = array<i32>} : memref<128xi32, #tpu.memory_space<vmem>>, vector<16xi32>,
      %swap3A_454 = vector.shape_cast %swap3A_453 : vector<16xi32> to vector<16xi32>
      %swap3A_455 = vector.shape_cast %select_n3A_451 : vector<16xi32> to vector<16xi32>
      tpu.vector_store %arg15[%swap3A_452], %swap3A_455 {strides = array<i32>} : memref<128xi32, #tpu.memory_space<vmem>>, vector<16xi32>,
      %get3A_456 = arith.constant 80 : index
      %get3A_457 = tpu.vector_load %arg13[%get3A_456] {strides = array<i32>} : memref<128xi32, #tpu.memory_space<vmem>>, vector<16xi32>,
      %get3A_458 = vector.shape_cast %get3A_457 : vector<16xi32> to vector<16xi32>
      %sub3A_459 = vector.broadcast %mul3A_0 : i32 to vector<16xi32>
      %sub3A_460 = arith.subi %get3A_458, %sub3A_459 : vector<16xi32>
      %ge3A_461 = arith.constant 0 : i32
      %ge3A_462 = vector.broadcast %ge3A_461 : i32 to vector<16xi32>
      %ge3A_463 = arith.cmpi sge, %sub3A_460, %ge3A_462 : vector<16xi32>
      %lt3A_464 = arith.constant 50000 : i32
      %lt3A_465 = vector.broadcast %lt3A_464 : i32 to vector<16xi32>
      %lt3A_466 = arith.cmpi slt, %sub3A_460, %lt3A_465 : vector<16xi32>
      %and3A_467 = arith.andi %ge3A_463, %lt3A_466 : vector<16xi1>
      %jit3A_468 = arith.constant -1 : i32
      %broadcast_in_dim3A_469 = vector.broadcast %jit3A_468 : i32 to vector<16xi32>
      %select_n3A_470 = arith.select %and3A_467, %sub3A_460, %broadcast_in_dim3A_469 : vector<16xi1>, vector<16xi32>
      %swap3A_471 = arith.constant 80 : index
      %swap3A_472 = tpu.vector_load %arg14[%swap3A_471] {strides = array<i32>} : memref<128xi32, #tpu.memory_space<vmem>>, vector<16xi32>,
      %swap3A_473 = vector.shape_cast %swap3A_472 : vector<16xi32> to vector<16xi32>
      %swap3A_474 = vector.shape_cast %select_n3A_470 : vector<16xi32> to vector<16xi32>
      tpu.vector_store %arg14[%swap3A_471], %swap3A_474 {strides = array<i32>} : memref<128xi32, #tpu.memory_space<vmem>>, vector<16xi32>,
      %get3A_475 = arith.constant 80 : index
      %get3A_476 = tpu.vector_load %arg12[%get3A_475] {strides = array<i32>} : memref<128xi32, #tpu.memory_space<vmem>>, vector<16xi32>,
      %get3A_477 = vector.shape_cast %get3A_476 : vector<16xi32> to vector<16xi32>
      %jit3A_478 = arith.constant -1 : i32
      %broadcast_in_dim3A_479 = vector.broadcast %jit3A_478 : i32 to vector<16xi32>
      %select_n3A_480 = arith.select %and3A_467, %get3A_477, %broadcast_in_dim3A_479 : vector<16xi1>, vector<16xi32>
      %swap3A_481 = arith.constant 80 : index
      %swap3A_482 = tpu.vector_load %arg15[%swap3A_481] {strides = array<i32>} : memref<128xi32, #tpu.memory_space<vmem>>, vector<16xi32>,
      %swap3A_483 = vector.shape_cast %swap3A_482 : vector<16xi32> to vector<16xi32>
      %swap3A_484 = vector.shape_cast %select_n3A_480 : vector<16xi32> to vector<16xi32>
      tpu.vector_store %arg15[%swap3A_481], %swap3A_484 {strides = array<i32>} : memref<128xi32, #tpu.memory_space<vmem>>, vector<16xi32>,
      %get3A_485 = arith.constant 96 : index
      %get3A_486 = tpu.vector_load %arg13[%get3A_485] {strides = array<i32>} : memref<128xi32, #tpu.memory_space<vmem>>, vector<16xi32>,
      %get3A_487 = vector.shape_cast %get3A_486 : vector<16xi32> to vector<16xi32>
      %sub3A_488 = vector.broadcast %mul3A_0 : i32 to vector<16xi32>
      %sub3A_489 = arith.subi %get3A_487, %sub3A_488 : vector<16xi32>
      %ge3A_490 = arith.constant 0 : i32
      %ge3A_491 = vector.broadcast %ge3A_490 : i32 to vector<16xi32>
      %ge3A_492 = arith.cmpi sge, %sub3A_489, %ge3A_491 : vector<16xi32>
      %lt3A_493 = arith.constant 50000 : i32
      %lt3A_494 = vector.broadcast %lt3A_493 : i32 to vector<16xi32>
      %lt3A_495 = arith.cmpi slt, %sub3A_489, %lt3A_494 : vector<16xi32>
      %and3A_496 = arith.andi %ge3A_492, %lt3A_495 : vector<16xi1>
      %jit3A_497 = arith.constant -1 : i32
      %broadcast_in_dim3A_498 = vector.broadcast %jit3A_497 : i32 to vector<16xi32>
      %select_n3A_499 = arith.select %and3A_496, %sub3A_489, %broadcast_in_dim3A_498 : vector<16xi1>, vector<16xi32>
      %swap3A_500 = arith.constant 96 : index
      %swap3A_501 = tpu.vector_load %arg14[%swap3A_500] {strides = array<i32>} : memref<128xi32, #tpu.memory_space<vmem>>, vector<16xi32>,
      %swap3A_502 = vector.shape_cast %swap3A_501 : vector<16xi32> to vector<16xi32>
      %swap3A_503 = vector.shape_cast %select_n3A_499 : vector<16xi32> to vector<16xi32>
      tpu.vector_store %arg14[%swap3A_500], %swap3A_503 {strides = array<i32>} : memref<128xi32, #tpu.memory_space<vmem>>, vector<16xi32>,
      %get3A_504 = arith.constant 96 : index
      %get3A_505 = tpu.vector_load %arg12[%get3A_504] {strides = array<i32>} : memref<128xi32, #tpu.memory_space<vmem>>, vector<16xi32>,
      %get3A_506 = vector.shape_cast %get3A_505 : vector<16xi32> to vector<16xi32>
      %jit3A_507 = arith.constant -1 : i32
      %broadcast_in_dim3A_508 = vector.broadcast %jit3A_507 : i32 to vector<16xi32>
      %select_n3A_509 = arith.select %and3A_496, %get3A_506, %broadcast_in_dim3A_508 : vector<16xi1>, vector<16xi32>
      %swap3A_510 = arith.constant 96 : index
      %swap3A_511 = tpu.vector_load %arg15[%swap3A_510] {strides = array<i32>} : memref<128xi32, #tpu.memory_space<vmem>>, vector<16xi32>,
      %swap3A_512 = vector.shape_cast %swap3A_511 : vector<16xi32> to vector<16xi32>
      %swap3A_513 = vector.shape_cast %select_n3A_509 : vector<16xi32> to vector<16xi32>
      tpu.vector_store %arg15[%swap3A_510], %swap3A_513 {strides = array<i32>} : memref<128xi32, #tpu.memory_space<vmem>>, vector<16xi32>,
      %get3A_514 = arith.constant 112 : index
      %get3A_515 = tpu.vector_load %arg13[%get3A_514] {strides = array<i32>} : memref<128xi32, #tpu.memory_space<vmem>>, vector<16xi32>,
      %get3A_516 = vector.shape_cast %get3A_515 : vector<16xi32> to vector<16xi32>
      %sub3A_517 = vector.broadcast %mul3A_0 : i32 to vector<16xi32>
      %sub3A_518 = arith.subi %get3A_516, %sub3A_517 : vector<16xi32>
      %ge3A_519 = arith.constant 0 : i32
      %ge3A_520 = vector.broadcast %ge3A_519 : i32 to vector<16xi32>
      %ge3A_521 = arith.cmpi sge, %sub3A_518, %ge3A_520 : vector<16xi32>
      %lt3A_522 = arith.constant 50000 : i32
      %lt3A_523 = vector.broadcast %lt3A_522 : i32 to vector<16xi32>
      %lt3A_524 = arith.cmpi slt, %sub3A_518, %lt3A_523 : vector<16xi32>
      %and3A_525 = arith.andi %ge3A_521, %lt3A_524 : vector<16xi1>
      %jit3A_526 = arith.constant -1 : i32
      %broadcast_in_dim3A_527 = vector.broadcast %jit3A_526 : i32 to vector<16xi32>
      %select_n3A_528 = arith.select %and3A_525, %sub3A_518, %broadcast_in_dim3A_527 : vector<16xi1>, vector<16xi32>
      %swap3A_529 = arith.constant 112 : index
      %swap3A_530 = tpu.vector_load %arg14[%swap3A_529] {strides = array<i32>} : memref<128xi32, #tpu.memory_space<vmem>>, vector<16xi32>,
      %swap3A_531 = vector.shape_cast %swap3A_530 : vector<16xi32> to vector<16xi32>
      %swap3A_532 = vector.shape_cast %select_n3A_528 : vector<16xi32> to vector<16xi32>
      tpu.vector_store %arg14[%swap3A_529], %swap3A_532 {strides = array<i32>} : memref<128xi32, #tpu.memory_space<vmem>>, vector<16xi32>,
      %get3A_533 = arith.constant 112 : index
      %get3A_534 = tpu.vector_load %arg12[%get3A_533] {strides = array<i32>} : memref<128xi32, #tpu.memory_space<vmem>>, vector<16xi32>,
      %get3A_535 = vector.shape_cast %get3A_534 : vector<16xi32> to vector<16xi32>
      %jit3A_536 = arith.constant -1 : i32
      %broadcast_in_dim3A_537 = vector.broadcast %jit3A_536 : i32 to vector<16xi32>
      %select_n3A_538 = arith.select %and3A_525, %get3A_535, %broadcast_in_dim3A_537 : vector<16xi1>, vector<16xi32>
      %swap3A_539 = arith.constant 112 : index
      %swap3A_540 = tpu.vector_load %arg15[%swap3A_539] {strides = array<i32>} : memref<128xi32, #tpu.memory_space<vmem>>, vector<16xi32>,
      %swap3A_541 = vector.shape_cast %swap3A_540 : vector<16xi32> to vector<16xi32>
      %swap3A_542 = vector.shape_cast %select_n3A_538 : vector<16xi32> to vector<16xi32>
      tpu.vector_store %arg15[%swap3A_539], %swap3A_542 {strides = array<i32>} : memref<128xi32, #tpu.memory_space<vmem>>, vector<16xi32>,
      %dma_start3A_543 = arith.constant 0 : i32
      %dma_start3A_544 = arith.constant 0 : i32
      %dma_start3A_545 = tpu.memref_slice %arg4[%dma_start3A_543, %dma_start3A_544] : memref<100000x16xf32, #tpu.memory_space<hbm>> -> memref<100000x16xf32, #tpu.memory_space<hbm>>
      %dma_start3A_546 = arith.constant -1 : i32
      tpu.enqueue_indirect_dma source(%dma_start3A_545 : memref<100000x16xf32, #tpu.memory_space<hbm>>) target(%arg16 : memref<128x16xf32, #tpu.memory_space<vmem>>) offsets(%arg15 : memref<128xi32, #tpu.memory_space<vmem>>) offset_filter(%dma_start3A_546) semaphore(%arg27 : memref<!tpu.dma_semaphore, #tpu.memory_space<semaphore_mem>>)
      %mul3A_547 = arith.constant 3 : i32
      %mul3A_548 = arith.muli %scan3A_57, %mul3A_547 : i32
      %add3A_549 = arith.constant 2 : i32
      %add3A_550 = arith.addi %mul3A_548, %add3A_549 : i32
      %mul3A_551 = arith.constant 16 : i32
      %mul3A_552 = arith.muli %add3A_550, %mul3A_551 : i32
      %add3A_553 = arith.addi %mul3A_552, %arg1 : i32
      %mul3A_554 = arith.constant 128 : i32
      %mul3A_555 = arith.muli %add3A_553, %mul3A_554 : i32
      %dma_wait3A_556 = tpu.memref_slice %arg2[%mul3A_555] : memref<6402048xi32, #tpu.memory_space<hbm>> -> memref<128xi32, #tpu.memory_space<hbm>>
      %dma_wait3A_557 = tpu.memref_slice %arg2[%mul3A_555] : memref<6402048xi32, #tpu.memory_space<hbm>> -> memref<128xi32, #tpu.memory_space<hbm>>
      tpu.wait_dma2 semaphore(%arg25 : memref<!tpu.dma_semaphore, #tpu.memory_space<semaphore_mem>>) src(%dma_wait3A_557 : memref<128xi32, #tpu.memory_space<hbm>>) dst(%arg17 : memref<128xi32, #tpu.memory_space<vmem>>)
      %dma_wait3A_558 = tpu.memref_slice %arg3[%mul3A_555] : memref<6402048xi32, #tpu.memory_space<hbm>> -> memref<128xi32, #tpu.memory_space<hbm>>
      %dma_wait3A_559 = tpu.memref_slice %arg3[%mul3A_555] : memref<6402048xi32, #tpu.memory_space<hbm>> -> memref<128xi32, #tpu.memory_space<hbm>>
      tpu.wait_dma2 semaphore(%arg25 : memref<!tpu.dma_semaphore, #tpu.memory_space<semaphore_mem>>) src(%dma_wait3A_559 : memref<128xi32, #tpu.memory_space<hbm>>) dst(%arg18 : memref<128xi32, #tpu.memory_space<vmem>>)
      %get3A_560 = arith.constant 0 : index
      %get3A_561 = tpu.vector_load %arg18[%get3A_560] {strides = array<i32>} : memref<128xi32, #tpu.memory_space<vmem>>, vector<16xi32>,
      %get3A_562 = vector.shape_cast %get3A_561 : vector<16xi32> to vector<16xi32>
      %sub3A_563 = vector.broadcast %mul3A_0 : i32 to vector<16xi32>
      %sub3A_564 = arith.subi %get3A_562, %sub3A_563 : vector<16xi32>
      %ge3A_565 = arith.constant 0 : i32
      %ge3A_566 = vector.broadcast %ge3A_565 : i32 to vector<16xi32>
      %ge3A_567 = arith.cmpi sge, %sub3A_564, %ge3A_566 : vector<16xi32>
      %lt3A_568 = arith.constant 50000 : i32
      %lt3A_569 = vector.broadcast %lt3A_568 : i32 to vector<16xi32>
      %lt3A_570 = arith.cmpi slt, %sub3A_564, %lt3A_569 : vector<16xi32>
      %and3A_571 = arith.andi %ge3A_567, %lt3A_570 : vector<16xi1>
      %jit3A_572 = arith.constant -1 : i32
      %broadcast_in_dim3A_573 = vector.broadcast %jit3A_572 : i32 to vector<16xi32>
      %select_n3A_574 = arith.select %and3A_571, %sub3A_564, %broadcast_in_dim3A_573 : vector<16xi1>, vector<16xi32>
      %swap3A_575 = arith.constant 0 : index
      %swap3A_576 = tpu.vector_load %arg19[%swap3A_575] {strides = array<i32>} : memref<128xi32, #tpu.memory_space<vmem>>, vector<16xi32>,
      %swap3A_577 = vector.shape_cast %swap3A_576 : vector<16xi32> to vector<16xi32>
      %swap3A_578 = vector.shape_cast %select_n3A_574 : vector<16xi32> to vector<16xi32>
      tpu.vector_store %arg19[%swap3A_575], %swap3A_578 {strides = array<i32>} : memref<128xi32, #tpu.memory_space<vmem>>, vector<16xi32>,
      %get3A_579 = arith.constant 0 : index
      %get3A_580 = tpu.vector_load %arg17[%get3A_579] {strides = array<i32>} : memref<128xi32, #tpu.memory_space<vmem>>, vector<16xi32>,
      %get3A_581 = vector.shape_cast %get3A_580 : vector<16xi32> to vector<16xi32>
      %jit3A_582 = arith.constant -1 : i32
      %broadcast_in_dim3A_583 = vector.broadcast %jit3A_582 : i32 to vector<16xi32>
      %select_n3A_584 = arith.select %and3A_571, %get3A_581, %broadcast_in_dim3A_583 : vector<16xi1>, vector<16xi32>
      %swap3A_585 = arith.constant 0 : index
      %swap3A_586 = tpu.vector_load %arg20[%swap3A_585] {strides = array<i32>} : memref<128xi32, #tpu.memory_space<vmem>>, vector<16xi32>,
      %swap3A_587 = vector.shape_cast %swap3A_586 : vector<16xi32> to vector<16xi32>
      %swap3A_588 = vector.shape_cast %select_n3A_584 : vector<16xi32> to vector<16xi32>
      tpu.vector_store %arg20[%swap3A_585], %swap3A_588 {strides = array<i32>} : memref<128xi32, #tpu.memory_space<vmem>>, vector<16xi32>,
      %get3A_589 = arith.constant 16 : index
      %get3A_590 = tpu.vector_load %arg18[%get3A_589] {strides = array<i32>} : memref<128xi32, #tpu.memory_space<vmem>>, vector<16xi32>,
      %get3A_591 = vector.shape_cast %get3A_590 : vector<16xi32> to vector<16xi32>
      %sub3A_592 = vector.broadcast %mul3A_0 : i32 to vector<16xi32>
      %sub3A_593 = arith.subi %get3A_591, %sub3A_592 : vector<16xi32>
      %ge3A_594 = arith.constant 0 : i32
      %ge3A_595 = vector.broadcast %ge3A_594 : i32 to vector<16xi32>
      %ge3A_596 = arith.cmpi sge, %sub3A_593, %ge3A_595 : vector<16xi32>
      %lt3A_597 = arith.constant 50000 : i32
      %lt3A_598 = vector.broadcast %lt3A_597 : i32 to vector<16xi32>
      %lt3A_599 = arith.cmpi slt, %sub3A_593, %lt3A_598 : vector<16xi32>
      %and3A_600 = arith.andi %ge3A_596, %lt3A_599 : vector<16xi1>
      %jit3A_601 = arith.constant -1 : i32
      %broadcast_in_dim3A_602 = vector.broadcast %jit3A_601 : i32 to vector<16xi32>
      %select_n3A_603 = arith.select %and3A_600, %sub3A_593, %broadcast_in_dim3A_602 : vector<16xi1>, vector<16xi32>
      %swap3A_604 = arith.constant 16 : index
      %swap3A_605 = tpu.vector_load %arg19[%swap3A_604] {strides = array<i32>} : memref<128xi32, #tpu.memory_space<vmem>>, vector<16xi32>,
      %swap3A_606 = vector.shape_cast %swap3A_605 : vector<16xi32> to vector<16xi32>
      %swap3A_607 = vector.shape_cast %select_n3A_603 : vector<16xi32> to vector<16xi32>
      tpu.vector_store %arg19[%swap3A_604], %swap3A_607 {strides = array<i32>} : memref<128xi32, #tpu.memory_space<vmem>>, vector<16xi32>,
      %get3A_608 = arith.constant 16 : index
      %get3A_609 = tpu.vector_load %arg17[%get3A_608] {strides = array<i32>} : memref<128xi32, #tpu.memory_space<vmem>>, vector<16xi32>,
      %get3A_610 = vector.shape_cast %get3A_609 : vector<16xi32> to vector<16xi32>
      %jit3A_611 = arith.constant -1 : i32
      %broadcast_in_dim3A_612 = vector.broadcast %jit3A_611 : i32 to vector<16xi32>
      %select_n3A_613 = arith.select %and3A_600, %get3A_610, %broadcast_in_dim3A_612 : vector<16xi1>, vector<16xi32>
      %swap3A_614 = arith.constant 16 : index
      %swap3A_615 = tpu.vector_load %arg20[%swap3A_614] {strides = array<i32>} : memref<128xi32, #tpu.memory_space<vmem>>, vector<16xi32>,
      %swap3A_616 = vector.shape_cast %swap3A_615 : vector<16xi32> to vector<16xi32>
      %swap3A_617 = vector.shape_cast %select_n3A_613 : vector<16xi32> to vector<16xi32>
      tpu.vector_store %arg20[%swap3A_614], %swap3A_617 {strides = array<i32>} : memref<128xi32, #tpu.memory_space<vmem>>, vector<16xi32>,
      %get3A_618 = arith.constant 32 : index
      %get3A_619 = tpu.vector_load %arg18[%get3A_618] {strides = array<i32>} : memref<128xi32, #tpu.memory_space<vmem>>, vector<16xi32>,
      %get3A_620 = vector.shape_cast %get3A_619 : vector<16xi32> to vector<16xi32>
      %sub3A_621 = vector.broadcast %mul3A_0 : i32 to vector<16xi32>
      %sub3A_622 = arith.subi %get3A_620, %sub3A_621 : vector<16xi32>
      %ge3A_623 = arith.constant 0 : i32
      %ge3A_624 = vector.broadcast %ge3A_623 : i32 to vector<16xi32>
      %ge3A_625 = arith.cmpi sge, %sub3A_622, %ge3A_624 : vector<16xi32>
      %lt3A_626 = arith.constant 50000 : i32
      %lt3A_627 = vector.broadcast %lt3A_626 : i32 to vector<16xi32>
      %lt3A_628 = arith.cmpi slt, %sub3A_622, %lt3A_627 : vector<16xi32>
      %and3A_629 = arith.andi %ge3A_625, %lt3A_628 : vector<16xi1>
      %jit3A_630 = arith.constant -1 : i32
      %broadcast_in_dim3A_631 = vector.broadcast %jit3A_630 : i32 to vector<16xi32>
      %select_n3A_632 = arith.select %and3A_629, %sub3A_622, %broadcast_in_dim3A_631 : vector<16xi1>, vector<16xi32>
      %swap3A_633 = arith.constant 32 : index
      %swap3A_634 = tpu.vector_load %arg19[%swap3A_633] {strides = array<i32>} : memref<128xi32, #tpu.memory_space<vmem>>, vector<16xi32>,
      %swap3A_635 = vector.shape_cast %swap3A_634 : vector<16xi32> to vector<16xi32>
      %swap3A_636 = vector.shape_cast %select_n3A_632 : vector<16xi32> to vector<16xi32>
      tpu.vector_store %arg19[%swap3A_633], %swap3A_636 {strides = array<i32>} : memref<128xi32, #tpu.memory_space<vmem>>, vector<16xi32>,
      %get3A_637 = arith.constant 32 : index
      %get3A_638 = tpu.vector_load %arg17[%get3A_637] {strides = array<i32>} : memref<128xi32, #tpu.memory_space<vmem>>, vector<16xi32>,
      %get3A_639 = vector.shape_cast %get3A_638 : vector<16xi32> to vector<16xi32>
      %jit3A_640 = arith.constant -1 : i32
      %broadcast_in_dim3A_641 = vector.broadcast %jit3A_640 : i32 to vector<16xi32>
      %select_n3A_642 = arith.select %and3A_629, %get3A_639, %broadcast_in_dim3A_641 : vector<16xi1>, vector<16xi32>
      %swap3A_643 = arith.constant 32 : index
      %swap3A_644 = tpu.vector_load %arg20[%swap3A_643] {strides = array<i32>} : memref<128xi32, #tpu.memory_space<vmem>>, vector<16xi32>,
      %swap3A_645 = vector.shape_cast %swap3A_644 : vector<16xi32> to vector<16xi32>
      %swap3A_646 = vector.shape_cast %select_n3A_642 : vector<16xi32> to vector<16xi32>
      tpu.vector_store %arg20[%swap3A_643], %swap3A_646 {strides = array<i32>} : memref<128xi32, #tpu.memory_space<vmem>>, vector<16xi32>,
      %get3A_647 = arith.constant 48 : index
      %get3A_648 = tpu.vector_load %arg18[%get3A_647] {strides = array<i32>} : memref<128xi32, #tpu.memory_space<vmem>>, vector<16xi32>,
      %get3A_649 = vector.shape_cast %get3A_648 : vector<16xi32> to vector<16xi32>
      %sub3A_650 = vector.broadcast %mul3A_0 : i32 to vector<16xi32>
      %sub3A_651 = arith.subi %get3A_649, %sub3A_650 : vector<16xi32>
      %ge3A_652 = arith.constant 0 : i32
      %ge3A_653 = vector.broadcast %ge3A_652 : i32 to vector<16xi32>
      %ge3A_654 = arith.cmpi sge, %sub3A_651, %ge3A_653 : vector<16xi32>
      %lt3A_655 = arith.constant 50000 : i32
      %lt3A_656 = vector.broadcast %lt3A_655 : i32 to vector<16xi32>
      %lt3A_657 = arith.cmpi slt, %sub3A_651, %lt3A_656 : vector<16xi32>
      %and3A_658 = arith.andi %ge3A_654, %lt3A_657 : vector<16xi1>
      %jit3A_659 = arith.constant -1 : i32
      %broadcast_in_dim3A_660 = vector.broadcast %jit3A_659 : i32 to vector<16xi32>
      %select_n3A_661 = arith.select %and3A_658, %sub3A_651, %broadcast_in_dim3A_660 : vector<16xi1>, vector<16xi32>
      %swap3A_662 = arith.constant 48 : index
      %swap3A_663 = tpu.vector_load %arg19[%swap3A_662] {strides = array<i32>} : memref<128xi32, #tpu.memory_space<vmem>>, vector<16xi32>,
      %swap3A_664 = vector.shape_cast %swap3A_663 : vector<16xi32> to vector<16xi32>
      %swap3A_665 = vector.shape_cast %select_n3A_661 : vector<16xi32> to vector<16xi32>
      tpu.vector_store %arg19[%swap3A_662], %swap3A_665 {strides = array<i32>} : memref<128xi32, #tpu.memory_space<vmem>>, vector<16xi32>,
      %get3A_666 = arith.constant 48 : index
      %get3A_667 = tpu.vector_load %arg17[%get3A_666] {strides = array<i32>} : memref<128xi32, #tpu.memory_space<vmem>>, vector<16xi32>,
      %get3A_668 = vector.shape_cast %get3A_667 : vector<16xi32> to vector<16xi32>
      %jit3A_669 = arith.constant -1 : i32
      %broadcast_in_dim3A_670 = vector.broadcast %jit3A_669 : i32 to vector<16xi32>
      %select_n3A_671 = arith.select %and3A_658, %get3A_668, %broadcast_in_dim3A_670 : vector<16xi1>, vector<16xi32>
      %swap3A_672 = arith.constant 48 : index
      %swap3A_673 = tpu.vector_load %arg20[%swap3A_672] {strides = array<i32>} : memref<128xi32, #tpu.memory_space<vmem>>, vector<16xi32>,
      %swap3A_674 = vector.shape_cast %swap3A_673 : vector<16xi32> to vector<16xi32>
      %swap3A_675 = vector.shape_cast %select_n3A_671 : vector<16xi32> to vector<16xi32>
      tpu.vector_store %arg20[%swap3A_672], %swap3A_675 {strides = array<i32>} : memref<128xi32, #tpu.memory_space<vmem>>, vector<16xi32>,
      %get3A_676 = arith.constant 64 : index
      %get3A_677 = tpu.vector_load %arg18[%get3A_676] {strides = array<i32>} : memref<128xi32, #tpu.memory_space<vmem>>, vector<16xi32>,
      %get3A_678 = vector.shape_cast %get3A_677 : vector<16xi32> to vector<16xi32>
      %sub3A_679 = vector.broadcast %mul3A_0 : i32 to vector<16xi32>
      %sub3A_680 = arith.subi %get3A_678, %sub3A_679 : vector<16xi32>
      %ge3A_681 = arith.constant 0 : i32
      %ge3A_682 = vector.broadcast %ge3A_681 : i32 to vector<16xi32>
      %ge3A_683 = arith.cmpi sge, %sub3A_680, %ge3A_682 : vector<16xi32>
      %lt3A_684 = arith.constant 50000 : i32
      %lt3A_685 = vector.broadcast %lt3A_684 : i32 to vector<16xi32>
      %lt3A_686 = arith.cmpi slt, %sub3A_680, %lt3A_685 : vector<16xi32>
      %and3A_687 = arith.andi %ge3A_683, %lt3A_686 : vector<16xi1>
      %jit3A_688 = arith.constant -1 : i32
      %broadcast_in_dim3A_689 = vector.broadcast %jit3A_688 : i32 to vector<16xi32>
      %select_n3A_690 = arith.select %and3A_687, %sub3A_680, %broadcast_in_dim3A_689 : vector<16xi1>, vector<16xi32>
      %swap3A_691 = arith.constant 64 : index
      %swap3A_692 = tpu.vector_load %arg19[%swap3A_691] {strides = array<i32>} : memref<128xi32, #tpu.memory_space<vmem>>, vector<16xi32>,
      %swap3A_693 = vector.shape_cast %swap3A_692 : vector<16xi32> to vector<16xi32>
      %swap3A_694 = vector.shape_cast %select_n3A_690 : vector<16xi32> to vector<16xi32>
      tpu.vector_store %arg19[%swap3A_691], %swap3A_694 {strides = array<i32>} : memref<128xi32, #tpu.memory_space<vmem>>, vector<16xi32>,
      %get3A_695 = arith.constant 64 : index
      %get3A_696 = tpu.vector_load %arg17[%get3A_695] {strides = array<i32>} : memref<128xi32, #tpu.memory_space<vmem>>, vector<16xi32>,
      %get3A_697 = vector.shape_cast %get3A_696 : vector<16xi32> to vector<16xi32>
      %jit3A_698 = arith.constant -1 : i32
      %broadcast_in_dim3A_699 = vector.broadcast %jit3A_698 : i32 to vector<16xi32>
      %select_n3A_700 = arith.select %and3A_687, %get3A_697, %broadcast_in_dim3A_699 : vector<16xi1>, vector<16xi32>
      %swap3A_701 = arith.constant 64 : index
      %swap3A_702 = tpu.vector_load %arg20[%swap3A_701] {strides = array<i32>} : memref<128xi32, #tpu.memory_space<vmem>>, vector<16xi32>,
      %swap3A_703 = vector.shape_cast %swap3A_702 : vector<16xi32> to vector<16xi32>
      %swap3A_704 = vector.shape_cast %select_n3A_700 : vector<16xi32> to vector<16xi32>
      tpu.vector_store %arg20[%swap3A_701], %swap3A_704 {strides = array<i32>} : memref<128xi32, #tpu.memory_space<vmem>>, vector<16xi32>,
      %get3A_705 = arith.constant 80 : index
      %get3A_706 = tpu.vector_load %arg18[%get3A_705] {strides = array<i32>} : memref<128xi32, #tpu.memory_space<vmem>>, vector<16xi32>,
      %get3A_707 = vector.shape_cast %get3A_706 : vector<16xi32> to vector<16xi32>
      %sub3A_708 = vector.broadcast %mul3A_0 : i32 to vector<16xi32>
      %sub3A_709 = arith.subi %get3A_707, %sub3A_708 : vector<16xi32>
      %ge3A_710 = arith.constant 0 : i32
      %ge3A_711 = vector.broadcast %ge3A_710 : i32 to vector<16xi32>
      %ge3A_712 = arith.cmpi sge, %sub3A_709, %ge3A_711 : vector<16xi32>
      %lt3A_713 = arith.constant 50000 : i32
      %lt3A_714 = vector.broadcast %lt3A_713 : i32 to vector<16xi32>
      %lt3A_715 = arith.cmpi slt, %sub3A_709, %lt3A_714 : vector<16xi32>
      %and3A_716 = arith.andi %ge3A_712, %lt3A_715 : vector<16xi1>
      %jit3A_717 = arith.constant -1 : i32
      %broadcast_in_dim3A_718 = vector.broadcast %jit3A_717 : i32 to vector<16xi32>
      %select_n3A_719 = arith.select %and3A_716, %sub3A_709, %broadcast_in_dim3A_718 : vector<16xi1>, vector<16xi32>
      %swap3A_720 = arith.constant 80 : index
      %swap3A_721 = tpu.vector_load %arg19[%swap3A_720] {strides = array<i32>} : memref<128xi32, #tpu.memory_space<vmem>>, vector<16xi32>,
      %swap3A_722 = vector.shape_cast %swap3A_721 : vector<16xi32> to vector<16xi32>
      %swap3A_723 = vector.shape_cast %select_n3A_719 : vector<16xi32> to vector<16xi32>
      tpu.vector_store %arg19[%swap3A_720], %swap3A_723 {strides = array<i32>} : memref<128xi32, #tpu.memory_space<vmem>>, vector<16xi32>,
      %get3A_724 = arith.constant 80 : index
      %get3A_725 = tpu.vector_load %arg17[%get3A_724] {strides = array<i32>} : memref<128xi32, #tpu.memory_space<vmem>>, vector<16xi32>,
      %get3A_726 = vector.shape_cast %get3A_725 : vector<16xi32> to vector<16xi32>
      %jit3A_727 = arith.constant -1 : i32
      %broadcast_in_dim3A_728 = vector.broadcast %jit3A_727 : i32 to vector<16xi32>
      %select_n3A_729 = arith.select %and3A_716, %get3A_726, %broadcast_in_dim3A_728 : vector<16xi1>, vector<16xi32>
      %swap3A_730 = arith.constant 80 : index
      %swap3A_731 = tpu.vector_load %arg20[%swap3A_730] {strides = array<i32>} : memref<128xi32, #tpu.memory_space<vmem>>, vector<16xi32>,
      %swap3A_732 = vector.shape_cast %swap3A_731 : vector<16xi32> to vector<16xi32>
      %swap3A_733 = vector.shape_cast %select_n3A_729 : vector<16xi32> to vector<16xi32>
      tpu.vector_store %arg20[%swap3A_730], %swap3A_733 {strides = array<i32>} : memref<128xi32, #tpu.memory_space<vmem>>, vector<16xi32>,
      %get3A_734 = arith.constant 96 : index
      %get3A_735 = tpu.vector_load %arg18[%get3A_734] {strides = array<i32>} : memref<128xi32, #tpu.memory_space<vmem>>, vector<16xi32>,
      %get3A_736 = vector.shape_cast %get3A_735 : vector<16xi32> to vector<16xi32>
      %sub3A_737 = vector.broadcast %mul3A_0 : i32 to vector<16xi32>
      %sub3A_738 = arith.subi %get3A_736, %sub3A_737 : vector<16xi32>
      %ge3A_739 = arith.constant 0 : i32
      %ge3A_740 = vector.broadcast %ge3A_739 : i32 to vector<16xi32>
      %ge3A_741 = arith.cmpi sge, %sub3A_738, %ge3A_740 : vector<16xi32>
      %lt3A_742 = arith.constant 50000 : i32
      %lt3A_743 = vector.broadcast %lt3A_742 : i32 to vector<16xi32>
      %lt3A_744 = arith.cmpi slt, %sub3A_738, %lt3A_743 : vector<16xi32>
      %and3A_745 = arith.andi %ge3A_741, %lt3A_744 : vector<16xi1>
      %jit3A_746 = arith.constant -1 : i32
      %broadcast_in_dim3A_747 = vector.broadcast %jit3A_746 : i32 to vector<16xi32>
      %select_n3A_748 = arith.select %and3A_745, %sub3A_738, %broadcast_in_dim3A_747 : vector<16xi1>, vector<16xi32>
      %swap3A_749 = arith.constant 96 : index
      %swap3A_750 = tpu.vector_load %arg19[%swap3A_749] {strides = array<i32>} : memref<128xi32, #tpu.memory_space<vmem>>, vector<16xi32>,
      %swap3A_751 = vector.shape_cast %swap3A_750 : vector<16xi32> to vector<16xi32>
      %swap3A_752 = vector.shape_cast %select_n3A_748 : vector<16xi32> to vector<16xi32>
      tpu.vector_store %arg19[%swap3A_749], %swap3A_752 {strides = array<i32>} : memref<128xi32, #tpu.memory_space<vmem>>, vector<16xi32>,
      %get3A_753 = arith.constant 96 : index
      %get3A_754 = tpu.vector_load %arg17[%get3A_753] {strides = array<i32>} : memref<128xi32, #tpu.memory_space<vmem>>, vector<16xi32>,
      %get3A_755 = vector.shape_cast %get3A_754 : vector<16xi32> to vector<16xi32>
      %jit3A_756 = arith.constant -1 : i32
      %broadcast_in_dim3A_757 = vector.broadcast %jit3A_756 : i32 to vector<16xi32>
      %select_n3A_758 = arith.select %and3A_745, %get3A_755, %broadcast_in_dim3A_757 : vector<16xi1>, vector<16xi32>
      %swap3A_759 = arith.constant 96 : index
      %swap3A_760 = tpu.vector_load %arg20[%swap3A_759] {strides = array<i32>} : memref<128xi32, #tpu.memory_space<vmem>>, vector<16xi32>,
      %swap3A_761 = vector.shape_cast %swap3A_760 : vector<16xi32> to vector<16xi32>
      %swap3A_762 = vector.shape_cast %select_n3A_758 : vector<16xi32> to vector<16xi32>
      tpu.vector_store %arg20[%swap3A_759], %swap3A_762 {strides = array<i32>} : memref<128xi32, #tpu.memory_space<vmem>>, vector<16xi32>,
      %get3A_763 = arith.constant 112 : index
      %get3A_764 = tpu.vector_load %arg18[%get3A_763] {strides = array<i32>} : memref<128xi32, #tpu.memory_space<vmem>>, vector<16xi32>,
      %get3A_765 = vector.shape_cast %get3A_764 : vector<16xi32> to vector<16xi32>
      %sub3A_766 = vector.broadcast %mul3A_0 : i32 to vector<16xi32>
      %sub3A_767 = arith.subi %get3A_765, %sub3A_766 : vector<16xi32>
      %ge3A_768 = arith.constant 0 : i32
      %ge3A_769 = vector.broadcast %ge3A_768 : i32 to vector<16xi32>
      %ge3A_770 = arith.cmpi sge, %sub3A_767, %ge3A_769 : vector<16xi32>
      %lt3A_771 = arith.constant 50000 : i32
      %lt3A_772 = vector.broadcast %lt3A_771 : i32 to vector<16xi32>
      %lt3A_773 = arith.cmpi slt, %sub3A_767, %lt3A_772 : vector<16xi32>
      %and3A_774 = arith.andi %ge3A_770, %lt3A_773 : vector<16xi1>
      %jit3A_775 = arith.constant -1 : i32
      %broadcast_in_dim3A_776 = vector.broadcast %jit3A_775 : i32 to vector<16xi32>
      %select_n3A_777 = arith.select %and3A_774, %sub3A_767, %broadcast_in_dim3A_776 : vector<16xi1>, vector<16xi32>
      %swap3A_778 = arith.constant 112 : index
      %swap3A_779 = tpu.vector_load %arg19[%swap3A_778] {strides = array<i32>} : memref<128xi32, #tpu.memory_space<vmem>>, vector<16xi32>,
      %swap3A_780 = vector.shape_cast %swap3A_779 : vector<16xi32> to vector<16xi32>
      %swap3A_781 = vector.shape_cast %select_n3A_777 : vector<16xi32> to vector<16xi32>
      tpu.vector_store %arg19[%swap3A_778], %swap3A_781 {strides = array<i32>} : memref<128xi32, #tpu.memory_space<vmem>>, vector<16xi32>,
      %get3A_782 = arith.constant 112 : index
      %get3A_783 = tpu.vector_load %arg17[%get3A_782] {strides = array<i32>} : memref<128xi32, #tpu.memory_space<vmem>>, vector<16xi32>,
      %get3A_784 = vector.shape_cast %get3A_783 : vector<16xi32> to vector<16xi32>
      %jit3A_785 = arith.constant -1 : i32
      %broadcast_in_dim3A_786 = vector.broadcast %jit3A_785 : i32 to vector<16xi32>
      %select_n3A_787 = arith.select %and3A_774, %get3A_784, %broadcast_in_dim3A_786 : vector<16xi1>, vector<16xi32>
      %swap3A_788 = arith.constant 112 : index
      %swap3A_789 = tpu.vector_load %arg20[%swap3A_788] {strides = array<i32>} : memref<128xi32, #tpu.memory_space<vmem>>, vector<16xi32>,
      %swap3A_790 = vector.shape_cast %swap3A_789 : vector<16xi32> to vector<16xi32>
      %swap3A_791 = vector.shape_cast %select_n3A_787 : vector<16xi32> to vector<16xi32>
      tpu.vector_store %arg20[%swap3A_788], %swap3A_791 {strides = array<i32>} : memref<128xi32, #tpu.memory_space<vmem>>, vector<16xi32>,
      %dma_start3A_792 = arith.constant 0 : i32
      %dma_start3A_793 = arith.constant 0 : i32
      %dma_start3A_794 = tpu.memref_slice %arg4[%dma_start3A_792, %dma_start3A_793] : memref<100000x16xf32, #tpu.memory_space<hbm>> -> memref<100000x16xf32, #tpu.memory_space<hbm>>
      %dma_start3A_795 = arith.constant -1 : i32
      tpu.enqueue_indirect_dma source(%dma_start3A_794 : memref<100000x16xf32, #tpu.memory_space<hbm>>) target(%arg21 : memref<128x16xf32, #tpu.memory_space<vmem>>) offsets(%arg20 : memref<128xi32, #tpu.memory_space<vmem>>) offset_filter(%dma_start3A_795) semaphore(%arg28 : memref<!tpu.dma_semaphore, #tpu.memory_space<semaphore_mem>>)
      %dma_wait3A_796 = arith.constant 0 : i32
      %dma_wait3A_797 = arith.constant 0 : i32
      %dma_wait3A_798 = tpu.memref_slice %arg4[%dma_wait3A_796, %dma_wait3A_797] : memref<100000x16xf32, #tpu.memory_space<hbm>> -> memref<100000x16xf32, #tpu.memory_space<hbm>>
      tpu.wait_indirect_dma semaphore(%arg26 : memref<!tpu.dma_semaphore, #tpu.memory_space<semaphore_mem>>) src(%dma_wait3A_798 : memref<100000x16xf32, #tpu.memory_space<hbm>>) dst(%arg11 : memref<128x16xf32, #tpu.memory_space<vmem>>)
      %dma_start3A_799 = arith.constant 0 : i32
      %dma_start3A_800 = arith.constant 0 : i32
      %dma_start3A_801 = tpu.memref_slice %arg22[%dma_start3A_799, %dma_start3A_800] : memref<50008x16xf32, #tpu.memory_space<vmem_shared>> -> memref<50008x16xf32, #tpu.memory_space<vmem_shared>>
      %dma_start3A_802 = arith.constant -1 : i32
      tpu.enqueue_indirect_dma source(%arg11 : memref<128x16xf32, #tpu.memory_space<vmem>>) target(%dma_start3A_801 : memref<50008x16xf32, #tpu.memory_space<vmem_shared>>) offsets(%arg9 : memref<128xi32, #tpu.memory_space<vmem>>) offset_filter(%dma_start3A_802) semaphore(%arg29 : memref<!tpu.dma_semaphore, #tpu.memory_space<semaphore_mem>>) {add = true}
      %dma_wait3A_803 = arith.constant 0 : i32
      %dma_wait3A_804 = arith.constant 0 : i32
      %dma_wait3A_805 = tpu.memref_slice %arg4[%dma_wait3A_803, %dma_wait3A_804] : memref<100000x16xf32, #tpu.memory_space<hbm>> -> memref<100000x16xf32, #tpu.memory_space<hbm>>
      tpu.wait_indirect_dma semaphore(%arg27 : memref<!tpu.dma_semaphore, #tpu.memory_space<semaphore_mem>>) src(%dma_wait3A_805 : memref<100000x16xf32, #tpu.memory_space<hbm>>) dst(%arg16 : memref<128x16xf32, #tpu.memory_space<vmem>>)
      %dma_start3A_806 = arith.constant 0 : i32
      %dma_start3A_807 = arith.constant 0 : i32
      %dma_start3A_808 = tpu.memref_slice %arg22[%dma_start3A_806, %dma_start3A_807] : memref<50008x16xf32, #tpu.memory_space<vmem_shared>> -> memref<50008x16xf32, #tpu.memory_space<vmem_shared>>
      %dma_start3A_809 = arith.constant -1 : i32
      tpu.enqueue_indirect_dma source(%arg16 : memref<128x16xf32, #tpu.memory_space<vmem>>) target(%dma_start3A_808 : memref<50008x16xf32, #tpu.memory_space<vmem_shared>>) offsets(%arg14 : memref<128xi32, #tpu.memory_space<vmem>>) offset_filter(%dma_start3A_809) semaphore(%arg30 : memref<!tpu.dma_semaphore, #tpu.memory_space<semaphore_mem>>) {add = true}
      %dma_wait3A_810 = arith.constant 0 : i32
      %dma_wait3A_811 = arith.constant 0 : i32
      %dma_wait3A_812 = tpu.memref_slice %arg4[%dma_wait3A_810, %dma_wait3A_811] : memref<100000x16xf32, #tpu.memory_space<hbm>> -> memref<100000x16xf32, #tpu.memory_space<hbm>>
      tpu.wait_indirect_dma semaphore(%arg28 : memref<!tpu.dma_semaphore, #tpu.memory_space<semaphore_mem>>) src(%dma_wait3A_812 : memref<100000x16xf32, #tpu.memory_space<hbm>>) dst(%arg21 : memref<128x16xf32, #tpu.memory_space<vmem>>)
      %dma_start3A_813 = arith.constant 0 : i32
      %dma_start3A_814 = arith.constant 0 : i32
      %dma_start3A_815 = tpu.memref_slice %arg22[%dma_start3A_813, %dma_start3A_814] : memref<50008x16xf32, #tpu.memory_space<vmem_shared>> -> memref<50008x16xf32, #tpu.memory_space<vmem_shared>>
      %dma_start3A_816 = arith.constant -1 : i32
      tpu.enqueue_indirect_dma source(%arg21 : memref<128x16xf32, #tpu.memory_space<vmem>>) target(%dma_start3A_815 : memref<50008x16xf32, #tpu.memory_space<vmem_shared>>) offsets(%arg19 : memref<128xi32, #tpu.memory_space<vmem>>) offset_filter(%dma_start3A_816) semaphore(%arg31 : memref<!tpu.dma_semaphore, #tpu.memory_space<semaphore_mem>>) {add = true}
      %dma_wait3A_817 = arith.constant 0 : i32
      %dma_wait3A_818 = arith.constant 0 : i32
      %dma_wait3A_819 = tpu.memref_slice %arg22[%dma_wait3A_817, %dma_wait3A_818] : memref<50008x16xf32, #tpu.memory_space<vmem_shared>> -> memref<50008x16xf32, #tpu.memory_space<vmem_shared>>
      tpu.wait_indirect_dma semaphore(%arg29 : memref<!tpu.dma_semaphore, #tpu.memory_space<semaphore_mem>>) src(%arg11 : memref<128x16xf32, #tpu.memory_space<vmem>>) dst(%dma_wait3A_819 : memref<50008x16xf32, #tpu.memory_space<vmem_shared>>)
      %dma_wait3A_820 = arith.constant 0 : i32
      %dma_wait3A_821 = arith.constant 0 : i32
      %dma_wait3A_822 = tpu.memref_slice %arg22[%dma_wait3A_820, %dma_wait3A_821] : memref<50008x16xf32, #tpu.memory_space<vmem_shared>> -> memref<50008x16xf32, #tpu.memory_space<vmem_shared>>
      tpu.wait_indirect_dma semaphore(%arg30 : memref<!tpu.dma_semaphore, #tpu.memory_space<semaphore_mem>>) src(%arg16 : memref<128x16xf32, #tpu.memory_space<vmem>>) dst(%dma_wait3A_822 : memref<50008x16xf32, #tpu.memory_space<vmem_shared>>)
      %dma_wait3A_823 = arith.constant 0 : i32
      %dma_wait3A_824 = arith.constant 0 : i32
      %dma_wait3A_825 = tpu.memref_slice %arg22[%dma_wait3A_823, %dma_wait3A_824] : memref<50008x16xf32, #tpu.memory_space<vmem_shared>> -> memref<50008x16xf32, #tpu.memory_space<vmem_shared>>
      tpu.wait_indirect_dma semaphore(%arg31 : memref<!tpu.dma_semaphore, #tpu.memory_space<semaphore_mem>>) src(%arg21 : memref<128x16xf32, #tpu.memory_space<vmem>>) dst(%dma_wait3A_825 : memref<50008x16xf32, #tpu.memory_space<vmem_shared>>)
      %add3A_826 = arith.constant 1 : i32
      %add3A_827 = arith.addi %scan3A_57, %add3A_826 : i32
      %lt3A_828 = arith.constant 1042 : i32
      %lt3A_829 = arith.cmpi slt, %add3A_827, %lt3A_828 : i32
      %convert_element_type3A_830 = arith.extui %lt3A_829 : i1 to i32
      %cond3A_831 = arith.constant 0 : i32
      %cond3A_832 = arith.cmpi ne, %convert_element_type3A_830, %cond3A_831 : i32
      scf.if %cond3A_832 {
        %add3A_833 = arith.constant 1 : i32
        %add3A_834 = arith.addi %scan3A_57, %add3A_833 : i32
        %mul3A_835 = arith.constant 3 : i32
        %mul3A_836 = arith.muli %add3A_834, %mul3A_835 : i32
        %add3A_837 = arith.constant 0 : i32
        %add3A_838 = arith.addi %mul3A_836, %add3A_837 : i32
        %mul3A_839 = arith.constant 16 : i32
        %mul3A_840 = arith.muli %add3A_838, %mul3A_839 : i32
        %add3A_841 = arith.addi %mul3A_840, %arg1 : i32
        %mul3A_842 = arith.constant 128 : i32
        %mul3A_843 = arith.muli %add3A_841, %mul3A_842 : i32
        %dma_start3A_844 = tpu.memref_slice %arg2[%mul3A_843] : memref<6402048xi32, #tpu.memory_space<hbm>> -> memref<128xi32, #tpu.memory_space<hbm>>
        %dma_start3A_845 = tpu.memref_slice %arg2[%mul3A_843] : memref<6402048xi32, #tpu.memory_space<hbm>> -> memref<128xi32, #tpu.memory_space<hbm>>
        tpu.enqueue_dma source(%dma_start3A_845 : memref<128xi32, #tpu.memory_space<hbm>>) target(%arg7 : memref<128xi32, #tpu.memory_space<vmem>>) target_semaphore(%arg23 : memref<!tpu.dma_semaphore, #tpu.memory_space<semaphore_mem>>)
        %dma_start3A_846 = tpu.memref_slice %arg3[%mul3A_843] : memref<6402048xi32, #tpu.memory_space<hbm>> -> memref<128xi32, #tpu.memory_space<hbm>>
        %dma_start3A_847 = tpu.memref_slice %arg3[%mul3A_843] : memref<6402048xi32, #tpu.memory_space<hbm>> -> memref<128xi32, #tpu.memory_space<hbm>>
        tpu.enqueue_dma source(%dma_start3A_847 : memref<128xi32, #tpu.memory_space<hbm>>) target(%arg8 : memref<128xi32, #tpu.memory_space<vmem>>) target_semaphore(%arg23 : memref<!tpu.dma_semaphore, #tpu.memory_space<semaphore_mem>>)
        %add3A_848 = arith.constant 1 : i32
        %add3A_849 = arith.addi %scan3A_57, %add3A_848 : i32
        %mul3A_850 = arith.constant 3 : i32
        %mul3A_851 = arith.muli %add3A_849, %mul3A_850 : i32
        %add3A_852 = arith.constant 1 : i32
        %add3A_853 = arith.addi %mul3A_851, %add3A_852 : i32
        %mul3A_854 = arith.constant 16 : i32
        %mul3A_855 = arith.muli %add3A_853, %mul3A_854 : i32
        %add3A_856 = arith.addi %mul3A_855, %arg1 : i32
        %mul3A_857 = arith.constant 128 : i32
        %mul3A_858 = arith.muli %add3A_856, %mul3A_857 : i32
        %dma_start3A_859 = tpu.memref_slice %arg2[%mul3A_858] : memref<6402048xi32, #tpu.memory_space<hbm>> -> memref<128xi32, #tpu.memory_space<hbm>>
        %dma_start3A_860 = tpu.memref_slice %arg2[%mul3A_858] : memref<6402048xi32, #tpu.memory_space<hbm>> -> memref<128xi32, #tpu.memory_space<hbm>>
        tpu.enqueue_dma source(%dma_start3A_860 : memref<128xi32, #tpu.memory_space<hbm>>) target(%arg12 : memref<128xi32, #tpu.memory_space<vmem>>) target_semaphore(%arg24 : memref<!tpu.dma_semaphore, #tpu.memory_space<semaphore_mem>>)
        %dma_start3A_861 = tpu.memref_slice %arg3[%mul3A_858] : memref<6402048xi32, #tpu.memory_space<hbm>> -> memref<128xi32, #tpu.memory_space<hbm>>
        %dma_start3A_862 = tpu.memref_slice %arg3[%mul3A_858] : memref<6402048xi32, #tpu.memory_space<hbm>> -> memref<128xi32, #tpu.memory_space<hbm>>
        tpu.enqueue_dma source(%dma_start3A_862 : memref<128xi32, #tpu.memory_space<hbm>>) target(%arg13 : memref<128xi32, #tpu.memory_space<vmem>>) target_semaphore(%arg24 : memref<!tpu.dma_semaphore, #tpu.memory_space<semaphore_mem>>)
        %add3A_863 = arith.constant 1 : i32
        %add3A_864 = arith.addi %scan3A_57, %add3A_863 : i32
        %mul3A_865 = arith.constant 3 : i32
        %mul3A_866 = arith.muli %add3A_864, %mul3A_865 : i32
        %add3A_867 = arith.constant 2 : i32
        %add3A_868 = arith.addi %mul3A_866, %add3A_867 : i32
        %mul3A_869 = arith.constant 16 : i32
        %mul3A_870 = arith.muli %add3A_868, %mul3A_869 : i32
        %add3A_871 = arith.addi %mul3A_870, %arg1 : i32
        %mul3A_872 = arith.constant 128 : i32
        %mul3A_873 = arith.muli %add3A_871, %mul3A_872 : i32
        %dma_start3A_874 = tpu.memref_slice %arg2[%mul3A_873] : memref<6402048xi32, #tpu.memory_space<hbm>> -> memref<128xi32, #tpu.memory_space<hbm>>
        %dma_start3A_875 = tpu.memref_slice %arg2[%mul3A_873] : memref<6402048xi32, #tpu.memory_space<hbm>> -> memref<128xi32, #tpu.memory_space<hbm>>
        tpu.enqueue_dma source(%dma_start3A_875 : memref<128xi32, #tpu.memory_space<hbm>>) target(%arg17 : memref<128xi32, #tpu.memory_space<vmem>>) target_semaphore(%arg25 : memref<!tpu.dma_semaphore, #tpu.memory_space<semaphore_mem>>)
        %dma_start3A_876 = tpu.memref_slice %arg3[%mul3A_873] : memref<6402048xi32, #tpu.memory_space<hbm>> -> memref<128xi32, #tpu.memory_space<hbm>>
        %dma_start3A_877 = tpu.memref_slice %arg3[%mul3A_873] : memref<6402048xi32, #tpu.memory_space<hbm>> -> memref<128xi32, #tpu.memory_space<hbm>>
        tpu.enqueue_dma source(%dma_start3A_877 : memref<128xi32, #tpu.memory_space<hbm>>) target(%arg18 : memref<128xi32, #tpu.memory_space<vmem>>) target_semaphore(%arg25 : memref<!tpu.dma_semaphore, #tpu.memory_space<semaphore_mem>>)
      } else {
      }
    }
    %scan3A_45 = arith.constant 1042 : i32
    %barrier3A_46 = arith.constant 0 : index
    tpu.barrier barrier_id(%barrier3A_46)
    %lt3A_47 = arith.constant 15 : i32
    %lt3A_48 = arith.cmpi slt, %arg1, %lt3A_47 : i32
    %convert_element_type3A_49 = arith.extui %lt3A_48 : i1 to i32
    %cond3A_50 = arith.constant 0 : i32
    %cond3A_51 = arith.cmpi ne, %convert_element_type3A_49, %cond3A_50 : i32
    scf.if %cond3A_51 {
      %mul3A_57 = arith.constant 3128 : i32
      %mul3A_58 = arith.muli %arg1, %mul3A_57 : i32
      "tpu.region"() ({
        %run_scoped3A = tpu.sem_alloc : memref<!tpu.dma_semaphore, #tpu.memory_space<semaphore_mem>>
        %dma_start3A_59 = arith.constant 0 : i32
        %dma_start3A_60 = tpu.memref_slice %arg6[%arg0, %mul3A_58, %dma_start3A_59] : memref<2x50000x16xf32, #tpu.memory_space<hbm>> -> memref<1x3128x16xf32, #tpu.memory_space<hbm>>
        %dma_start3A_61 = tpu.memref_squeeze %dma_start3A_60 : memref<1x3128x16xf32, #tpu.memory_space<hbm>> -> memref<3128x16xf32, #tpu.memory_space<hbm>>
        %dma_start3A_62 = arith.constant 0 : i32
        %dma_start3A_63 = tpu.memref_slice %arg22[%mul3A_58, %dma_start3A_62] : memref<50008x16xf32, #tpu.memory_space<vmem_shared>> -> memref<3128x16xf32, #tpu.memory_space<vmem_shared>>
        tpu.enqueue_dma source(%dma_start3A_63 : memref<3128x16xf32, #tpu.memory_space<vmem_shared>>) target(%dma_start3A_61 : memref<3128x16xf32, #tpu.memory_space<hbm>>) target_semaphore(%run_scoped3A : memref<!tpu.dma_semaphore, #tpu.memory_space<semaphore_mem>>)
        %dma_wait3A = arith.constant 0 : i32
        %dma_wait3A_64 = tpu.memref_slice %arg6[%arg0, %mul3A_58, %dma_wait3A] : memref<2x50000x16xf32, #tpu.memory_space<hbm>> -> memref<1x3128x16xf32, #tpu.memory_space<hbm>>
        %dma_wait3A_65 = tpu.memref_squeeze %dma_wait3A_64 : memref<1x3128x16xf32, #tpu.memory_space<hbm>> -> memref<3128x16xf32, #tpu.memory_space<hbm>>
        %dma_wait3A_66 = arith.constant 0 : i32
        %dma_wait3A_67 = tpu.memref_slice %arg22[%mul3A_58, %dma_wait3A_66] : memref<50008x16xf32, #tpu.memory_space<vmem_shared>> -> memref<3128x16xf32, #tpu.memory_space<vmem_shared>>
        tpu.wait_dma2 semaphore(%run_scoped3A : memref<!tpu.dma_semaphore, #tpu.memory_space<semaphore_mem>>) src(%dma_wait3A_67 : memref<3128x16xf32, #tpu.memory_space<vmem_shared>>) dst(%dma_wait3A_65 : memref<3128x16xf32, #tpu.memory_space<hbm>>)
        tpu.yield
      }) : () -> ()
    } else {
    }
    %eq3A_52 = arith.constant 15 : i32
    %eq3A_53 = arith.cmpi eq, %arg1, %eq3A_52 : i32
    %convert_element_type3A_54 = arith.extui %eq3A_53 : i1 to i32
    %cond3A_55 = arith.constant 0 : i32
    %cond3A_56 = arith.cmpi ne, %convert_element_type3A_54, %cond3A_55 : i32
    scf.if %cond3A_56 {
      "tpu.region"() ({
        %run_scoped3A = tpu.sem_alloc : memref<!tpu.dma_semaphore, #tpu.memory_space<semaphore_mem>>
        %dma_start3A_57 = arith.constant 46920 : i32
        %dma_start3A_58 = arith.constant 0 : i32
        %dma_start3A_59 = tpu.memref_slice %arg6[%arg0, %dma_start3A_57, %dma_start3A_58] : memref<2x50000x16xf32, #tpu.memory_space<hbm>> -> memref<1x3080x16xf32, #tpu.memory_space<hbm>>
        %dma_start3A_60 = tpu.memref_squeeze %dma_start3A_59 : memref<1x3080x16xf32, #tpu.memory_space<hbm>> -> memref<3080x16xf32, #tpu.memory_space<hbm>>
        %dma_start3A_61 = arith.constant 46920 : i32
        %dma_start3A_62 = arith.constant 0 : i32
        %dma_start3A_63 = tpu.memref_slice %arg22[%dma_start3A_61, %dma_start3A_62] : memref<50008x16xf32, #tpu.memory_space<vmem_shared>> -> memref<3080x16xf32, #tpu.memory_space<vmem_shared>>
        tpu.enqueue_dma source(%dma_start3A_63 : memref<3080x16xf32, #tpu.memory_space<vmem_shared>>) target(%dma_start3A_60 : memref<3080x16xf32, #tpu.memory_space<hbm>>) target_semaphore(%run_scoped3A : memref<!tpu.dma_semaphore, #tpu.memory_space<semaphore_mem>>)
        %dma_wait3A = arith.constant 46920 : i32
        %dma_wait3A_64 = arith.constant 0 : i32
        %dma_wait3A_65 = tpu.memref_slice %arg6[%arg0, %dma_wait3A, %dma_wait3A_64] : memref<2x50000x16xf32, #tpu.memory_space<hbm>> -> memref<1x3080x16xf32, #tpu.memory_space<hbm>>
        %dma_wait3A_66 = tpu.memref_squeeze %dma_wait3A_65 : memref<1x3080x16xf32, #tpu.memory_space<hbm>> -> memref<3080x16xf32, #tpu.memory_space<hbm>>
        %dma_wait3A_67 = arith.constant 46920 : i32
        %dma_wait3A_68 = arith.constant 0 : i32
        %dma_wait3A_69 = tpu.memref_slice %arg22[%dma_wait3A_67, %dma_wait3A_68] : memref<50008x16xf32, #tpu.memory_space<vmem_shared>> -> memref<3080x16xf32, #tpu.memory_space<vmem_shared>>
        tpu.wait_dma2 semaphore(%run_scoped3A : memref<!tpu.dma_semaphore, #tpu.memory_space<semaphore_mem>>) src(%dma_wait3A_69 : memref<3080x16xf32, #tpu.memory_space<vmem_shared>>) dst(%dma_wait3A_66 : memref<3080x16xf32, #tpu.memory_space<hbm>>)
        tpu.yield
      }) : () -> ()
    } else {
    }
    return
  }
}

module attributes {stable_mosaic.version = 14 : i64} {
  func.func @_dense1_body(%arg0: i32, %arg1: memref<2x2000x8xf32, #tpu.memory_space<vmem>>, %arg2: memref<2x2000x2xf32, #tpu.memory_space<vmem>>, %arg3: memref<2000x8xf32, #tpu.memory_space<vmem>>, %arg4: memref<12x6xf32, #tpu.memory_space<vmem>>, %arg5: memref<12x6xf32, #tpu.memory_space<vmem>>, %arg6: memref<1x12xf32, #tpu.memory_space<vmem>>, %arg7: memref<2000x16xf32, #tpu.memory_space<vmem>>, %arg8: memref<2000x2xf32, #tpu.memory_space<vmem>>) attributes {dimension_semantics = [#tpu.dimension_semantics<arbitrary>], iteration_bounds = array<i64: 50>, scalar_prefetch = 0 : i64, scratch_operands = 0 : i64, tpu.core_type = #tpu.core_type<tc>, window_params = [{transform_indices = @transform_0, window_bounds = array<i64: 2, 2000, 8>}, {transform_indices = @transform_1, window_bounds = array<i64: 2, 2000, 2>}, {transform_indices = @transform_2, window_bounds = array<i64: 2000, 8>}, {pipeline_mode = #tpu.pipeline_mode<synchronous>, transform_indices = @transform_3, window_bounds = array<i64: 12, 6>}, {pipeline_mode = #tpu.pipeline_mode<synchronous>, transform_indices = @transform_4, window_bounds = array<i64: 12, 6>}, {pipeline_mode = #tpu.pipeline_mode<synchronous>, transform_indices = @transform_5, window_bounds = array<i64: 1, 12>}, {transform_indices = @transform_6, window_bounds = array<i64: 2000, 16>}, {transform_indices = @transform_7, window_bounds = array<i64: 2000, 2>}]} {
    %get3A = arith.constant 0 : index
    %get3A_0 = arith.constant 0 : index
    %get3A_1 = arith.constant 0 : index
    %get3A_2 = vector.load %arg1[%get3A, %get3A_0, %get3A_1] : memref<2x2000x8xf32, #tpu.memory_space<vmem>>, vector<2x2000x8xf32>
    %slice3A = vector.extract_strided_slice %get3A_2 {offsets = [0, 0, 0], sizes = [1, 2000, 6], strides = [1, 1, 1]} : vector<2x2000x8xf32> to vector<1x2000x6xf32>
    %squeeze3A = vector.shape_cast %slice3A : vector<1x2000x6xf32> to vector<2000x6xf32>
    %slice3A_3 = vector.extract_strided_slice %get3A_2 {offsets = [1, 0, 0], sizes = [1, 2000, 6], strides = [1, 1, 1]} : vector<2x2000x8xf32> to vector<1x2000x6xf32>
    %squeeze3A_4 = vector.shape_cast %slice3A_3 : vector<1x2000x6xf32> to vector<2000x6xf32>
    %add3A = arith.addf %squeeze3A, %squeeze3A_4 : vector<2000x6xf32>
    %slice3A_5 = vector.extract_strided_slice %get3A_2 {offsets = [0, 0, 6], sizes = [1, 2000, 1], strides = [1, 1, 1]} : vector<2x2000x8xf32> to vector<1x2000x1xf32>
    %squeeze3A_6 = vector.shape_cast %slice3A_5 : vector<1x2000x1xf32> to vector<2000xf32>
    %slice3A_7 = vector.extract_strided_slice %get3A_2 {offsets = [1, 0, 6], sizes = [1, 2000, 1], strides = [1, 1, 1]} : vector<2x2000x8xf32> to vector<1x2000x1xf32>
    %squeeze3A_8 = vector.shape_cast %slice3A_7 : vector<1x2000x1xf32> to vector<2000xf32>
    %add3A_9 = arith.addf %squeeze3A_6, %squeeze3A_8 : vector<2000xf32>
    %jit3A = arith.constant 1.000000e+00 : f32
    %max3A = vector.broadcast %jit3A : f32 to vector<2000xf32>
    %max3A_10 = arith.maximumf %max3A, %add3A_9 : vector<2000xf32>
    %div3A = arith.constant 1.000000e+00 : f32
    %div3A_11 = vector.broadcast %div3A : f32 to vector<2000xf32>
    %div3A_12 = arith.divf %div3A_11, %max3A_10 : vector<2000xf32>
    %broadcast_in_dim3A = vector.shape_cast %div3A_12 : vector<2000xf32> to vector<2000x1xf32>
    %mul3A = vector.broadcast %broadcast_in_dim3A : vector<2000x1xf32> to vector<2000x6xf32>
    %mul3A_13 = arith.mulf %add3A, %mul3A : vector<2000x6xf32>
    %get3A_14 = arith.constant 0 : index
    %get3A_15 = arith.constant 0 : index
    %get3A_16 = vector.load %arg3[%get3A_14, %get3A_15] : memref<2000x8xf32, #tpu.memory_space<vmem>>, vector<2000x8xf32>
    %slice3A_17 = vector.extract_strided_slice %get3A_16 {offsets = [0, 0], sizes = [2000, 6], strides = [1, 1]} : vector<2000x8xf32> to vector<2000x6xf32>
    %get3A_18 = arith.constant 0 : index
    %get3A_19 = arith.constant 0 : index
    %get3A_20 = vector.load %arg4[%get3A_18, %get3A_19] : memref<12x6xf32, #tpu.memory_space<vmem>>, vector<12x6xf32>
    %dot_general3A = arith.constant dense<0.000000e+00> : vector<2000x12xf32>
    %dot_general3A_21 = tpu.matmul %mul3A_13, %get3A_20, %dot_general3A {dimension_numbers = #tpu.dot_dimension_numbers<[1], [1], [0], [0], [0, 0, 1, 0], [], []>, precision = #tpu.contract_precision<fp32>, transpose_lhs_hint = false} : vector<2000x6xf32>, vector<12x6xf32>, vector<2000x12xf32> -> vector<2000x12xf32>
    %get3A_22 = arith.constant 0 : index
    %get3A_23 = arith.constant 0 : index
    %get3A_24 = vector.load %arg5[%get3A_22, %get3A_23] : memref<12x6xf32, #tpu.memory_space<vmem>>, vector<12x6xf32>
    %dot_general3A_25 = arith.constant dense<0.000000e+00> : vector<2000x12xf32>
    %dot_general3A_26 = tpu.matmul %slice3A_17, %get3A_24, %dot_general3A_25 {dimension_numbers = #tpu.dot_dimension_numbers<[1], [1], [0], [0], [0, 0, 1, 0], [], []>, precision = #tpu.contract_precision<fp32>, transpose_lhs_hint = false} : vector<2000x6xf32>, vector<12x6xf32>, vector<2000x12xf32> -> vector<2000x12xf32>
    %add3A_27 = arith.addf %dot_general3A_21, %dot_general3A_26 : vector<2000x12xf32>
    %get3A_28 = arith.constant 0 : index
    %get3A_29 = arith.constant 0 : index
    %get3A_30 = vector.load %arg6[%get3A_28, %get3A_29] : memref<1x12xf32, #tpu.memory_space<vmem>>, vector<1x12xf32>
    %add3A_31 = vector.broadcast %get3A_30 : vector<1x12xf32> to vector<2000x12xf32>
    %add3A_32 = arith.addf %add3A_27, %add3A_31 : vector<2000x12xf32>
    %max3A_33 = arith.constant 0.000000e+00 : f32
    %max3A_34 = vector.broadcast %max3A_33 : f32 to vector<2000x12xf32>
    %max3A_35 = arith.maximumf %add3A_32, %max3A_34 : vector<2000x12xf32>
    %broadcast_in_dim3A_36 = vector.shape_cast %div3A_12 : vector<2000xf32> to vector<2000x1xf32>
    %broadcast_in_dim3A_37 = arith.constant 0.000000e+00 : f32
    %broadcast_in_dim3A_38 = vector.broadcast %broadcast_in_dim3A_37 : f32 to vector<2000x3xf32>
    %concatenate3A = tpu.concatenate %max3A_35, %broadcast_in_dim3A_36, %broadcast_in_dim3A_38 in 1 : vector<2000x12xf32>, vector<2000x1xf32>, vector<2000x3xf32> -> vector<2000x16xf32>
    %swap3A = arith.constant 0 : index
    %swap3A_39 = arith.constant 0 : index
    %swap3A_40 = vector.load %arg7[%swap3A, %swap3A_39] : memref<2000x16xf32, #tpu.memory_space<vmem>>, vector<2000x16xf32>
    tpu.vector_store %arg7[%swap3A, %swap3A_39], %concatenate3A {strides = array<i32>} : memref<2000x16xf32, #tpu.memory_space<vmem>>, vector<2000x16xf32>,
    %get3A_41 = arith.constant 0 : index
    %get3A_42 = arith.constant 0 : index
    %get3A_43 = arith.constant 0 : index
    %get3A_44 = vector.load %arg2[%get3A_41, %get3A_42, %get3A_43] : memref<2x2000x2xf32, #tpu.memory_space<vmem>>, vector<2x2000x2xf32>
    %slice3A_45 = vector.extract_strided_slice %get3A_44 {offsets = [0, 0, 0], sizes = [1, 2000, 2], strides = [1, 1, 1]} : vector<2x2000x2xf32> to vector<1x2000x2xf32>
    %squeeze3A_46 = vector.shape_cast %slice3A_45 : vector<1x2000x2xf32> to vector<2000x2xf32>
    %slice3A_47 = vector.extract_strided_slice %get3A_44 {offsets = [1, 0, 0], sizes = [1, 2000, 2], strides = [1, 1, 1]} : vector<2x2000x2xf32> to vector<1x2000x2xf32>
    %squeeze3A_48 = vector.shape_cast %slice3A_47 : vector<1x2000x2xf32> to vector<2000x2xf32>
    %add3A_49 = arith.addf %squeeze3A_46, %squeeze3A_48 : vector<2000x2xf32>
    %swap3A_50 = arith.constant 0 : index
    %swap3A_51 = arith.constant 0 : index
    %swap3A_52 = vector.load %arg8[%swap3A_50, %swap3A_51] : memref<2000x2xf32, #tpu.memory_space<vmem>>, vector<2000x2xf32>
    tpu.vector_store %arg8[%swap3A_50, %swap3A_51], %add3A_49 {strides = array<i32>} : memref<2000x2xf32, #tpu.memory_space<vmem>>, vector<2000x2xf32>,
    return
  }
  func.func @transform_0(%arg0: i32) -> (i32, i32, i32) {
    %c0_i32 = arith.constant 0 : i32
    %c0_i32_0 = arith.constant 0 : i32
    %c0_i32_1 = arith.constant 0 : i32
    return %c0_i32, %arg0, %c0_i32_0 : i32, i32, i32
  }
  func.func @transform_1(%arg0: i32) -> (i32, i32, i32) {
    %c0_i32 = arith.constant 0 : i32
    %c0_i32_0 = arith.constant 0 : i32
    %c0_i32_1 = arith.constant 0 : i32
    return %c0_i32, %arg0, %c0_i32_0 : i32, i32, i32
  }
  func.func @transform_2(%arg0: i32) -> (i32, i32) {
    %c0_i32 = arith.constant 0 : i32
    %c0_i32_0 = arith.constant 0 : i32
    return %arg0, %c0_i32 : i32, i32
  }
  func.func @transform_3(%arg0: i32) -> (i32, i32) {
    %c0_i32 = arith.constant 0 : i32
    %c0_i32_0 = arith.constant 0 : i32
    %c0_i32_1 = arith.constant 0 : i32
    return %c0_i32, %c0_i32_0 : i32, i32
  }
  func.func @transform_4(%arg0: i32) -> (i32, i32) {
    %c0_i32 = arith.constant 0 : i32
    %c0_i32_0 = arith.constant 0 : i32
    %c0_i32_1 = arith.constant 0 : i32
    return %c0_i32, %c0_i32_0 : i32, i32
  }
  func.func @transform_5(%arg0: i32) -> (i32, i32) {
    %c0_i32 = arith.constant 0 : i32
    %c0_i32_0 = arith.constant 0 : i32
    %c0_i32_1 = arith.constant 0 : i32
    return %c0_i32, %c0_i32_0 : i32, i32
  }
  func.func @transform_6(%arg0: i32) -> (i32, i32) {
    %c0_i32 = arith.constant 0 : i32
    %c0_i32_0 = arith.constant 0 : i32
    return %arg0, %c0_i32 : i32, i32
  }
  func.func @transform_7(%arg0: i32) -> (i32, i32) {
    %c0_i32 = arith.constant 0 : i32
    %c0_i32_0 = arith.constant 0 : i32
    return %arg0, %c0_i32 : i32, i32
  }
}

module attributes {stable_mosaic.version = 14 : i64} {
  func.func @_dense2_body(%arg0: i32, %arg1: memref<2000x16xf32, #tpu.memory_space<vmem>>, %arg2: memref<2000x16xf32, #tpu.memory_space<vmem>>, %arg3: memref<2000x2xf32, #tpu.memory_space<vmem>>, %arg4: memref<24x12xf32, #tpu.memory_space<vmem>>, %arg5: memref<24x12xf32, #tpu.memory_space<vmem>>, %arg6: memref<1x24xf32, #tpu.memory_space<vmem>>, %arg7: memref<6x24xf32, #tpu.memory_space<vmem>>, %arg8: memref<6x24xf32, #tpu.memory_space<vmem>>, %arg9: memref<1x6xf32, #tpu.memory_space<vmem>>, %arg10: memref<2x6xf32, #tpu.memory_space<vmem>>, %arg11: memref<2x24xf32, #tpu.memory_space<vmem>>, %arg12: memref<2x24xf32, #tpu.memory_space<vmem>>, %arg13: memref<2x1xf32, #tpu.memory_space<vmem>>) attributes {dimension_semantics = [#tpu.dimension_semantics<arbitrary>], iteration_bounds = array<i64: 50>, scalar_prefetch = 0 : i64, scratch_operands = 3 : i64, tpu.core_type = #tpu.core_type<tc>, window_params = [{transform_indices = @transform_0, window_bounds = array<i64: 2000, 16>}, {transform_indices = @transform_1, window_bounds = array<i64: 2000, 16>}, {transform_indices = @transform_2, window_bounds = array<i64: 2000, 2>}, {pipeline_mode = #tpu.pipeline_mode<synchronous>, transform_indices = @transform_3, window_bounds = array<i64: 24, 12>}, {pipeline_mode = #tpu.pipeline_mode<synchronous>, transform_indices = @transform_4, window_bounds = array<i64: 24, 12>}, {pipeline_mode = #tpu.pipeline_mode<synchronous>, transform_indices = @transform_5, window_bounds = array<i64: 1, 24>}, {pipeline_mode = #tpu.pipeline_mode<synchronous>, transform_indices = @transform_6, window_bounds = array<i64: 6, 24>}, {pipeline_mode = #tpu.pipeline_mode<synchronous>, transform_indices = @transform_7, window_bounds = array<i64: 6, 24>}, {pipeline_mode = #tpu.pipeline_mode<synchronous>, transform_indices = @transform_8, window_bounds = array<i64: 1, 6>}, {pipeline_mode = #tpu.pipeline_mode<synchronous>, transform_indices = @transform_9, window_bounds = array<i64: 2, 6>}]} {
    %get3A = arith.constant 0 : index
    %get3A_0 = arith.constant 0 : index
    %get3A_1 = vector.load %arg1[%get3A, %get3A_0] : memref<2000x16xf32, #tpu.memory_space<vmem>>, vector<2000x16xf32>
    %get3A_2 = arith.constant 0 : index
    %get3A_3 = arith.constant 0 : index
    %get3A_4 = vector.load %arg2[%get3A_2, %get3A_3] : memref<2000x16xf32, #tpu.memory_space<vmem>>, vector<2000x16xf32>
    %slice3A = vector.extract_strided_slice %get3A_4 {offsets = [0, 12], sizes = [2000, 1], strides = [1, 1]} : vector<2000x16xf32> to vector<2000x1xf32>
    %squeeze3A = vector.shape_cast %slice3A : vector<2000x1xf32> to vector<2000xf32>
    %slice3A_5 = vector.extract_strided_slice %get3A_1 {offsets = [0, 0], sizes = [2000, 12], strides = [1, 1]} : vector<2000x16xf32> to vector<2000x12xf32>
    %broadcast_in_dim3A = vector.shape_cast %squeeze3A : vector<2000xf32> to vector<2000x1xf32>
    %mul3A = vector.broadcast %broadcast_in_dim3A : vector<2000x1xf32> to vector<2000x12xf32>
    %mul3A_6 = arith.mulf %slice3A_5, %mul3A : vector<2000x12xf32>
    %get3A_7 = arith.constant 0 : index
    %get3A_8 = arith.constant 0 : index
    %get3A_9 = vector.load %arg4[%get3A_7, %get3A_8] : memref<24x12xf32, #tpu.memory_space<vmem>>, vector<24x12xf32>
    %dot_general3A = arith.constant dense<0.000000e+00> : vector<2000x24xf32>
    %dot_general3A_10 = tpu.matmul %mul3A_6, %get3A_9, %dot_general3A {dimension_numbers = #tpu.dot_dimension_numbers<[1], [1], [0], [0], [0, 0, 1, 0], [], []>, precision = #tpu.contract_precision<fp32>, transpose_lhs_hint = false} : vector<2000x12xf32>, vector<24x12xf32>, vector<2000x24xf32> -> vector<2000x24xf32>
    %slice3A_11 = vector.extract_strided_slice %get3A_4 {offsets = [0, 0], sizes = [2000, 12], strides = [1, 1]} : vector<2000x16xf32> to vector<2000x12xf32>
    %get3A_12 = arith.constant 0 : index
    %get3A_13 = arith.constant 0 : index
    %get3A_14 = vector.load %arg5[%get3A_12, %get3A_13] : memref<24x12xf32, #tpu.memory_space<vmem>>, vector<24x12xf32>
    %dot_general3A_15 = arith.constant dense<0.000000e+00> : vector<2000x24xf32>
    %dot_general3A_16 = tpu.matmul %slice3A_11, %get3A_14, %dot_general3A_15 {dimension_numbers = #tpu.dot_dimension_numbers<[1], [1], [0], [0], [0, 0, 1, 0], [], []>, precision = #tpu.contract_precision<fp32>, transpose_lhs_hint = false} : vector<2000x12xf32>, vector<24x12xf32>, vector<2000x24xf32> -> vector<2000x24xf32>
    %add3A = arith.addf %dot_general3A_10, %dot_general3A_16 : vector<2000x24xf32>
    %get3A_17 = arith.constant 0 : index
    %get3A_18 = arith.constant 0 : index
    %get3A_19 = vector.load %arg6[%get3A_17, %get3A_18] : memref<1x24xf32, #tpu.memory_space<vmem>>, vector<1x24xf32>
    %add3A_20 = vector.broadcast %get3A_19 : vector<1x24xf32> to vector<2000x24xf32>
    %add3A_21 = arith.addf %add3A, %add3A_20 : vector<2000x24xf32>
    %max3A = arith.constant 0.000000e+00 : f32
    %max3A_22 = vector.broadcast %max3A : f32 to vector<2000x24xf32>
    %max3A_23 = arith.maximumf %add3A_21, %max3A_22 : vector<2000x24xf32>
    %get3A_24 = arith.constant 0 : index
    %get3A_25 = arith.constant 0 : index
    %get3A_26 = vector.load %arg3[%get3A_24, %get3A_25] : memref<2000x2xf32, #tpu.memory_space<vmem>>, vector<2000x2xf32>
    %dot_general3A_27 = arith.constant dense<0.000000e+00> : vector<2x24xf32>
    %dot_general3A_28 = tpu.matmul %get3A_26, %max3A_23, %dot_general3A_27 {dimension_numbers = #tpu.dot_dimension_numbers<[0], [0], [1], [1], [0, 1, 1, 1], [], []>, precision = #tpu.contract_precision<fp32>, transpose_lhs_hint = false} : vector<2000x2xf32>, vector<2000x24xf32>, vector<2x24xf32> -> vector<2x24xf32>
    %eq3A = arith.constant 0 : i32
    %eq3A_29 = arith.cmpi eq, %arg0, %eq3A : i32
    %convert_element_type3A = arith.extui %eq3A_29 : i1 to i32
    %cond3A = arith.constant 0 : i32
    %cond3A_30 = arith.cmpi ne, %convert_element_type3A, %cond3A : i32
    scf.if %cond3A_30 {
      %swap3A = arith.constant 0 : index
      %swap3A_40 = arith.constant 0 : index
      %swap3A_41 = vector.load %arg11[%swap3A, %swap3A_40] : memref<2x24xf32, #tpu.memory_space<vmem>>, vector<2x24xf32>
      tpu.vector_store %arg11[%swap3A, %swap3A_40], %dot_general3A_28 {strides = array<i32>} : memref<2x24xf32, #tpu.memory_space<vmem>>, vector<2x24xf32>,
      %slice3A_42 = vector.extract_strided_slice %max3A_23 {offsets = [0, 0], sizes = [2, 24], strides = [1, 1]} : vector<2000x24xf32> to vector<2x24xf32>
      %swap3A_43 = arith.constant 0 : index
      %swap3A_44 = arith.constant 0 : index
      %swap3A_45 = vector.load %arg12[%swap3A_43, %swap3A_44] : memref<2x24xf32, #tpu.memory_space<vmem>>, vector<2x24xf32>
      tpu.vector_store %arg12[%swap3A_43, %swap3A_44], %slice3A_42 {strides = array<i32>} : memref<2x24xf32, #tpu.memory_space<vmem>>, vector<2x24xf32>,
      %slice3A_46 = vector.extract_strided_slice %squeeze3A {offsets = [0], sizes = [2], strides = [1]} : vector<2000xf32> to vector<2xf32>
      %broadcast_in_dim3A_47 = vector.shape_cast %slice3A_46 : vector<2xf32> to vector<2x1xf32>
      %swap3A_48 = arith.constant 0 : index
      %swap3A_49 = arith.constant 0 : index
      %swap3A_50 = vector.load %arg13[%swap3A_48, %swap3A_49] : memref<2x1xf32, #tpu.memory_space<vmem>>, vector<2x1xf32>
      tpu.vector_store %arg13[%swap3A_48, %swap3A_49], %broadcast_in_dim3A_47 {strides = array<i32>} : memref<2x1xf32, #tpu.memory_space<vmem>>, vector<2x1xf32>,
    } else {
    }
    %gt3A = arith.constant 0 : i32
    %gt3A_31 = arith.cmpi sgt, %arg0, %gt3A : i32
    %convert_element_type3A_32 = arith.extui %gt3A_31 : i1 to i32
    %cond3A_33 = arith.constant 0 : i32
    %cond3A_34 = arith.cmpi ne, %convert_element_type3A_32, %cond3A_33 : i32
    scf.if %cond3A_34 {
      %get3A_40 = arith.constant 0 : index
      %get3A_41 = arith.constant 0 : index
      %get3A_42 = vector.load %arg11[%get3A_40, %get3A_41] : memref<2x24xf32, #tpu.memory_space<vmem>>, vector<2x24xf32>
      %add3A_43 = arith.addf %get3A_42, %dot_general3A_28 : vector<2x24xf32>
      %swap3A = arith.constant 0 : index
      %swap3A_44 = arith.constant 0 : index
      %swap3A_45 = vector.load %arg11[%swap3A, %swap3A_44] : memref<2x24xf32, #tpu.memory_space<vmem>>, vector<2x24xf32>
      tpu.vector_store %arg11[%swap3A, %swap3A_44], %add3A_43 {strides = array<i32>} : memref<2x24xf32, #tpu.memory_space<vmem>>, vector<2x24xf32>,
    } else {
    }
    %eq3A_35 = arith.constant 49 : i32
    %eq3A_36 = arith.cmpi eq, %arg0, %eq3A_35 : i32
    %convert_element_type3A_37 = arith.extui %eq3A_36 : i1 to i32
    %cond3A_38 = arith.constant 0 : i32
    %cond3A_39 = arith.cmpi ne, %convert_element_type3A_37, %cond3A_38 : i32
    scf.if %cond3A_39 {
      %get3A_40 = arith.constant 0 : index
      %get3A_41 = arith.constant 0 : index
      %get3A_42 = vector.load %arg11[%get3A_40, %get3A_41] : memref<2x24xf32, #tpu.memory_space<vmem>>, vector<2x24xf32>
      %get3A_43 = arith.constant 0 : index
      %get3A_44 = arith.constant 0 : index
      %get3A_45 = vector.load %arg13[%get3A_43, %get3A_44] : memref<2x1xf32, #tpu.memory_space<vmem>>, vector<2x1xf32>
      %mul3A_46 = vector.broadcast %get3A_45 : vector<2x1xf32> to vector<2x24xf32>
      %mul3A_47 = arith.mulf %get3A_42, %mul3A_46 : vector<2x24xf32>
      %get3A_48 = arith.constant 0 : index
      %get3A_49 = arith.constant 0 : index
      %get3A_50 = vector.load %arg7[%get3A_48, %get3A_49] : memref<6x24xf32, #tpu.memory_space<vmem>>, vector<6x24xf32>
      %dot_general3A_51 = arith.constant dense<0.000000e+00> : vector<2x6xf32>
      %dot_general3A_52 = tpu.matmul %mul3A_47, %get3A_50, %dot_general3A_51 {dimension_numbers = #tpu.dot_dimension_numbers<[1], [1], [0], [0], [0, 0, 1, 0], [], []>, precision = #tpu.contract_precision<fp32>, transpose_lhs_hint = false} : vector<2x24xf32>, vector<6x24xf32>, vector<2x6xf32> -> vector<2x6xf32>
      %get3A_53 = arith.constant 0 : index
      %get3A_54 = arith.constant 0 : index
      %get3A_55 = vector.load %arg12[%get3A_53, %get3A_54] : memref<2x24xf32, #tpu.memory_space<vmem>>, vector<2x24xf32>
      %get3A_56 = arith.constant 0 : index
      %get3A_57 = arith.constant 0 : index
      %get3A_58 = vector.load %arg8[%get3A_56, %get3A_57] : memref<6x24xf32, #tpu.memory_space<vmem>>, vector<6x24xf32>
      %dot_general3A_59 = arith.constant dense<0.000000e+00> : vector<2x6xf32>
      %dot_general3A_60 = tpu.matmul %get3A_55, %get3A_58, %dot_general3A_59 {dimension_numbers = #tpu.dot_dimension_numbers<[1], [1], [0], [0], [0, 0, 1, 0], [], []>, precision = #tpu.contract_precision<fp32>, transpose_lhs_hint = false} : vector<2x24xf32>, vector<6x24xf32>, vector<2x6xf32> -> vector<2x6xf32>
      %add3A_61 = arith.addf %dot_general3A_52, %dot_general3A_60 : vector<2x6xf32>
      %get3A_62 = arith.constant 0 : index
      %get3A_63 = arith.constant 0 : index
      %get3A_64 = vector.load %arg9[%get3A_62, %get3A_63] : memref<1x6xf32, #tpu.memory_space<vmem>>, vector<1x6xf32>
      %add3A_65 = vector.broadcast %get3A_64 : vector<1x6xf32> to vector<2x6xf32>
      %add3A_66 = arith.addf %add3A_61, %add3A_65 : vector<2x6xf32>
      %swap3A = arith.constant 0 : index
      %swap3A_67 = arith.constant 0 : index
      %swap3A_68 = vector.load %arg10[%swap3A, %swap3A_67] : memref<2x6xf32, #tpu.memory_space<vmem>>, vector<2x6xf32>
      tpu.vector_store %arg10[%swap3A, %swap3A_67], %add3A_66 {strides = array<i32>} : memref<2x6xf32, #tpu.memory_space<vmem>>, vector<2x6xf32>,
    } else {
    }
    return
  }
  func.func @transform_0(%arg0: i32) -> (i32, i32) {
    %c0_i32 = arith.constant 0 : i32
    %c0_i32_0 = arith.constant 0 : i32
    return %arg0, %c0_i32 : i32, i32
  }
  func.func @transform_1(%arg0: i32) -> (i32, i32) {
    %c0_i32 = arith.constant 0 : i32
    %c0_i32_0 = arith.constant 0 : i32
    return %arg0, %c0_i32 : i32, i32
  }
  func.func @transform_2(%arg0: i32) -> (i32, i32) {
    %c0_i32 = arith.constant 0 : i32
    %c0_i32_0 = arith.constant 0 : i32
    return %arg0, %c0_i32 : i32, i32
  }
  func.func @transform_3(%arg0: i32) -> (i32, i32) {
    %c0_i32 = arith.constant 0 : i32
    %c0_i32_0 = arith.constant 0 : i32
    %c0_i32_1 = arith.constant 0 : i32
    return %c0_i32, %c0_i32_0 : i32, i32
  }
  func.func @transform_4(%arg0: i32) -> (i32, i32) {
    %c0_i32 = arith.constant 0 : i32
    %c0_i32_0 = arith.constant 0 : i32
    %c0_i32_1 = arith.constant 0 : i32
    return %c0_i32, %c0_i32_0 : i32, i32
  }
  func.func @transform_5(%arg0: i32) -> (i32, i32) {
    %c0_i32 = arith.constant 0 : i32
    %c0_i32_0 = arith.constant 0 : i32
    %c0_i32_1 = arith.constant 0 : i32
    return %c0_i32, %c0_i32_0 : i32, i32
  }
  func.func @transform_6(%arg0: i32) -> (i32, i32) {
    %c0_i32 = arith.constant 0 : i32
    %c0_i32_0 = arith.constant 0 : i32
    %c0_i32_1 = arith.constant 0 : i32
    return %c0_i32, %c0_i32_0 : i32, i32
  }
  func.func @transform_7(%arg0: i32) -> (i32, i32) {
    %c0_i32 = arith.constant 0 : i32
    %c0_i32_0 = arith.constant 0 : i32
    %c0_i32_1 = arith.constant 0 : i32
    return %c0_i32, %c0_i32_0 : i32, i32
  }
  func.func @transform_8(%arg0: i32) -> (i32, i32) {
    %c0_i32 = arith.constant 0 : i32
    %c0_i32_0 = arith.constant 0 : i32
    %c0_i32_1 = arith.constant 0 : i32
    return %c0_i32, %c0_i32_0 : i32, i32
  }
  func.func @transform_9(%arg0: i32) -> (i32, i32) {
    %c0_i32 = arith.constant 0 : i32
    %c0_i32_0 = arith.constant 0 : i32
    %c0_i32_1 = arith.constant 0 : i32
    return %c0_i32, %c0_i32_0 : i32, i32
  }
}

</mosaic_0001>

<sc_bundles>
// kernel: kernel.6.cloned.1.call-start
scs
__scs_entry_jumppad:
0x0: {  	(pc) =	sbr.rel $0x88, $3  }
0x1: {  	(tag) =	ssettag $0x0;
	lr =	simm.s32 $0x1  }
0x2: {  	[smem:$0x3F96] =	sst lr;
	_ =	strace $0xD0000000  }
0x3: {  	_ = 	snop  }
0x4: {  	_ = 	snop  }
0x5: {  	_ = 	snop  }
0x6: {  	_ = 	snop  }
0x7: {  	_ = 	snop  }
__scs_overlays_trampoline_lowered:
0x8: {  	[smem:$0x3FA5] =	sst s0  }
0x9: {  	[smem:$0x3FA6] =	sst s1  }
0xa: {  	[smem:$0x3FA7] =	sst s2  }
0xb: {  	[smem:$0x3FA8] =	sst s3  }
0xc: {  	[smem:$0x3FA9] =	sst s4  }
0xd: {  	[smem:$0x3FAA] =	sst s5  }
0xe: {  	[smem:$0x3FAB] =	sst s6  }
0xf: {  	[smem:$0x3FAC] =	sst s7  }
0x10: {  	[smem:$0x3FAD] =	sst s8  }
0x11: {  	[smem:$0x3FAE] =	sst s9;
	s0 =	simm.s32 @!p0 $0x0  }
0x12: {  	s1 =	sld [smem:$0x3F94];
	s0 =	simm.s32 @p0 $0x1  }
0x13: {  	[smem:$0x3FAF] =	sst s0;
	s0 =	simm.s32 @!p1 $0x0  }
0x14: {  	s2 =	sld [smem:$0x3F93];
	s0 =	simm.s32 @p1 $0x1  }
0x15: {  	[smem:$0x3FB0] =	sst s0;
	s0 =	simm.s32 @!p2 $0x0  }
0x16: {  	s3 =	sld [smem:$0x3FDB];
	s0 =	simm.s32 @p2 $0x1  }
0x17: {  	s4 =	simm.s32 $0x1BF5;
	[smem:$0x3FB2] =	sst s0  }
0x18: {  	s0 =	sld [smem:$0x3F95];
	_ =	swait.ge [sflag:s4], $0x0  }
0x19: {  	s7 =	sld [smem:$0x3F96]  }
0x1a: {  	s8 =	sadd.s32 $0xFFFFE003, lr  }
0x1b: {  	s9 =	sadd.s32 $0xFFFFFEF7, lr;
	s5 =	simm.s32 $0xFFFFFFFF;
	p2 =	slt.u32 s8, $0xFFFFF086  }
0x1c: {  	p1 =	slt.u32 s9, $0xF7A;
	s5 =	simm.s32 @!p2 $0x0  }
0x1d: {  	s5 =	simm.s32 @p1 $0x1;
	p0 =	seq.s32 s7, s2  }
0x1e: {  	s7 =	smul.u32 @!p0 $0xF7A, s2;
	p2 =	seq.s32 @!p0 s5, $0x0  }
0x1f: {  	s9 =	smul.u32 $0xF7A, s1;
	s8 =	simm.s32 @!p0 $0x1BF5;
	p2 =	por !p2, p0  }
0x20: {  	[sflag:s8] =	ssyncset.s32 @!p0 $0xFFFFF086;
	s6 =	sadd.s32 @!p0 s3, s7;
	s7 =	simm.s32 @!p0 $0x108  }
0x21: {  	s3 =	sadd.s32 s3, s9;
	s6 =	sadd.s32 @!p0 $0x88, s6;
	s7 =	simm.s32 @p2 $0x1082  }
0x22: {  	[simem:s7], [sflag:s8] =	dma.local @!p0 [hbm:s6], $0xF7A  }
0x23: {  	s9 =	sor.u32 $0xD0000000, s2;
	s6 =	simm.s32 $0x108;
	_ =	swait.ge @!p0 [sflag:s8], $0x0  }
0x24: {  	s3 =	sadd.s32 $0x88, s3;
	s6 =	simm.s32 @!p1 $0x1082;
	[sflag:s4] =	ssyncset.s32 $0xFFFFF086  }
0x25: {  	[simem:s6], [sflag:s4] =	dma.local [hbm:s3], $0xF7A  }
0x26: {  	[smem:$0x3F96] =	sst s1;
	(tag) =	ssettag s2;
	_ =	strace s9  }
0x27: {  	s1 =	sld [smem:$0x3FA6]  }
0x28: {  	s2 =	sld [smem:$0x3FA7]  }
0x29: {  	s4 =	sld [smem:$0x3FA9]  }
0x2a: {  	p0 =	seq.s32 s5, $0x0;
	s5 =	sld [smem:$0x3FAA]  }
0x2b: {  	s6 =	sld [smem:$0x3FAB]  }
0x2c: {  	s7 =	sld [smem:$0x3FAC]  }
0x2d: {  	s3 =	simm.s32 $0x108;
	s8 =	sld [smem:$0x3FAD]  }
0x2e: {  	s3 =	simm.s32 @!p0 $0x1082;
	s9 =	sld [smem:$0x3FAE]  }
0x2f: {  	lr =	sadd.s32 s0, s3;
	s0 =	sld [smem:$0x3FA5]  }
0x30: {  	s3 =	sld [smem:$0x3FA8]  }
0x31: {  	[smem:$0x3FB1] =	sst s10  }
0x32: {  	s10 =	sld [smem:$0x3FAF];
	_ =	sdelay $0x3  }
0x33: {  	p0 =	seq.s32 s10, $0x1;
	s10 =	sld [smem:$0x3FB1];
	_ =	sdelay $0x3  }
0x34: {  	[smem:$0x3FB1] =	sst s10  }
0x35: {  	s10 =	sld [smem:$0x3FB0];
	_ =	sdelay $0x3  }
0x36: {  	p1 =	seq.s32 s10, $0x1;
	s10 =	sld [smem:$0x3FB1];
	_ =	sdelay $0x3  }
0x37: {  	[smem:$0x3FB1] =	sst s10  }
0x38: {  	s10 =	sld [smem:$0x3FB2]  }
0x39: {  	_ = 	snop;
	(pc) =	sbr.ind lr, $3  }
0x3a: {  	_ = 	snop  }
0x3b: {  	_ = 	snop  }
0x3c: {  	p2 =	seq.s32 s10, $0x1;
	s10 =	sld [smem:$0x3FB1]  }
0x3d: {  	_ =	shalt  }
0x3e: {  	_ =	shalt  }
0x3f: {  	_ =	shalt  }
0x40: {  	_ =	shalt  }
0x41: {  	_ =	shalt  }
0x42: {  	_ =	shalt  }
0x43: {  	_ =	shalt  }
0x44: {  	_ =	shalt  }
0x45: {  	_ =	shalt  }
0x46: {  	_ =	shalt  }
0x47: {  	_ =	shalt  }
0x48: {  	_ =	shalt  }
0x49: {  	_ =	shalt  }
0x4a: {  	_ =	shalt  }
0x4b: {  	_ =	shalt  }
0x4c: {  	_ =	shalt  }
0x4d: {  	_ =	shalt  }
0x4e: {  	_ =	shalt  }
0x4f: {  	_ =	shalt  }
0x50: {  	_ =	shalt  }
0x51: {  	_ =	shalt  }
0x52: {  	_ =	shalt  }
0x53: {  	_ =	shalt  }
0x54: {  	_ =	shalt  }
0x55: {  	_ =	shalt  }
0x56: {  	_ =	shalt  }
0x57: {  	_ =	shalt  }
0x58: {  	_ =	shalt  }
0x59: {  	_ =	shalt  }
0x5a: {  	_ =	shalt  }
0x5b: {  	_ =	shalt  }
0x5c: {  	_ =	shalt  }
0x5d: {  	_ =	shalt  }
0x5e: {  	_ =	shalt  }
0x5f: {  	_ =	shalt  }
0x60: {  	_ =	shalt  }
0x61: {  	_ =	shalt  }
0x62: {  	_ =	shalt  }
0x63: {  	_ =	shalt  }
0x64: {  	_ =	shalt  }
0x65: {  	_ =	shalt  }
0x66: {  	_ =	shalt  }
0x67: {  	_ =	shalt  }
0x68: {  	_ =	shalt  }
0x69: {  	_ =	shalt  }
0x6a: {  	_ =	shalt  }
0x6b: {  	_ =	shalt  }
0x6c: {  	_ =	shalt  }
0x6d: {  	_ =	shalt  }
0x6e: {  	_ =	shalt  }
0x6f: {  	_ =	shalt  }
0x70: {  	_ =	shalt  }
0x71: {  	_ =	shalt  }
0x72: {  	_ =	shalt  }
0x73: {  	_ =	shalt  }
0x74: {  	_ =	shalt  }
0x75: {  	_ =	shalt  }
0x76: {  	_ =	shalt  }
0x77: {  	_ =	shalt  }
0x78: {  	_ =	shalt  }
0x79: {  	_ =	shalt  }
0x7a: {  	_ =	shalt  }
0x7b: {  	_ =	shalt  }
0x7c: {  	_ =	shalt  }
0x7d: {  	_ =	shalt  }
0x7e: {  	_ =	shalt  }
0x7f: {  	_ =	shalt  }
0x80: {  	_ =	shalt  }
0x81: {  	_ =	shalt  }
0x82: {  	_ =	shalt  }
0x83: {  	_ =	shalt  }
0x84: {  	_ =	shalt  }
0x85: {  	_ =	shalt  }
0x86: {  	_ =	shalt  }
0x87: {  	_ =	shalt  }
.Lfunc_end0:
.L_simem_size_0:
called_computation_lowered:
.L_overlay_start_0:
0x88: {  	s2 =	sld [smem:$0x3FD9]  }
0x89: {  	s3 =	sld [smem:$0x3FFE];
	_ =	sdelay $0x1  }
0x8a: {  	s1 =	srdreg.scid  }
0x8b: {  	s0 =	sand.u32 $0x1, s1  }
0x8c: {  	s16 =	sshll.u32 s0, $0xA;
	s2 =	sadd.s32 s3, s2  }
0x8d: {  	s2 =	sadd.s32 s2, s16  }
0x8e: {  	[smem:$0x3FBD] =	sst s2  }
0x8f: {  	_ = 	snop  }
0x90: {  	(tm) =	ssettm $0x1  }
0x91: {  	s17 =	sld [smem:$0x3FFB];
	_ =	sdelay $0x3  }
0x92: {  	_ =	strace s17  }
0x93: {  	s2 =	sld [smem:$0x3FFC];
	_ =	sdelay $0x3  }
0x94: {  	_ =	strace s2  }
0x95: {  	s2 =	sld [smem:$0x3FFD];
	_ =	sdelay $0x3  }
0x96: {  	_ =	strace s2  }
0x97: {  	_ =	strace $0x8FFFFFFF  }
0x98: {  	s18 =	sld [smem:$0x3FDB];
	_ =	sdelay $0x1  }
0x99: {  	s19 =	simm.s32 $_scs_section_size  }
0x9a: {  	s4 =	simm.s32 $_size__tile_overlayer_lowered;
	s5 =	simm.s32 $_tile_overlayer_lowered  }
0x9b: {  	s22 =	simm.s32 $0x1BFF;
	s21 =	sshll.u32 s5, $0x1;
	s2 =	sadd.s32 s19, s18  }
0x9c: {  	s6 =	simm.s32 $0x0;
	s20 =	sshll.u32 s4, $0x1;
	s4 =	sadd.s32 s21, s2  }
0x9d: {  	[timem:s6], [sflag:s22] =	dma.local [hbm:s4], s20  }
0x9e: {  	_ =	swait.ge [sflag:s22], s20  }
0x9f: {  	s3 =	ssub.s32 $0x0, s20;
	[sflag:s22] =	ssyncset.done $0x0  }
0xa0: {  	[sflag:s22] =	ssyncadd.s32 s3;
	_ =	sdelay $0x1  }
0xa1: {  	s23 =	simm.s32 $0x1B8B  }
0xa2: {  	_ =	swait.ge [sflag:s23], $0x1  }
0xa3: {  	[sflag:s23] =	ssyncset.done $0x0  }
0xa4: {  	s25 =	simm.s32 $0x1B8E;
	s24 =	sld [smem:$0x3FFE];
	[sflag:s23] =	ssyncadd.s32 $0xFFFFFFFF  }
0xa5: {  	s26 =	simm.s32 $execute0_lowered;
	[smem:$0x3FD2] =	sst s25  }
0xa6: {  	s4 =	sshll.u32 s26, $0x1;
	_ =	strace $0x80000046;
	[dreg:$0x1] =	wrdreg $0xFFFFFFFF  }
0xa7: {  	s28 =	simm.s32 $_size_execute0_lowered;
	s2 =	sadd.s32 s2, s4;
	[dreg:$0x0] =	wrdreg $0x0  }
0xa8: {  	s4 =	sshll.u32 s28, $0x1;
	[dreg:$0x2] =	wrdreg s2  }
0xa9: {  	[dreg:$0x3] =	wrdreg s4  }
0xaa: {  	[dreg:$0x4] =	wrdreg $0xC0  }
0xab: {  	_ =	task [dreg:s6], $0x5FFFF  }
0xac: {  	[dreg:$0x1] =	wrdreg $0xFFFFFFFF  }
0xad: {  	[dreg:$0x0] =	wrdreg $0x60  }
0xae: {  	[dreg:$0x2] =	wrdreg s24  }
0xaf: {  	[dreg:$0x3] =	wrdreg $0x42E00  }
0xb0: {  	[dreg:$0x4] =	wrdreg $0x106380  }
0xb1: {  	[dreg:$0x5] =	wrdreg $0x9  }
0xb2: {  	_ =	task.clear_ibuf [dreg:s6], $0x6FFFF;
	_ =	strace $0x90000046  }
0xb3: {  	s29 =	simm.s32 $0x9;
	_ =	strace $0x80000048  }
0xb4: {  	_ =	swait.ge [sflag:s29], $0x1  }
0xb5: {  	[sflag:s29] =	ssyncadd.s32 $0xFFFFFFFF  }
0xb6: {  	_ =	strace $0x90000048  }
0xb7: {  	_ =	sfence  }
0xb8: {  	s30 =	sld [smem:$0x0];
	_ =	sdelay $0x2  }
0xb9: {  	s31 =	sshll.u32 s1, $0xD;
	s1 =	sshrl.u32 s1, $0x2  }
0xba: {  	s3 =	sand.u32 $0x4000, s31;
	s1 =	sadd.s32 s1, s30  }
0xbb: {  	s0 =	sor.u32 s3, s0;
	s1 =	sshll.u32 s1, $0x11  }
0xbc: {  	s0 =	sor.u32 s1, s0  }
0xbd: {  	s0 =	sadd.s32 $0x8F2B, s0  }
0xbe: {  	[sflag:s0] =	ssyncadd.remote.s32 $0x1  }
0xbf: {  	_ =	sfence.sel $0xFFFF  }
0xc0: {  	[dreg:$0x0] =	wrdreg $0xFFFFFFFF;
	(pc) =	sbr.abs _section_cstart, $3  }
0xc1: {  	[dreg:$0x1] =	wrdreg $0xFFFFFFFF  }
0xc2: {  	_ =	task.clear_ibuf [dreg:s6], $0x2FFFF;
	_ =	strace $0x9FFFFFFF  }
0xc3: {  	(tm) =	ssettm $0x7FFFFFFF  }
tec
execute0_lowered:
.L_overlay_start_1:
0x0: {  	(tag) =	ssettag $0x1  }
0x1: {  	s0 =	rddreg [dreg:$0x0]  }
0x2: {  	s2 =	rddreg [dreg:$0x1]  }
0x3: {  	s3 =	rddreg [dreg:$0x2]  }
0x4: {  	s17 =	stileid.u32;
	s5 =	srdreg.scid;
	s31 =	simm.s32 $0x7  }
0x5: {  	s30 =	simm.s32 $0xC00;
	s1 =	sadd.s32 $0x328600, s0;
	s4 =	smul.u32 $0xC380, s17  }
0x6: {  	s6 =	sadd.s32 $0x265000, s0;
	s7 =	smul.u32 $0x30E0, s17;
	s5 =	sand.u32 $0x1, s5  }
0x7: {  	s9 =	sshll.u32 s17, $0x5;
	s11 =	sadd.s32 $0x21200, s0;
	s14 =	sadd.s32 $0x52000, s0  }
0x8: {  	p0 =	seq.s32 s17, $0xF;
	s17 =	simm.s32 $0xD00;
	s8 =	ssub.s32 $0x2, s5  }
0x9: {  	s10 =	sshll.u32 s5, $0x4;
	s15 =	smul.u32 $0xC3500, s5;
	s12 =	sshrl.u32 s8, $0x1  }
0xa: {  	s5 =	smul.u32 $0x30D40, s5;
	s13 =	sor.u32 s10, s9;
	s8 =	ssub.s32 s8, s12  }
0xb: {  	s24 =	sadd.s32 s1, s13;
	s25 =	sadd.s32 s6, s13;
	s26 =	sor.u32 $0x200, s13  }
0xc: {  	s18 =	sor.u32 $0x400, s13;
	s20 =	sadd.s32 s4, s15;
	s21 =	sadd.s32 s7, s5  }
0xd: {  	s15 =	sshrl.u32 s15, $0x3;
	s5 =	sshrl.u32 s5, $0x3;
	[dreg:$0x4] =	wrdreg s24  }
0xe: {  	s23 =	sor.u32 $0xA00, s13;
	[dreg:$0x5] =	wrdreg s25;
	s16 =	sadd.s32 s1, s26  }
0xf: {  	s12 =	sadd.s32 s6, s26;
	s19 =	sadd.s32 s1, s18;
	s22 =	sshrl.u32 s21, $0x3  }
0x10: {  	s5 =	sadd.s32 s14, s5;
	s24 =	sor.u32 $0x800, s13;
	s13 =	sadd.s32 s23, s6  }
0x11: {  	s25 =	sshrl.u32 s4, $0x3;
	s26 =	sshrl.u32 s7, $0x3;
	[dreg:$0x6] =	wrdreg s16  }
0x12: {  	s4 =	sadd.s32 s4, s2;
	s21 =	sadd.s32 $0x24C800, s0;
	[dreg:$0x7] =	wrdreg s12  }
0x13: {  	[dreg:$0x8] =	wrdreg s19;
	s16 =	sadd.s32 s6, s18;
	s12 =	sshrl.u32 s20, $0x3  }
0x14: {  	s20 =	sadd.s32 $0x19690, s0;
	[dreg:$0x9] =	wrdreg s16;
	s12 =	sadd.s32 s11, s12  }
0x15: {  	s11 =	sadd.s32 s11, s15;
	s15 =	sadd.s32 s24, s6;
	s6 =	sadd.s32 s9, s6  }
0x16: {  	s16 =	simm.s32 $0x0;
	[dreg:$0xa] =	wrdreg s12;
	s12 =	sadd.s32 s14, s22  }
0x17: {  	s14 =	sadd.s32 s24, s1;
	[smem:$0x7FF] =	sst s16;
	s6 =	sadd.s32 s10, s6  }
0x18: {  	s22 =	sadd.s32 $0x16E90, s11;
	s24 =	smax.u32 s8, $0x1;
	s8 =	simm.s32 $0x100  }
0x19: {  	s11 =	simm.s32 $0x3;
	[dreg:$0xb] =	wrdreg s12;
	s12 =	sadd.s32 s23, s1  }
0x1a: {  	s1 =	sadd.s32 s9, s1;
	_ =	strace $0x80000047;
	[dreg:$0xc] =	wrdreg s4  }
0x1b: {  	s9 =	sadd.s32 s25, s0;
	s25 =	sadd.s32 s7, s3;
	[dreg:$0x10] =	wrdreg s20  }
0x1c: {  	s23 =	sadd.s32 $0x5BA4, s5;
	s28 =	sadd.s32 $0x600, s6;
	[dreg:$0x12] =	wrdreg s22  }
0x1d: {  	s5 =	sadd.s32 $0x2DD20, s3;
	s6 =	simm.s32 $0x600;
	[dreg:$0x13] =	wrdreg s23  }
0x1e: {  	s7 =	simm.s32 $0x1;
	s1 =	sadd.s32 s10, s1;
	[dreg:$0x14] =	wrdreg s24  }
0x1f: {  	s10 =	sadd.s32 s26, s0;
	s18 =	sadd.s32 $0x2800, s9;
	[dreg:$0xf] =	wrdreg s25  }
0x20: {  	s0 =	sadd.s32 $0x20BA4, s0;
	s26 =	sadd.s32 $0xB7480, s2;
	[dreg:$0x16] =	wrdreg s5  }
0x21: {  	s9 =	simm.s32 $0x2;
	s23 =	simm.s32 $0x5;
	[dreg:$0xd] =	wrdreg s18  }
0x22: {  	s22 =	simm.s32 $0x9;
	s20 =	simm.s32 $0x0;
	[dreg:$0x11] =	wrdreg s0  }
0x23: {  	s19 =	sadd.s32 $0x1B000, s10;
	s29 =	sadd.s32 $0x600, s1;
	[dreg:$0x15] =	wrdreg s26  }
0x24: {  	s0 =	simm.s32 $0x80;
	s10 =	simm.s32 $0x700;
	s18 =	simm.s32 $0x4  }
0x25: {  	v0 =	vimm.f32 $0.0e+00;
	s26 =	simm.s32 $0x6;
	[dreg:$0xe] =	wrdreg s19;
	s19 =	simm.s32 $0x8  }
.LBB2_1:
0x26: {  	[dreg:$0x17] =	wrdreg s20  }
0x27: {  	s1 =	rddreg [dreg:$0x15]  }
0x28: {  	s4 =	rddreg [dreg:$0x10];
	s20 =	sshrl.u32 @p0 s1, $0x3  }
0x29: {  	s1 =	simm.s32 @p0 $0x1FCA;
	[dreg:$0x18] =	wrdreg s20  }
0x2a: {  	[spmem:s20], [sflag:s1] =	dma.local @p0 [hbm:s4], $0x1818  }
0x2b: {  	s1 =	simm.s32 @p0 $0xA  }
0x2c: {  	_ =	swait.ge @p0 [sflag:s1], $0x1818  }
0x2d: {  	s24 =	simm.s32 @p0 $0x1200;
	[sflag:s1] =	ssyncset.done @p0 $0x0  }
0x2e: {  	s20 =	simm.s32 @p0 $0x0;
	s4 =	rddreg [dreg:$0x11];
	[sflag:s1] =	ssyncadd.s32 @p0 $0xFFFFE7E8  }
0x2f: {  	[tilespmem:s24], [sflag:$0xA] =	stream.linear.gather @p0 [hbm4b:s4+s20], $0x3030, $0x38;
	[tilespmem:$0x13710] =	vst v63  }
0x30: {  	_ =	swait.ge @p0 [sflag:s1], $0x3030  }
0x31: {  	[sflag:s1] =	ssyncset.done @p0 $0x0  }
0x32: {  	s4 =	stileid.u32;
	[sflag:s1] =	ssyncadd.s32 @p0 $0xFFFFCFD0  }
0x33: {  	[spmem:s5] =	stream.linear.scatter @p0 [tilespmem:s24], [sflag:$0xA], $0x3030, $0x38;
	[tilespmem:$0x13710] =	vst v63  }
0x34: {  	s24 =	sshll.u32 @!p0 s4, $0x6  }
0x35: {  	_ =	swait.ge @p0 [sflag:s1], $0x3030;
	s4 =	sor.u32 @!p0 $0x1C0A, s24  }
0x36: {  	[sflag:s1] =	ssyncset.done @p0 $0x0;
	[dreg:$0x19] =	wrdreg s4  }
0x37: {  	[sflag:s1] =	ssyncadd.s32 @p0 $0xFFFFCFD0;
	s1 =	rddreg [dreg:$0xc]  }
0x38: {  	s5 =	sshrl.u32 @!p0 s1, $0x3;
	s1 =	rddreg [dreg:$0xd]  }
0x39: {  	[dreg:$0x1a] =	wrdreg s5  }
0x3a: {  	[spmem:s5], [sflag:s4] =	dma.local @!p0 [hbm:s1], $0x1870  }
0x3b: {  	s1 =	simm.s32 @!p0 $0xA  }
0x3c: {  	_ =	swait.ge @!p0 [sflag:s1], $0x1870  }
0x3d: {  	s24 =	simm.s32 @!p0 $0x0;
	[sflag:s1] =	ssyncset.done @!p0 $0x0  }
0x3e: {  	s4 =	simm.s32 @!p0 $0x1200;
	s5 =	rddreg [dreg:$0xe];
	[sflag:s1] =	ssyncadd.s32 @!p0 $0xFFFFE790  }
0x3f: {  	[tilespmem:s4], [sflag:$0xA] =	stream.linear.gather @!p0 [hbm4b:s5+s24], $0x30E0, $0x38;
	[tilespmem:$0x13710] =	vst v63  }
0x40: {  	_ =	swait.ge @!p0 [sflag:s1], $0x30E0  }
0x41: {  	[sflag:s1] =	ssyncset.done @!p0 $0x0  }
0x42: {  	[sflag:s1] =	ssyncadd.s32 @!p0 $0xFFFFCF20  }
0x43: {  	[spmem:s25] =	stream.linear.scatter @!p0 [tilespmem:s4], [sflag:$0xA], $0x30E0, $0x38;
	[tilespmem:$0x13710] =	vst v63  }
0x44: {  	_ =	swait.ge @!p0 [sflag:s1], $0x30E0  }
0x45: {  	[sflag:s1] =	ssyncset.done @!p0 $0x0  }
0x46: {  	[sflag:s1] =	ssyncadd.s32 @!p0 $0xFFFFCF20  }
0x47: {  	[bflag:$0x0] =	sbarrier.arrive $0xFFFF  }
0x48: {  	s24 =	rddreg [dreg:$0x4]  }
0x49: {  	[tilespmem:s16], [sflag:$0x1] =	stream.linear.gather [hbm4b:s24+s16], $0x80, $0x38;
	[tilespmem:$0x13710] =	vst v63  }
0x4a: {  	s25 =	rddreg [dreg:$0x5]  }
0x4b: {  	[tilespmem:s0], [sflag:$0x1] =	stream.linear.gather [hbm4b:s25+s16], $0x80, $0x38;
	[tilespmem:$0x13710] =	vst v63  }
0x4c: {  	s4 =	rddreg [dreg:$0x6]  }
0x4d: {  	[tilespmem:s6], [sflag:$0x2] =	stream.linear.gather [hbm4b:s4+s16], $0x80, $0x38;
	[tilespmem:$0x13710] =	vst v63  }
0x4e: {  	s5 =	rddreg [dreg:$0x7];
	s25 =	simm.s32 $0x680  }
0x4f: {  	[tilespmem:s25], [sflag:$0x2] =	stream.linear.gather [hbm4b:s5+s16], $0x80, $0x38;
	[tilespmem:$0x13710] =	vst v63  }
0x50: {  	s20 =	rddreg [dreg:$0x8]  }
0x51: {  	[tilespmem:s30], [sflag:$0x3] =	stream.linear.gather [hbm4b:s20+s16], $0x80, $0x38;
	[tilespmem:$0x13710] =	vst v63  }
0x52: {  	s24 =	rddreg [dreg:$0x9];
	s20 =	simm.s32 $0xC80  }
0x53: {  	[tilespmem:s20], [sflag:$0x3] =	stream.linear.gather [hbm4b:s24+s16], $0x80, $0x38;
	[tilespmem:$0x13710] =	vst v63  }
0x54: {  	s1 =	simm.s32 $0x0;
	s16 =	simm.s32 $0x1180  }
.LBB2_2:
0x55: {  	_ =	swait.ge [sflag:s7], $0x80  }
0x56: {  	[sflag:s7] =	ssyncset.done $0x0  }
0x57: {  	[sflag:s7] =	ssyncadd.s32 $0xFFFFFF80  }
0x58: {  	_ =	swait.ge [sflag:s7], $0x80  }
0x59: {  	[sflag:s7] =	ssyncset.done $0x0  }
0x5a: {  	s4 =	simm.s32 $0x0;
	[sflag:s7] =	ssyncadd.s32 $0xFFFFFF80  }
0x5b: {  	[tilespmem:s8], [sflag:$0x4] =	stream.indirect.gather [hbm4b:s21+s0], $0x8, s4, s0, $0xb8;
	[tilespmem:$0x13710] =	vst v63  }
0x5c: {  	_ =	swait.ge [sflag:s9], $0x80  }
0x5d: {  	[sflag:s9] =	ssyncset.done $0x0  }
0x5e: {  	[sflag:s9] =	ssyncadd.s32 $0xFFFFFF80  }
0x5f: {  	_ =	swait.ge [sflag:s9], $0x80  }
0x60: {  	[sflag:s9] =	ssyncset.done $0x0  }
0x61: {  	[sflag:s9] =	ssyncadd.s32 $0xFFFFFF80  }
0x62: {  	[tilespmem:s10], [sflag:$0x5] =	stream.indirect.gather [hbm4b:s21+s0], $0x8, s6, s0, $0xb8;
	[tilespmem:$0x13710] =	vst v63  }
0x63: {  	_ =	swait.ge [sflag:s11], $0x80  }
0x64: {  	[sflag:s11] =	ssyncset.done $0x0  }
0x65: {  	[sflag:s11] =	ssyncadd.s32 $0xFFFFFF80  }
0x66: {  	_ =	swait.ge [sflag:s11], $0x80  }
0x67: {  	[sflag:s11] =	ssyncset.done $0x0  }
0x68: {  	[sflag:s11] =	ssyncadd.s32 $0xFFFFFF80  }
0x69: {  	[tilespmem:s17], [sflag:$0x6] =	stream.indirect.gather [hbm4b:s21+s0], $0x8, s30, s0, $0xb8;
	[tilespmem:$0x13710] =	vst v63  }
0x6a: {  	v1 =	vld [tilespmem:$0x0]  }
0x6b: {  	v2 =	vld [tilespmem:$0x80]  }
0x6c: {  	v3 =	vld [tilespmem:$0x10]  }
0x6d: {  	v4 =	vld [tilespmem:$0x90]  }
0x6e: {  	v5 =	vld [tilespmem:$0x20]  }
0x6f: {  	v6 =	vld [tilespmem:$0xA0];
	v1 =	vshll.u32 v1, $0x1  }
0x70: {  	vm0 =	vlt.s32 v2, $0x2;
	v1 =	vadd.s32 v2, v1;
	v2 =	vld [tilespmem:$0x30]  }
0x71: {  	v7 =	vld [tilespmem:$0xB0];
	v3 =	vshll.u32 v3, $0x1;
	v1 =	vnsel vm0, $0xFFFFFFFF, v1  }
0x72: {  	v32 =	vld [tilespmem:$0x40];
	vm5 =	vlt.s32 v4, $0x2;
	v3 =	vadd.s32 v4, v3;
	[tilespmem:$0x500] =	vst v1;
	v1 =	vsel vm0, $0x3F800000, v0  }
0x73: {  	v33 =	vld [tilespmem:$0xC0];
	[tilespmem:$0x580] =	vst v1;
	v1 =	vnsel vm5, $0xFFFFFFFF, v3;
	v3 =	vshll.u32 v5, $0x1  }
0x74: {  	v34 =	vld [tilespmem:$0x50];
	vm6 =	vlt.s32 v6, $0x2;
	[tilespmem:$0x510] =	vst v1;
	v1 =	vsel vm5, $0x3F800000, v0;
	v3 =	vadd.s32 v6, v3  }
0x75: {  	[tilespmem:$0x590] =	vst v1;
	v1 =	vnsel vm6, $0xFFFFFFFF, v3;
	v2 =	vshll.u32 v2, $0x1;
	v3 =	vld [tilespmem:$0xD0]  }
0x76: {  	v35 =	vld [tilespmem:$0x60];
	vm7 =	vlt.s32 v7, $0x2;
	[tilespmem:$0x520] =	vst v1;
	v1 =	vsel vm6, $0x3F800000, v0;
	v2 =	vadd.s32 v7, v2  }
0x77: {  	v36 =	vld [tilespmem:$0xE0];
	[tilespmem:$0x5A0] =	vst v1;
	v1 =	vnsel vm7, $0xFFFFFFFF, v2;
	v2 =	vshll.u32 v32, $0x1  }
0x78: {  	v37 =	vld [tilespmem:$0x70];
	vm8 =	vlt.s32 v33, $0x2;
	[tilespmem:$0x530] =	vst v1;
	v1 =	vsel vm7, $0x3F800000, v0;
	v2 =	vadd.s32 v33, v2  }
0x79: {  	v38 =	vld [tilespmem:$0xF0];
	[tilespmem:$0x5B0] =	vst v1;
	v1 =	vnsel vm8, $0xFFFFFFFF, v2;
	v2 =	vshll.u32 v34, $0x1  }
0x7a: {  	[tilespmem:$0x540] =	vst v1;
	v1 =	vsel vm8, $0x3F800000, v0;
	vm9 =	vlt.s32 v3, $0x2;
	v2 =	vadd.s32 v3, v2;
	v3 =	vld [tilespmem:$0x600]  }
0x7b: {  	v39 =	vld [tilespmem:$0x680];
	[tilespmem:$0x5C0] =	vst v1;
	v1 =	vnsel vm9, $0xFFFFFFFF, v2;
	v2 =	vshll.u32 v35, $0x1  }
0x7c: {  	v40 =	vld [tilespmem:$0x610];
	vm10 =	vlt.s32 v36, $0x2;
	[tilespmem:$0x550] =	vst v1;
	v1 =	vsel vm9, $0x3F800000, v0;
	v2 =	vadd.s32 v36, v2  }
0x7d: {  	v41 =	vld [tilespmem:$0x690];
	[tilespmem:$0x5D0] =	vst v1;
	v1 =	vnsel vm10, $0xFFFFFFFF, v2;
	v2 =	vshll.u32 v37, $0x1  }
0x7e: {  	v42 =	vld [tilespmem:$0x620];
	vm11 =	vlt.s32 v38, $0x2;
	[tilespmem:$0x560] =	vst v1;
	v1 =	vsel vm10, $0x3F800000, v0;
	v2 =	vadd.s32 v38, v2  }
0x7f: {  	[tilespmem:$0x5E0] =	vst v1;
	v1 =	vnsel vm11, $0xFFFFFFFF, v2;
	v2 =	vshll.u32 v3, $0x1;
	v3 =	vld [tilespmem:$0x6A0]  }
0x80: {  	v43 =	vld [tilespmem:$0x630];
	vm12 =	vlt.s32 v39, $0x2;
	[tilespmem:$0x570] =	vst v1;
	v1 =	vsel vm11, $0x3F800000, v0;
	v2 =	vadd.s32 v39, v2  }
0x81: {  	v44 =	vld [tilespmem:$0x6B0];
	[tilespmem:$0x5F0] =	vst v1;
	v1 =	vnsel vm12, $0xFFFFFFFF, v2;
	v2 =	vshll.u32 v40, $0x1  }
0x82: {  	v45 =	vld [tilespmem:$0x640];
	vm13 =	vlt.s32 v41, $0x2;
	[tilespmem:$0xB00] =	vst v1;
	v1 =	vsel vm12, $0x3F800000, v0;
	v2 =	vadd.s32 v41, v2  }
0x83: {  	v46 =	vld [tilespmem:$0x6C0];
	[tilespmem:$0xB80] =	vst v1;
	v1 =	vnsel vm13, $0xFFFFFFFF, v2;
	v2 =	vshll.u32 v42, $0x1  }
0x84: {  	[tilespmem:$0xB10] =	vst v1;
	v1 =	vsel vm13, $0x3F800000, v0;
	vm14 =	vlt.s32 v3, $0x2;
	v2 =	vadd.s32 v3, v2;
	v3 =	vld [tilespmem:$0x650]  }
0x85: {  	v47 =	vld [tilespmem:$0x6D0];
	[tilespmem:$0xB90] =	vst v1;
	v1 =	vnsel vm14, $0xFFFFFFFF, v2;
	v2 =	vshll.u32 v43, $0x1  }
0x86: {  	v48 =	vld [tilespmem:$0x660];
	vm15 =	vlt.s32 v44, $0x2;
	[tilespmem:$0xB20] =	vst v1;
	v1 =	vsel vm14, $0x3F800000, v0;
	v2 =	vadd.s32 v44, v2  }
0x87: {  	v49 =	vld [tilespmem:$0x6E0];
	[tilespmem:$0xBA0] =	vst v1;
	v1 =	vnsel vm15, $0xFFFFFFFF, v2;
	v2 =	vshll.u32 v45, $0x1  }
0x88: {  	v50 =	vld [tilespmem:$0x670];
	vm4 =	vlt.s32 v46, $0x2;
	[tilespmem:$0xB30] =	vst v1;
	v1 =	vsel vm15, $0x3F800000, v0;
	v2 =	vadd.s32 v46, v2  }
0x89: {  	[tilespmem:$0xBB0] =	vst v1;
	v1 =	vnsel vm4, $0xFFFFFFFF, v2;
	v2 =	vshll.u32 v3, $0x1;
	v3 =	vld [tilespmem:$0x6F0]  }
0x8a: {  	v51 =	vld [tilespmem:$0xC00];
	vm5 =	vlt.s32 v47, $0x2;
	[tilespmem:$0xB40] =	vst v1;
	v1 =	vsel vm4, $0x3F800000, v0;
	v2 =	vadd.s32 v47, v2  }
0x8b: {  	v52 =	vld [tilespmem:$0xC80];
	[tilespmem:$0xBC0] =	vst v1;
	v1 =	vnsel vm5, $0xFFFFFFFF, v2;
	v2 =	vshll.u32 v48, $0x1  }
0x8c: {  	v53 =	vld [tilespmem:$0xC10];
	vm6 =	vlt.s32 v49, $0x2;
	[tilespmem:$0xB50] =	vst v1;
	v1 =	vsel vm5, $0x3F800000, v0;
	v2 =	vadd.s32 v49, v2  }
0x8d: {  	v54 =	vld [tilespmem:$0xC90];
	[tilespmem:$0xBD0] =	vst v1;
	v1 =	vnsel vm6, $0xFFFFFFFF, v2;
	v2 =	vshll.u32 v50, $0x1  }
0x8e: {  	[tilespmem:$0xB60] =	vst v1;
	v1 =	vsel vm6, $0x3F800000, v0;
	vm7 =	vlt.s32 v3, $0x2;
	v2 =	vadd.s32 v3, v2;
	v3 =	vld [tilespmem:$0xC20]  }
0x8f: {  	v55 =	vld [tilespmem:$0xCA0];
	[tilespmem:$0xBE0] =	vst v1;
	v1 =	vnsel vm7, $0xFFFFFFFF, v2;
	v2 =	vshll.u32 v51, $0x1  }
0x90: {  	v56 =	vld [tilespmem:$0xC30];
	vm8 =	vlt.s32 v52, $0x2;
	[tilespmem:$0xB70] =	vst v1;
	v1 =	vsel vm7, $0x3F800000, v0;
	v2 =	vadd.s32 v52, v2  }
0x91: {  	v57 =	vld [tilespmem:$0xCB0];
	[tilespmem:$0xBF0] =	vst v1;
	v1 =	vnsel vm8, $0xFFFFFFFF, v2;
	v2 =	vshll.u32 v53, $0x1  }
0x92: {  	v58 =	vld [tilespmem:$0xC40];
	vm9 =	vlt.s32 v54, $0x2;
	[tilespmem:$0x1100] =	vst v1;
	v1 =	vsel vm8, $0x3F800000, v0;
	v2 =	vadd.s32 v54, v2  }
0x93: {  	[tilespmem:$0x1180] =	vst v1;
	v1 =	vnsel vm9, $0xFFFFFFFF, v2;
	v2 =	vshll.u32 v3, $0x1;
	v3 =	vld [tilespmem:$0xCC0]  }
0x94: {  	v59 =	vld [tilespmem:$0xC50];
	vm10 =	vlt.s32 v55, $0x2;
	[tilespmem:$0x1110] =	vst v1;
	v1 =	vsel vm9, $0x3F800000, v0;
	v2 =	vadd.s32 v55, v2  }
0x95: {  	v60 =	vld [tilespmem:$0xCD0];
	[tilespmem:$0x1190] =	vst v1;
	v1 =	vnsel vm10, $0xFFFFFFFF, v2;
	v2 =	vshll.u32 v56, $0x1  }
0x96: {  	v61 =	vld [tilespmem:$0xC60];
	vm11 =	vlt.s32 v57, $0x2;
	[tilespmem:$0x1120] =	vst v1;
	v1 =	vsel vm10, $0x3F800000, v0;
	v2 =	vadd.s32 v57, v2  }
0x97: {  	v62 =	vld [tilespmem:$0xCE0];
	[tilespmem:$0x11A0] =	vst v1;
	v1 =	vnsel vm11, $0xFFFFFFFF, v2;
	v2 =	vshll.u32 v58, $0x1  }
0x98: {  	[tilespmem:$0x1130] =	vst v1;
	v1 =	vsel vm11, $0x3F800000, v0;
	vm12 =	vlt.s32 v3, $0x2;
	v2 =	vadd.s32 v3, v2;
	v3 =	vld [tilespmem:$0xC70]  }
0x99: {  	v63 =	vld [tilespmem:$0xCF0];
	[tilespmem:$0x11B0] =	vst v1;
	v1 =	vnsel vm12, $0xFFFFFFFF, v2;
	v2 =	vshll.u32 v59, $0x1  }
0x9a: {  	vm13 =	vlt.s32 v60, $0x2;
	[tilespmem:$0x1140] =	vst v1;
	v1 =	vsel vm12, $0x3F800000, v0;
	v2 =	vadd.s32 v60, v2  }
0x9b: {  	[tilespmem:$0x11C0] =	vst v1;
	v1 =	vnsel vm13, $0xFFFFFFFF, v2;
	v2 =	vshll.u32 v61, $0x1  }
0x9c: {  	vm14 =	vlt.s32 v62, $0x2;
	[tilespmem:$0x1150] =	vst v1;
	v1 =	vsel vm13, $0x3F800000, v0;
	v2 =	vadd.s32 v62, v2  }
0x9d: {  	[tilespmem:$0x11D0] =	vst v1;
	v1 =	vnsel vm14, $0xFFFFFFFF, v2;
	v2 =	vshll.u32 v3, $0x1  }
0x9e: {  	vm15 =	vlt.s32 v63, $0x2;
	[tilespmem:$0x1160] =	vst v1;
	v1 =	vsel vm14, $0x3F800000, v0;
	v2 =	vadd.s32 v63, v2  }
0x9f: {  	[tilespmem:$0x11E0] =	vst v1;
	v1 =	vnsel vm15, $0xFFFFFFFF, v2  }
0xa0: {  	[tilespmem:$0x1170] =	vst v1;
	v1 =	vsel vm15, $0x3F800000, v0  }
0xa1: {  	[tilespmem:$0x11F0] =	vst v1  }
0xa2: {  	_ =	swait.ge [sflag:s18], $0x400  }
0xa3: {  	[sflag:s18] =	ssyncset.done $0x0  }
0xa4: {  	[sflag:s18] =	ssyncadd.s32 $0xFFFFFC00;
	(ifvalue) =	ssetifvalue $0x186A0  }
0xa5: {  	[spmem:s2] =	stream.indirect.scatter.add.f32 [tilespmem:s8], [sflag:$0x7], $0x8, s0, s0, $0x40b8;
	[tilespmem:$0x13710] =	vst v63  }
0xa6: {  	s24 =	simm.s32 $0x500;
	s5 =	simm.s32 $0x580;
	(ifvalue) =	ssetifvalue $0xFFFFFFFF  }
0xa7: {  	[spmem:s3] =	stream.indirect.scatter.add.f32 [tilespmem:s5], [sflag:$0x7], $0x1, s24, s0, $0x40b8;
	[tilespmem:$0x13710] =	vst v63  }
0xa8: {  	_ =	swait.ge [sflag:s23], $0x400  }
0xa9: {  	[sflag:s23] =	ssyncset.done $0x0  }
0xaa: {  	[sflag:s23] =	ssyncadd.s32 $0xFFFFFC00;
	(ifvalue) =	ssetifvalue $0x186A0  }
0xab: {  	[spmem:s2] =	stream.indirect.scatter.add.f32 [tilespmem:s10], [sflag:$0x8], $0x8, s25, s0, $0x40b8;
	[tilespmem:$0x13710] =	vst v63  }
0xac: {  	s5 =	simm.s32 $0xB00;
	s24 =	simm.s32 $0xB80;
	(ifvalue) =	ssetifvalue $0xFFFFFFFF  }
0xad: {  	[spmem:s3] =	stream.indirect.scatter.add.f32 [tilespmem:s24], [sflag:$0x8], $0x1, s5, s0, $0x40b8;
	[tilespmem:$0x13710] =	vst v63  }
0xae: {  	_ =	swait.ge [sflag:s26], $0x400  }
0xaf: {  	[sflag:s26] =	ssyncset.done $0x0  }
0xb0: {  	[sflag:s26] =	ssyncadd.s32 $0xFFFFFC00;
	(ifvalue) =	ssetifvalue $0x186A0  }
0xb1: {  	[spmem:s2] =	stream.indirect.scatter.add.f32 [tilespmem:s17], [sflag:$0x9], $0x8, s20, s0, $0x40b8;
	[tilespmem:$0x13710] =	vst v63  }
0xb2: {  	s24 =	simm.s32 $0x1100;
	(ifvalue) =	ssetifvalue $0xFFFFFFFF  }
0xb3: {  	[spmem:s3] =	stream.indirect.scatter.add.f32 [tilespmem:s16], [sflag:$0x9], $0x1, s24, s0, $0x40b8;
	[tilespmem:$0x13710] =	vst v63  }
0xb4: {  	_ =	swait.ge [sflag:s31], $0x400  }
0xb5: {  	[sflag:s31] =	ssyncset.done $0x0  }
0xb6: {  	[sflag:s31] =	ssyncadd.s32 $0xFFFFFC00  }
0xb7: {  	_ =	swait.ge [sflag:s31], $0x80  }
0xb8: {  	[sflag:s31] =	ssyncset.done $0x0  }
0xb9: {  	[sflag:s31] =	ssyncadd.s32 $0xFFFFFF80  }
0xba: {  	_ =	swait.ge [sflag:s19], $0x400  }
0xbb: {  	[sflag:s19] =	ssyncset.done $0x0  }
0xbc: {  	[sflag:s19] =	ssyncadd.s32 $0xFFFFFC00  }
0xbd: {  	_ =	swait.ge [sflag:s19], $0x80  }
0xbe: {  	[sflag:s19] =	ssyncset.done $0x0  }
0xbf: {  	[sflag:s19] =	ssyncadd.s32 $0xFFFFFF80  }
0xc0: {  	_ =	swait.ge [sflag:s22], $0x400  }
0xc1: {  	[sflag:s22] =	ssyncset.done $0x0  }
0xc2: {  	[sflag:s22] =	ssyncadd.s32 $0xFFFFFC00  }
0xc3: {  	_ =	swait.ge [sflag:s22], $0x80  }
0xc4: {  	p1 =	seq.s32 s1, $0xC3000;
	[sflag:s22] =	ssyncset.done $0x0  }
0xc5: {  	s4 =	sadd.s32 @!p1 s1, s29;
	s24 =	simm.s32 @!p1 $0x0;
	[sflag:s22] =	ssyncadd.s32 $0xFFFFFF80  }
0xc6: {  	[tilespmem:s24], [sflag:$0x1] =	stream.linear.gather @!p1 [hbm4b:s4+s24], $0x80, $0x38;
	[tilespmem:$0x13710] =	vst v63  }
0xc7: {  	s5 =	simm.s32 @!p1 $0x80;
	s4 =	sadd.s32 @!p1 s1, s28  }
0xc8: {  	[tilespmem:s5], [sflag:$0x1] =	stream.linear.gather @!p1 [hbm4b:s4+s24], $0x80, $0x38;
	[tilespmem:$0x13710] =	vst v63  }
0xc9: {  	s4 =	sadd.s32 @!p1 s1, s14;
	s5 =	simm.s32 @!p1 $0x600  }
0xca: {  	[tilespmem:s5], [sflag:$0x2] =	stream.linear.gather @!p1 [hbm4b:s4+s24], $0x80, $0x38;
	[tilespmem:$0x13710] =	vst v63  }
0xcb: {  	s4 =	sadd.s32 @!p1 s1, s15;
	s5 =	simm.s32 @!p1 $0x680  }
0xcc: {  	[tilespmem:s5], [sflag:$0x2] =	stream.linear.gather @!p1 [hbm4b:s4+s24], $0x80, $0x38;
	[tilespmem:$0x13710] =	vst v63  }
0xcd: {  	s4 =	sadd.s32 @!p1 s1, s12;
	s5 =	simm.s32 @!p1 $0xC00  }
0xce: {  	[tilespmem:s5], [sflag:$0x3] =	stream.linear.gather @!p1 [hbm4b:s4+s24], $0x80, $0x38;
	[tilespmem:$0x13710] =	vst v63  }
0xcf: {  	s4 =	sadd.s32 @!p1 s1, s13;
	s1 =	sadd.s32 @!p1 $0x600, s1  }
0xd0: {  	s5 =	simm.s32 @!p1 $0xC80;
	p2 =	sne.s32 @!p1 s1, $0xC3600  }
0xd1: {  	[tilespmem:s5], [sflag:$0x3] =	stream.linear.gather @!p1 [hbm4b:s4+s24], $0x80, $0x38;
	[tilespmem:$0x13710] =	vst v63  }
0xd2: {  	p1 =	por p1, !p2  }
.Ltmp0:
0xd3: {  	_ = 	snop;
	(pc) =	sbr.rel @!p1 .LBB2_2-.Ltmp0, $1  }
0xd4: {  	_ =	sdelay $0x3  }
0xd5: {  	[bflag:$0x0] =	sbarrier.arrive $0xFFFF  }
0xd6: {  	s4 =	rddreg [dreg:$0x12]  }
0xd7: {  	s1 =	simm.s32 @p0 $0x1FCA;
	s5 =	rddreg [dreg:$0x18]  }
0xd8: {  	[hbm:s4], [sflag:s1] =	dma.local @p0 [spmem:s5], $0x1810  }
0xd9: {  	s1 =	simm.s32 @p0 $0xA  }
0xda: {  	_ =	swait.ge @p0 [sflag:s1], $0x1810  }
0xdb: {  	[sflag:s1] =	ssyncset.done @p0 $0x0  }
0xdc: {  	s4 =	simm.s32 @p0 $0x1200;
	s6 =	rddreg [dreg:$0x16];
	[sflag:s1] =	ssyncadd.s32 @p0 $0xFFFFE7F0  }
0xdd: {  	[tilespmem:s4], [sflag:$0xA] =	stream.linear.gather @p0 [spmem:s6], $0x3020, $0x38;
	[tilespmem:$0x13710] =	vst v63  }
0xde: {  	_ =	swait.ge @p0 [sflag:s1], $0x3020  }
0xdf: {  	[sflag:s1] =	ssyncset.done @p0 $0x0  }
0xe0: {  	s5 =	simm.s32 @p0 $0x0;
	s24 =	rddreg [dreg:$0x13];
	[sflag:s1] =	ssyncadd.s32 @p0 $0xFFFFCFE0  }
0xe1: {  	[hbm4b:s24+s5] =	stream.linear.scatter @p0 [tilespmem:s4], [sflag:$0xA], $0x3020, $0x38;
	[tilespmem:$0x13710] =	vst v63  }
0xe2: {  	_ =	swait.ge @p0 [sflag:s1], $0x3020  }
0xe3: {  	s4 =	rddreg [dreg:$0x19]  }
0xe4: {  	[sflag:s1] =	ssyncset.done @p0 $0x0;
	s5 =	rddreg [dreg:$0x1a]  }
0xe5: {  	[sflag:s1] =	ssyncadd.s32 @p0 $0xFFFFCFE0;
	s1 =	rddreg [dreg:$0xa]  }
0xe6: {  	[hbm:s1], [sflag:s4] =	dma.local @!p0 [spmem:s5], $0x1870  }
0xe7: {  	s1 =	simm.s32 @!p0 $0xA  }
0xe8: {  	_ =	swait.ge @!p0 [sflag:s1], $0x1870  }
0xe9: {  	[sflag:s1] =	ssyncset.done @!p0 $0x0  }
0xea: {  	s4 =	simm.s32 @!p0 $0x1200;
	s25 =	rddreg [dreg:$0xf];
	[sflag:s1] =	ssyncadd.s32 @!p0 $0xFFFFE790  }
0xeb: {  	[tilespmem:s4], [sflag:$0xA] =	stream.linear.gather @!p0 [spmem:s25], $0x30E0, $0x38;
	[tilespmem:$0x13710] =	vst v63  }
0xec: {  	_ =	swait.ge @!p0 [sflag:s1], $0x30E0  }
0xed: {  	[sflag:s1] =	ssyncset.done @!p0 $0x0  }
0xee: {  	s5 =	simm.s32 @!p0 $0x0;
	s24 =	rddreg [dreg:$0xb];
	[sflag:s1] =	ssyncadd.s32 @!p0 $0xFFFFCF20  }
0xef: {  	[hbm4b:s24+s5] =	stream.linear.scatter @!p0 [tilespmem:s4], [sflag:$0xA], $0x30E0, $0x38;
	[tilespmem:$0x13710] =	vst v63  }
0xf0: {  	_ =	swait.ge @!p0 [sflag:s1], $0x30E0  }
0xf1: {  	s20 =	rddreg [dreg:$0x17]  }
0xf2: {  	s24 =	rddreg [dreg:$0x14];
	s20 =	sadd.s32 $0x1, s20  }
0xf3: {  	p1 =	sne.s32 s20, s24  }
.Ltmp1:
0xf4: {  	_ = 	snop;
	(pc) =	sbr.rel @p1 .LBB2_1-.Ltmp1, $3  }
0xf5: {  	_ =	sdelay $0x1  }
0xf6: {  	s16 =	simm.s32 $0x0;
	[sflag:s1] =	ssyncset.done @!p0 $0x0  }
0xf7: {  	s5 =	smov.u32 s6;
	s6 =	simm.s32 $0x600;
	[sflag:s1] =	ssyncadd.s32 @!p0 $0xFFFFCF20  }
0xf8: {  	_ =	sfence.sel $0x180000  }
0xf9: {  	[bflag:$0x0] =	sbarrier.arrive $0xFFFF  }
0xfa: {  	_ =	strace $0x90000047  }
0xfb: {  	s0 =	stileid.u32;
	[bflag:$0x2] =	sbarrier.arrive $0xFFFF  }
0xfc: {  	p0 =	sne.s32 s0, $0x0;
	s0 =	rddreg [dreg:$0x3]  }
0xfd: {  	s0 =	sadd.s32 @!p0 $0x100000, s0  }
0xfe: {  	[sflag:s0] =	ssyncadd.tile.s32 @!p0 $0x1;
	_ =	shalt  }
.Lfunc_end2:
_tile_overlayer_lowered:
.L_overlay_start_2:
0xff: {  	(tag) =	ssettag $0x2  }
0x100: {  	s0 =	rddreg [dreg:$0x0];
	s2 =	stileid.u32  }
0x101: {  	s1 =	rddreg [dreg:$0x1];
	p0 =	sne.s32 s2, $0x0  }
0x102: {  	s3 =	rddreg [dreg:$0x2];
	[bflag:$0x3] =	sbarrier.arrive $0xFFFF;
	s2 =	simm.s32 @!p0 $0x1C0A  }
0x103: {  	[timem:s3], [sflag:s2] =	dma.local @!p0 [hbm:s0], s1  }
0x104: {  	s0 =	simm.s32 @!p0 $0xA  }
0x105: {  	_ =	swait.ge @!p0 [sflag:s0], s1  }
0x106: {  	s1 =	ssub.s32 @!p0 $0x0, s1;
	[sflag:s0] =	ssyncset.done @!p0 $0x0  }
0x107: {  	[sflag:s0] =	ssyncadd.s32 @!p0 s1  }
0x108: {  	[bflag:$0x3] =	sbarrier.arrive $0xFFFF  }
0x109: {  	_ =	shalt  }

// kernel: kernel.9.cloned.1.call-start
scs
__scs_entry_jumppad:
0x0: {  	(pc) =	sbr.rel $0x88, $3  }
0x1: {  	(tag) =	ssettag $0x0;
	lr =	simm.s32 $0x1  }
0x2: {  	[smem:$0x3F96] =	sst lr;
	_ =	strace $0xD0000000  }
0x3: {  	_ = 	snop  }
0x4: {  	_ = 	snop  }
0x5: {  	_ = 	snop  }
0x6: {  	_ = 	snop  }
0x7: {  	_ = 	snop  }
__scs_overlays_trampoline_lowered:
0x8: {  	[smem:$0x3FA5] =	sst s0  }
0x9: {  	[smem:$0x3FA6] =	sst s1  }
0xa: {  	[smem:$0x3FA7] =	sst s2  }
0xb: {  	[smem:$0x3FA8] =	sst s3  }
0xc: {  	[smem:$0x3FA9] =	sst s4  }
0xd: {  	[smem:$0x3FAA] =	sst s5  }
0xe: {  	[smem:$0x3FAB] =	sst s6  }
0xf: {  	[smem:$0x3FAC] =	sst s7  }
0x10: {  	[smem:$0x3FAD] =	sst s8  }
0x11: {  	[smem:$0x3FAE] =	sst s9;
	s0 =	simm.s32 @!p0 $0x0  }
0x12: {  	s1 =	sld [smem:$0x3F94];
	s0 =	simm.s32 @p0 $0x1  }
0x13: {  	[smem:$0x3FAF] =	sst s0;
	s0 =	simm.s32 @!p1 $0x0  }
0x14: {  	s2 =	sld [smem:$0x3F93];
	s0 =	simm.s32 @p1 $0x1  }
0x15: {  	[smem:$0x3FB0] =	sst s0;
	s0 =	simm.s32 @!p2 $0x0  }
0x16: {  	s3 =	sld [smem:$0x3FDB];
	s0 =	simm.s32 @p2 $0x1  }
0x17: {  	s4 =	simm.s32 $0x1BF5;
	[smem:$0x3FB2] =	sst s0  }
0x18: {  	s0 =	sld [smem:$0x3F95];
	_ =	swait.ge [sflag:s4], $0x0  }
0x19: {  	s7 =	sld [smem:$0x3F96]  }
0x1a: {  	s8 =	sadd.s32 $0xFFFFE003, lr  }
0x1b: {  	s9 =	sadd.s32 $0xFFFFFEF7, lr;
	s5 =	simm.s32 $0xFFFFFFFF;
	p2 =	slt.u32 s8, $0xFFFFF086  }
0x1c: {  	p1 =	slt.u32 s9, $0xF7A;
	s5 =	simm.s32 @!p2 $0x0  }
0x1d: {  	s5 =	simm.s32 @p1 $0x1;
	p0 =	seq.s32 s7, s2  }
0x1e: {  	s7 =	smul.u32 @!p0 $0xF7A, s2;
	p2 =	seq.s32 @!p0 s5, $0x0  }
0x1f: {  	s9 =	smul.u32 $0xF7A, s1;
	s8 =	simm.s32 @!p0 $0x1BF5;
	p2 =	por !p2, p0  }
0x20: {  	[sflag:s8] =	ssyncset.s32 @!p0 $0xFFFFF086;
	s6 =	sadd.s32 @!p0 s3, s7;
	s7 =	simm.s32 @!p0 $0x108  }
0x21: {  	s3 =	sadd.s32 s3, s9;
	s6 =	sadd.s32 @!p0 $0x88, s6;
	s7 =	simm.s32 @p2 $0x1082  }
0x22: {  	[simem:s7], [sflag:s8] =	dma.local @!p0 [hbm:s6], $0xF7A  }
0x23: {  	s9 =	sor.u32 $0xD0000000, s2;
	s6 =	simm.s32 $0x108;
	_ =	swait.ge @!p0 [sflag:s8], $0x0  }
0x24: {  	s3 =	sadd.s32 $0x88, s3;
	s6 =	simm.s32 @!p1 $0x1082;
	[sflag:s4] =	ssyncset.s32 $0xFFFFF086  }
0x25: {  	[simem:s6], [sflag:s4] =	dma.local [hbm:s3], $0xF7A  }
0x26: {  	[smem:$0x3F96] =	sst s1;
	(tag) =	ssettag s2;
	_ =	strace s9  }
0x27: {  	s1 =	sld [smem:$0x3FA6]  }
0x28: {  	s2 =	sld [smem:$0x3FA7]  }
0x29: {  	s4 =	sld [smem:$0x3FA9]  }
0x2a: {  	p0 =	seq.s32 s5, $0x0;
	s5 =	sld [smem:$0x3FAA]  }
0x2b: {  	s6 =	sld [smem:$0x3FAB]  }
0x2c: {  	s7 =	sld [smem:$0x3FAC]  }
0x2d: {  	s3 =	simm.s32 $0x108;
	s8 =	sld [smem:$0x3FAD]  }
0x2e: {  	s3 =	simm.s32 @!p0 $0x1082;
	s9 =	sld [smem:$0x3FAE]  }
0x2f: {  	lr =	sadd.s32 s0, s3;
	s0 =	sld [smem:$0x3FA5]  }
0x30: {  	s3 =	sld [smem:$0x3FA8]  }
0x31: {  	[smem:$0x3FB1] =	sst s10  }
0x32: {  	s10 =	sld [smem:$0x3FAF];
	_ =	sdelay $0x3  }
0x33: {  	p0 =	seq.s32 s10, $0x1;
	s10 =	sld [smem:$0x3FB1];
	_ =	sdelay $0x3  }
0x34: {  	[smem:$0x3FB1] =	sst s10  }
0x35: {  	s10 =	sld [smem:$0x3FB0];
	_ =	sdelay $0x3  }
0x36: {  	p1 =	seq.s32 s10, $0x1;
	s10 =	sld [smem:$0x3FB1];
	_ =	sdelay $0x3  }
0x37: {  	[smem:$0x3FB1] =	sst s10  }
0x38: {  	s10 =	sld [smem:$0x3FB2]  }
0x39: {  	_ = 	snop;
	(pc) =	sbr.ind lr, $3  }
0x3a: {  	_ = 	snop  }
0x3b: {  	_ = 	snop  }
0x3c: {  	p2 =	seq.s32 s10, $0x1;
	s10 =	sld [smem:$0x3FB1]  }
0x3d: {  	_ =	shalt  }
0x3e: {  	_ =	shalt  }
0x3f: {  	_ =	shalt  }
0x40: {  	_ =	shalt  }
0x41: {  	_ =	shalt  }
0x42: {  	_ =	shalt  }
0x43: {  	_ =	shalt  }
0x44: {  	_ =	shalt  }
0x45: {  	_ =	shalt  }
0x46: {  	_ =	shalt  }
0x47: {  	_ =	shalt  }
0x48: {  	_ =	shalt  }
0x49: {  	_ =	shalt  }
0x4a: {  	_ =	shalt  }
0x4b: {  	_ =	shalt  }
0x4c: {  	_ =	shalt  }
0x4d: {  	_ =	shalt  }
0x4e: {  	_ =	shalt  }
0x4f: {  	_ =	shalt  }
0x50: {  	_ =	shalt  }
0x51: {  	_ =	shalt  }
0x52: {  	_ =	shalt  }
0x53: {  	_ =	shalt  }
0x54: {  	_ =	shalt  }
0x55: {  	_ =	shalt  }
0x56: {  	_ =	shalt  }
0x57: {  	_ =	shalt  }
0x58: {  	_ =	shalt  }
0x59: {  	_ =	shalt  }
0x5a: {  	_ =	shalt  }
0x5b: {  	_ =	shalt  }
0x5c: {  	_ =	shalt  }
0x5d: {  	_ =	shalt  }
0x5e: {  	_ =	shalt  }
0x5f: {  	_ =	shalt  }
0x60: {  	_ =	shalt  }
0x61: {  	_ =	shalt  }
0x62: {  	_ =	shalt  }
0x63: {  	_ =	shalt  }
0x64: {  	_ =	shalt  }
0x65: {  	_ =	shalt  }
0x66: {  	_ =	shalt  }
0x67: {  	_ =	shalt  }
0x68: {  	_ =	shalt  }
0x69: {  	_ =	shalt  }
0x6a: {  	_ =	shalt  }
0x6b: {  	_ =	shalt  }
0x6c: {  	_ =	shalt  }
0x6d: {  	_ =	shalt  }
0x6e: {  	_ =	shalt  }
0x6f: {  	_ =	shalt  }
0x70: {  	_ =	shalt  }
0x71: {  	_ =	shalt  }
0x72: {  	_ =	shalt  }
0x73: {  	_ =	shalt  }
0x74: {  	_ =	shalt  }
0x75: {  	_ =	shalt  }
0x76: {  	_ =	shalt  }
0x77: {  	_ =	shalt  }
0x78: {  	_ =	shalt  }
0x79: {  	_ =	shalt  }
0x7a: {  	_ =	shalt  }
0x7b: {  	_ =	shalt  }
0x7c: {  	_ =	shalt  }
0x7d: {  	_ =	shalt  }
0x7e: {  	_ =	shalt  }
0x7f: {  	_ =	shalt  }
0x80: {  	_ =	shalt  }
0x81: {  	_ =	shalt  }
0x82: {  	_ =	shalt  }
0x83: {  	_ =	shalt  }
0x84: {  	_ =	shalt  }
0x85: {  	_ =	shalt  }
0x86: {  	_ =	shalt  }
0x87: {  	_ =	shalt  }
.Lfunc_end0:
.L_simem_size_0:
called_computation.1_lowered:
.L_overlay_start_0:
0x88: {  	s2 =	sld [smem:$0x3FD9]  }
0x89: {  	s3 =	sld [smem:$0x3FFE];
	_ =	sdelay $0x1  }
0x8a: {  	s1 =	srdreg.scid  }
0x8b: {  	s0 =	sand.u32 $0x1, s1  }
0x8c: {  	s16 =	sshll.u32 s0, $0xA;
	s2 =	sadd.s32 s3, s2  }
0x8d: {  	s2 =	sadd.s32 s2, s16  }
0x8e: {  	[smem:$0x3FBD] =	sst s2  }
0x8f: {  	_ = 	snop  }
0x90: {  	(tm) =	ssettm $0x1  }
0x91: {  	s17 =	sld [smem:$0x3FFB];
	_ =	sdelay $0x3  }
0x92: {  	_ =	strace s17  }
0x93: {  	s2 =	sld [smem:$0x3FFC];
	_ =	sdelay $0x3  }
0x94: {  	_ =	strace s2  }
0x95: {  	s2 =	sld [smem:$0x3FFD];
	_ =	sdelay $0x3  }
0x96: {  	_ =	strace s2  }
0x97: {  	_ =	strace $0x8FFFFFFF  }
0x98: {  	s18 =	sld [smem:$0x3FDB];
	_ =	sdelay $0x1  }
0x99: {  	s19 =	simm.s32 $_scs_section_size  }
0x9a: {  	s4 =	simm.s32 $_size__tile_overlayer_lowered;
	s5 =	simm.s32 $_tile_overlayer_lowered  }
0x9b: {  	s22 =	simm.s32 $0x1BFF;
	s21 =	sshll.u32 s5, $0x1;
	s2 =	sadd.s32 s19, s18  }
0x9c: {  	s6 =	simm.s32 $0x0;
	s20 =	sshll.u32 s4, $0x1;
	s4 =	sadd.s32 s21, s2  }
0x9d: {  	[timem:s6], [sflag:s22] =	dma.local [hbm:s4], s20  }
0x9e: {  	_ =	swait.ge [sflag:s22], s20  }
0x9f: {  	s3 =	ssub.s32 $0x0, s20;
	[sflag:s22] =	ssyncset.done $0x0  }
0xa0: {  	[sflag:s22] =	ssyncadd.s32 s3;
	_ =	sdelay $0x1  }
0xa1: {  	s23 =	simm.s32 $0x1B8B  }
0xa2: {  	_ =	swait.ge [sflag:s23], $0x1  }
0xa3: {  	[sflag:s23] =	ssyncset.done $0x0  }
0xa4: {  	s25 =	simm.s32 $0x1B8E;
	s24 =	sld [smem:$0x3FFE];
	[sflag:s23] =	ssyncadd.s32 $0xFFFFFFFF  }
0xa5: {  	s26 =	simm.s32 $execute0_lowered;
	[smem:$0x3FD2] =	sst s25  }
0xa6: {  	s4 =	sshll.u32 s26, $0x1;
	_ =	strace $0x80000049;
	[dreg:$0x1] =	wrdreg $0xFFFFFFFF  }
0xa7: {  	s28 =	simm.s32 $_size_execute0_lowered;
	s2 =	sadd.s32 s2, s4;
	[dreg:$0x0] =	wrdreg $0x0  }
0xa8: {  	s4 =	sshll.u32 s28, $0x1;
	[dreg:$0x2] =	wrdreg s2  }
0xa9: {  	[dreg:$0x3] =	wrdreg s4  }
0xaa: {  	[dreg:$0x4] =	wrdreg $0xC0  }
0xab: {  	_ =	task [dreg:s6], $0x5FFFF  }
0xac: {  	[dreg:$0x1] =	wrdreg $0xFFFFFFFF  }
0xad: {  	[dreg:$0x0] =	wrdreg $0x60  }
0xae: {  	[dreg:$0x2] =	wrdreg s24  }
0xaf: {  	[dreg:$0x3] =	wrdreg $0x1E000  }
0xb0: {  	[dreg:$0x4] =	wrdreg $0x9  }
0xb1: {  	_ =	task.clear_ibuf [dreg:s6], $0x5FFFF;
	_ =	strace $0x90000049  }
0xb2: {  	s29 =	simm.s32 $0x9;
	_ =	strace $0x8000004B  }
0xb3: {  	_ =	swait.ge [sflag:s29], $0x1  }
0xb4: {  	[sflag:s29] =	ssyncadd.s32 $0xFFFFFFFF  }
0xb5: {  	_ =	strace $0x9000004B  }
0xb6: {  	_ =	sfence  }
0xb7: {  	s30 =	sld [smem:$0x0];
	_ =	sdelay $0x2  }
0xb8: {  	s31 =	sshll.u32 s1, $0xD;
	s1 =	sshrl.u32 s1, $0x2  }
0xb9: {  	s3 =	sand.u32 $0x4000, s31;
	s1 =	sadd.s32 s1, s30  }
0xba: {  	s0 =	sor.u32 s3, s0;
	s1 =	sshll.u32 s1, $0x11  }
0xbb: {  	s0 =	sor.u32 s1, s0  }
0xbc: {  	s0 =	sadd.s32 $0x8F2B, s0  }
0xbd: {  	[sflag:s0] =	ssyncadd.remote.s32 $0x1  }
0xbe: {  	_ =	sfence.sel $0xFFFF  }
0xbf: {  	[dreg:$0x0] =	wrdreg $0xFFFFFFFF;
	(pc) =	sbr.abs _section_cstart, $3  }
0xc0: {  	[dreg:$0x1] =	wrdreg $0xFFFFFFFF  }
0xc1: {  	_ =	task.clear_ibuf [dreg:s6], $0x2FFFF;
	_ =	strace $0x9FFFFFFF  }
0xc2: {  	(tm) =	ssettm $0x7FFFFFFF  }
0xc3: {  	_ =	shalt  }
tec
execute0_lowered:
.L_overlay_start_1:
0x0: {  	(tag) =	ssettag $0x1  }
0x1: {  	s0 =	rddreg [dreg:$0x0]  }
0x2: {  	s2 =	rddreg [dreg:$0x1];
	s1 =	simm.s32 $0x0;
	s3 =	stileid.u32  }
0x3: {  	s4 =	srdreg.scid;
	s28 =	simm.s32 $0x2;
	s29 =	simm.s32 $0xB80  }
0x4: {  	s30 =	simm.s32 $0xC00;
	s31 =	simm.s32 $0x3;
	[smem:$0x7FF] =	sst s1  }
0x5: {  	s18 =	smul.u32 $0xC380, s3;
	s5 =	sadd.s32 $0x328600, s0;
	s6 =	sadd.s32 $0x265000, s0  }
0x6: {  	s7 =	sand.u32 $0x1, s4;
	s4 =	sadd.s32 $0x2800, s0;
	s10 =	sadd.s32 $0x4BE00, s0  }
0x7: {  	s13 =	sadd.s32 $0xB7480, s2;
	s14 =	sshll.u32 s3, $0x4;
	p0 =	seq.s32 s3, $0xF  }
0x8: {  	_ =	strace $0x8000004A;
	s9 =	ssub.s32 $0x2, s7;
	s12 =	smul.u32 $0xC350, s7  }
0x9: {  	s20 =	sor.u32 $0x100, s14;
	s7 =	smul.u32 $0xC3500, s7;
	s8 =	sshrl.u32 s18, $0x3  }
0xa: {  	s11 =	sshrl.u32 s9, $0x1;
	s19 =	sadd.s32 s18, s2;
	s15 =	sadd.s32 s5, s20  }
0xb: {  	s8 =	sadd.s32 s8, s0;
	s11 =	ssub.s32 s9, s11;
	[dreg:$0x3] =	wrdreg s19  }
0xc: {  	s0 =	sadd.s32 $0x4A490, s0;
	s9 =	sadd.s32 s6, s14;
	[dreg:$0x6] =	wrdreg s15  }
0xd: {  	s23 =	sadd.s32 s18, s7;
	s24 =	sshrl.u32 s7, $0x3;
	s19 =	simm.s32 $0x80  }
0xe: {  	s7 =	simm.s32 $0x7;
	v0 =	vmov s12;
	s12 =	simm.s32 $0x0;
	s8 =	sadd.s32 $0x33600, s8  }
0xf: {  	[dreg:$0x5] =	wrdreg s0;
	s0 =	sadd.s32 s6, s20;
	s1 =	sadd.s32 s10, s24  }
0x10: {  	s26 =	smax.u32 s11, $0x1;
	s24 =	simm.s32 $0x1;
	s20 =	simm.s32 $0x4  }
0x11: {  	s11 =	simm.s32 $0x9;
	[dreg:$0x4] =	wrdreg s8;
	s8 =	sadd.s32 s5, s14  }
0x12: {  	s14 =	sor.u32 $0x200, s14;
	[dreg:$0x7] =	wrdreg s0;
	s0 =	sshrl.u32 s23, $0x3  }
0x13: {  	s25 =	sadd.s32 $0x16E90, s1;
	[dreg:$0xc] =	wrdreg s26;
	s26 =	simm.s32 $0x200  }
0x14: {  	s1 =	simm.s32 $0x1600;
	s23 =	simm.s32 $0xB00;
	s21 =	sadd.s32 s5, s14  }
0x15: {  	s22 =	sadd.s32 s6, s14;
	s0 =	sadd.s32 s10, s0;
	[dreg:$0xb] =	wrdreg s25  }
0x16: {  	s14 =	sshrl.u32 @p0 s13, $0x3;
	s25 =	simm.s32 $0x180;
	[dreg:$0x8] =	wrdreg s21  }
0x17: {  	s5 =	simm.s32 $0x6;
	s6 =	simm.s32 $0x1500;
	[dreg:$0x9] =	wrdreg s22  }
0x18: {  	s10 =	simm.s32 $0x8;
	[dreg:$0xa] =	wrdreg s0;
	s0 =	sshll.u32 @!p0 s3, $0x6  }
0x19: {  	s21 =	simm.s32 $0x100;
	[dreg:$0xd] =	wrdreg s14;
	s15 =	sor.u32 @!p0 $0x1C0A, s0  }
0x1a: {  	s22 =	simm.s32 $0x5;
	s0 =	simm.s32 $0x1580;
	[dreg:$0xe] =	wrdreg s15  }
.LBB2_1:
0x1b: {  	s13 =	simm.s32 @p0 $0x1FCA;
	s3 =	rddreg [dreg:$0x5]  }
0x1c: {  	[spmem:s14], [sflag:s13] =	dma.local @p0 [hbm:s3], $0x1820  }
0x1d: {  	s13 =	simm.s32 @p0 $0xA  }
0x1e: {  	_ =	swait.ge @p0 [sflag:s13], $0x1820  }
0x1f: {  	s14 =	simm.s32 @!p0 $0xA;
	[sflag:s13] =	ssyncset.done @p0 $0x0;
	s3 =	rddreg [dreg:$0x3]  }
0x20: {  	[sflag:s13] =	ssyncadd.s32 @p0 $0xFFFFE7E0;
	s13 =	sshrl.u32 @!p0 s3, $0x3;
	s3 =	rddreg [dreg:$0x4]  }
0x21: {  	[spmem:s13], [sflag:s15] =	dma.local @!p0 [hbm:s3], $0x1870  }
0x22: {  	_ =	swait.ge @!p0 [sflag:s14], $0x1870  }
0x23: {  	[sflag:s14] =	ssyncset.done @!p0 $0x0  }
0x24: {  	[sflag:s14] =	ssyncadd.s32 @!p0 $0xFFFFE790  }
0x25: {  	s3 =	simm.s32 $0x0;
	[bflag:$0x0] =	sbarrier.arrive $0xFFFF  }
0x26: {  	[tilespmem:s3], [sflag:$0x1] =	stream.linear.gather [hbm4b:s8+s3], $0x80, $0x38;
	[tilespmem:$0xE158] =	vst v63  }
0x27: {  	_ = 	snop  }
0x28: {  	[tilespmem:s19], [sflag:$0x1] =	stream.linear.gather [hbm4b:s9+s3], $0x80, $0x38;
	[tilespmem:$0xE158] =	vst v63  }
0x29: {  	s16 =	simm.s32 $0xA00;
	s15 =	rddreg [dreg:$0x6]  }
0x2a: {  	[tilespmem:s16], [sflag:$0x2] =	stream.linear.gather [hbm4b:s15+s3], $0x80, $0x38;
	[tilespmem:$0xE158] =	vst v63  }
0x2b: {  	s18 =	simm.s32 $0xA80;
	s17 =	rddreg [dreg:$0x7]  }
0x2c: {  	[tilespmem:s18], [sflag:$0x2] =	stream.linear.gather [hbm4b:s17+s3], $0x80, $0x38;
	[tilespmem:$0xE158] =	vst v63  }
0x2d: {  	s15 =	rddreg [dreg:$0x8];
	s16 =	simm.s32 $0x1400  }
0x2e: {  	[tilespmem:s16], [sflag:$0x3] =	stream.linear.gather [hbm4b:s15+s3], $0x80, $0x38;
	[tilespmem:$0xE158] =	vst v63  }
0x2f: {  	s14 =	simm.s32 $0x0;
	s17 =	rddreg [dreg:$0x9];
	s18 =	simm.s32 $0x1480  }
0x30: {  	[tilespmem:s18], [sflag:$0x3] =	stream.linear.gather [hbm4b:s17+s3], $0x80, $0x38;
	[tilespmem:$0xE158] =	vst v63  }
.LBB2_2:
0x31: {  	_ =	swait.ge [sflag:s24], $0x80  }
0x32: {  	[sflag:s24] =	ssyncset.done $0x0  }
0x33: {  	[sflag:s24] =	ssyncadd.s32 $0xFFFFFF80  }
0x34: {  	_ =	swait.ge [sflag:s24], $0x80  }
0x35: {  	[sflag:s24] =	ssyncset.done $0x0  }
0x36: {  	[sflag:s24] =	ssyncadd.s32 $0xFFFFFF80  }
0x37: {  	v1 =	vld [tilespmem:$0x80];
	_ =	sdelay $0x1  }
0x38: {  	v2 =	vld [tilespmem:$0x90]  }
0x39: {  	v3 =	vld [tilespmem:$0x0]  }
0x3a: {  	v4 =	vld [tilespmem:$0xA0]  }
0x3b: {  	v5 =	vld [tilespmem:$0x10];
	v1 =	vsub.s32 v1, v0  }
0x3c: {  	v6 =	vld [tilespmem:$0xB0];
	vm0 =	vlt.u32 v1, $0xC350  }
0x3d: {  	v7 =	vld [tilespmem:$0x20];
	v2 =	vsub.s32 v2, v0;
	v1 =	vnsel vm0, $0xFFFFFFFF, v1  }
0x3e: {  	vm5 =	vlt.u32 v2, $0xC350;
	[tilespmem:$0x100] =	vst v1;
	v1 =	vnsel vm0, $0xFFFFFFFF, v3;
	v3 =	vld [tilespmem:$0xC0]  }
0x3f: {  	v35 =	vld [tilespmem:$0x30];
	[tilespmem:$0x180] =	vst v1;
	v1 =	vnsel vm5, $0xFFFFFFFF, v2;
	v2 =	vsub.s32 v4, v0  }
0x40: {  	v36 =	vld [tilespmem:$0xD0];
	[tilespmem:$0x110] =	vst v1;
	v1 =	vnsel vm5, $0xFFFFFFFF, v5;
	vm6 =	vlt.u32 v2, $0xC350  }
0x41: {  	v37 =	vld [tilespmem:$0x40];
	[tilespmem:$0x190] =	vst v1;
	v1 =	vnsel vm6, $0xFFFFFFFF, v2;
	v2 =	vsub.s32 v6, v0  }
0x42: {  	v38 =	vld [tilespmem:$0xE0];
	[tilespmem:$0x120] =	vst v1;
	v1 =	vnsel vm6, $0xFFFFFFFF, v7;
	vm7 =	vlt.u32 v2, $0xC350  }
0x43: {  	[tilespmem:$0x1A0] =	vst v1;
	v1 =	vnsel vm7, $0xFFFFFFFF, v2;
	v2 =	vsub.s32 v3, v0;
	v3 =	vld [tilespmem:$0x50]  }
0x44: {  	v39 =	vld [tilespmem:$0xF0];
	[tilespmem:$0x130] =	vst v1;
	v1 =	vnsel vm7, $0xFFFFFFFF, v35;
	vm8 =	vlt.u32 v2, $0xC350  }
0x45: {  	v40 =	vld [tilespmem:$0x60];
	[tilespmem:$0x1B0] =	vst v1;
	v1 =	vnsel vm8, $0xFFFFFFFF, v2;
	v2 =	vsub.s32 v36, v0  }
0x46: {  	[tilespmem:$0x140] =	vst v1;
	v1 =	vnsel vm8, $0xFFFFFFFF, v37;
	vm9 =	vlt.u32 v2, $0xC350  }
0x47: {  	v41 =	vld [tilespmem:$0x70];
	[tilespmem:$0x1C0] =	vst v1;
	v1 =	vnsel vm9, $0xFFFFFFFF, v2;
	v2 =	vsub.s32 v38, v0  }
0x48: {  	[tilespmem:$0x150] =	vst v1;
	v1 =	vnsel vm9, $0xFFFFFFFF, v3;
	vm10 =	vlt.u32 v2, $0xC350  }
0x49: {  	[tilespmem:$0x1D0] =	vst v1;
	v1 =	vnsel vm10, $0xFFFFFFFF, v2;
	v2 =	vsub.s32 v39, v0  }
0x4a: {  	[tilespmem:$0x160] =	vst v1;
	v1 =	vnsel vm10, $0xFFFFFFFF, v40;
	vm11 =	vlt.u32 v2, $0xC350  }
0x4b: {  	[tilespmem:$0x1E0] =	vst v1;
	v1 =	vnsel vm11, $0xFFFFFFFF, v2  }
0x4c: {  	[tilespmem:$0x170] =	vst v1;
	v1 =	vnsel vm11, $0xFFFFFFFF, v41  }
0x4d: {  	[tilespmem:$0x1F0] =	vst v1;
	(ifvalue) =	ssetifvalue $0xFFFFFFFF  }
0x4e: {  	(ifvalue) =	ssetifvalue $0xFFFFFFFF  }
0x4f: {  	[tilespmem:s26], [sflag:$0x4] =	stream.indirect.gather [hbm4b:s4+s19], $0x10, s25, s19, $0x40b8;
	[tilespmem:$0xE158] =	vst v63  }
0x50: {  	_ =	swait.ge [sflag:s28], $0x80  }
0x51: {  	[sflag:s28] =	ssyncset.done $0x0  }
0x52: {  	[sflag:s28] =	ssyncadd.s32 $0xFFFFFF80  }
0x53: {  	_ =	swait.ge [sflag:s28], $0x80  }
0x54: {  	[sflag:s28] =	ssyncset.done $0x0  }
0x55: {  	[sflag:s28] =	ssyncadd.s32 $0xFFFFFF80  }
0x56: {  	v1 =	vld [tilespmem:$0xA80];
	_ =	sdelay $0x1  }
0x57: {  	v2 =	vld [tilespmem:$0xA90]  }
0x58: {  	v3 =	vld [tilespmem:$0xA00]  }
0x59: {  	v42 =	vld [tilespmem:$0xAA0]  }
0x5a: {  	v43 =	vld [tilespmem:$0xA10];
	v1 =	vsub.s32 v1, v0  }
0x5b: {  	v44 =	vld [tilespmem:$0xAB0];
	vm12 =	vlt.u32 v1, $0xC350  }
0x5c: {  	v45 =	vld [tilespmem:$0xA20];
	v2 =	vsub.s32 v2, v0;
	v1 =	vnsel vm12, $0xFFFFFFFF, v1  }
0x5d: {  	vm13 =	vlt.u32 v2, $0xC350;
	[tilespmem:$0xB00] =	vst v1;
	v1 =	vnsel vm12, $0xFFFFFFFF, v3;
	v3 =	vld [tilespmem:$0xAC0]  }
0x5e: {  	v46 =	vld [tilespmem:$0xA30];
	[tilespmem:$0xB80] =	vst v1;
	v1 =	vnsel vm13, $0xFFFFFFFF, v2;
	v2 =	vsub.s32 v42, v0  }
0x5f: {  	v47 =	vld [tilespmem:$0xAD0];
	[tilespmem:$0xB10] =	vst v1;
	v1 =	vnsel vm13, $0xFFFFFFFF, v43;
	vm14 =	vlt.u32 v2, $0xC350  }
0x60: {  	v48 =	vld [tilespmem:$0xA40];
	[tilespmem:$0xB90] =	vst v1;
	v1 =	vnsel vm14, $0xFFFFFFFF, v2;
	v2 =	vsub.s32 v44, v0  }
0x61: {  	v49 =	vld [tilespmem:$0xAE0];
	[tilespmem:$0xB20] =	vst v1;
	v1 =	vnsel vm14, $0xFFFFFFFF, v45;
	vm15 =	vlt.u32 v2, $0xC350  }
0x62: {  	[tilespmem:$0xBA0] =	vst v1;
	v1 =	vnsel vm15, $0xFFFFFFFF, v2;
	v2 =	vsub.s32 v3, v0;
	v3 =	vld [tilespmem:$0xA50]  }
0x63: {  	v50 =	vld [tilespmem:$0xAF0];
	[tilespmem:$0xB30] =	vst v1;
	v1 =	vnsel vm15, $0xFFFFFFFF, v46;
	vm4 =	vlt.u32 v2, $0xC350  }
0x64: {  	v51 =	vld [tilespmem:$0xA60];
	[tilespmem:$0xBB0] =	vst v1;
	v1 =	vnsel vm4, $0xFFFFFFFF, v2;
	v2 =	vsub.s32 v47, v0  }
0x65: {  	[tilespmem:$0xB40] =	vst v1;
	v1 =	vnsel vm4, $0xFFFFFFFF, v48;
	vm5 =	vlt.u32 v2, $0xC350  }
0x66: {  	v52 =	vld [tilespmem:$0xA70];
	[tilespmem:$0xBC0] =	vst v1;
	v1 =	vnsel vm5, $0xFFFFFFFF, v2;
	v2 =	vsub.s32 v49, v0  }
0x67: {  	[tilespmem:$0xB50] =	vst v1;
	v1 =	vnsel vm5, $0xFFFFFFFF, v3;
	vm6 =	vlt.u32 v2, $0xC350  }
0x68: {  	[tilespmem:$0xBD0] =	vst v1;
	v1 =	vnsel vm6, $0xFFFFFFFF, v2;
	v2 =	vsub.s32 v50, v0  }
0x69: {  	[tilespmem:$0xB60] =	vst v1;
	v1 =	vnsel vm6, $0xFFFFFFFF, v51;
	vm7 =	vlt.u32 v2, $0xC350  }
0x6a: {  	[tilespmem:$0xBE0] =	vst v1;
	v1 =	vnsel vm7, $0xFFFFFFFF, v2  }
0x6b: {  	[tilespmem:$0xB70] =	vst v1;
	v1 =	vnsel vm7, $0xFFFFFFFF, v52  }
0x6c: {  	[tilespmem:$0xBF0] =	vst v1;
	(ifvalue) =	ssetifvalue $0xFFFFFFFF  }
0x6d: {  	(ifvalue) =	ssetifvalue $0xFFFFFFFF  }
0x6e: {  	[tilespmem:s30], [sflag:$0x5] =	stream.indirect.gather [hbm4b:s4+s19], $0x10, s29, s19, $0x40b8;
	[tilespmem:$0xE158] =	vst v63  }
0x6f: {  	_ =	swait.ge [sflag:s31], $0x80  }
0x70: {  	[sflag:s31] =	ssyncset.done $0x0  }
0x71: {  	[sflag:s31] =	ssyncadd.s32 $0xFFFFFF80  }
0x72: {  	_ =	swait.ge [sflag:s31], $0x80  }
0x73: {  	[sflag:s31] =	ssyncset.done $0x0  }
0x74: {  	[sflag:s31] =	ssyncadd.s32 $0xFFFFFF80  }
0x75: {  	v1 =	vld [tilespmem:$0x1480];
	_ =	sdelay $0x1  }
0x76: {  	v2 =	vld [tilespmem:$0x1490]  }
0x77: {  	v3 =	vld [tilespmem:$0x1400]  }
0x78: {  	v53 =	vld [tilespmem:$0x14A0]  }
0x79: {  	v54 =	vld [tilespmem:$0x1410];
	v1 =	vsub.s32 v1, v0  }
0x7a: {  	v55 =	vld [tilespmem:$0x14B0];
	vm8 =	vlt.u32 v1, $0xC350  }
0x7b: {  	v56 =	vld [tilespmem:$0x1420];
	v2 =	vsub.s32 v2, v0;
	v1 =	vnsel vm8, $0xFFFFFFFF, v1  }
0x7c: {  	vm9 =	vlt.u32 v2, $0xC350;
	[tilespmem:$0x1500] =	vst v1;
	v1 =	vnsel vm8, $0xFFFFFFFF, v3;
	v3 =	vld [tilespmem:$0x14C0]  }
0x7d: {  	v57 =	vld [tilespmem:$0x1430];
	[tilespmem:$0x1580] =	vst v1;
	v1 =	vnsel vm9, $0xFFFFFFFF, v2;
	v2 =	vsub.s32 v53, v0  }
0x7e: {  	v58 =	vld [tilespmem:$0x14D0];
	[tilespmem:$0x1510] =	vst v1;
	v1 =	vnsel vm9, $0xFFFFFFFF, v54;
	vm10 =	vlt.u32 v2, $0xC350  }
0x7f: {  	v59 =	vld [tilespmem:$0x1440];
	[tilespmem:$0x1590] =	vst v1;
	v1 =	vnsel vm10, $0xFFFFFFFF, v2;
	v2 =	vsub.s32 v55, v0  }
0x80: {  	v60 =	vld [tilespmem:$0x14E0];
	[tilespmem:$0x1520] =	vst v1;
	v1 =	vnsel vm10, $0xFFFFFFFF, v56;
	vm11 =	vlt.u32 v2, $0xC350  }
0x81: {  	[tilespmem:$0x15A0] =	vst v1;
	v1 =	vnsel vm11, $0xFFFFFFFF, v2;
	v2 =	vsub.s32 v3, v0;
	v3 =	vld [tilespmem:$0x1450]  }
0x82: {  	v61 =	vld [tilespmem:$0x14F0];
	[tilespmem:$0x1530] =	vst v1;
	v1 =	vnsel vm11, $0xFFFFFFFF, v57;
	vm12 =	vlt.u32 v2, $0xC350  }
0x83: {  	v62 =	vld [tilespmem:$0x1460];
	[tilespmem:$0x15B0] =	vst v1;
	v1 =	vnsel vm12, $0xFFFFFFFF, v2;
	v2 =	vsub.s32 v58, v0  }
0x84: {  	[tilespmem:$0x1540] =	vst v1;
	v1 =	vnsel vm12, $0xFFFFFFFF, v59;
	vm13 =	vlt.u32 v2, $0xC350  }
0x85: {  	v63 =	vld [tilespmem:$0x1470];
	[tilespmem:$0x15C0] =	vst v1;
	v1 =	vnsel vm13, $0xFFFFFFFF, v2;
	v2 =	vsub.s32 v60, v0  }
0x86: {  	[tilespmem:$0x1550] =	vst v1;
	v1 =	vnsel vm13, $0xFFFFFFFF, v3;
	vm14 =	vlt.u32 v2, $0xC350  }
0x87: {  	[tilespmem:$0x15D0] =	vst v1;
	v1 =	vnsel vm14, $0xFFFFFFFF, v2;
	v2 =	vsub.s32 v61, v0  }
0x88: {  	[tilespmem:$0x1560] =	vst v1;
	v1 =	vnsel vm14, $0xFFFFFFFF, v62;
	vm15 =	vlt.u32 v2, $0xC350  }
0x89: {  	[tilespmem:$0x15E0] =	vst v1;
	v1 =	vnsel vm15, $0xFFFFFFFF, v2  }
0x8a: {  	[tilespmem:$0x1570] =	vst v1;
	v1 =	vnsel vm15, $0xFFFFFFFF, v63  }
0x8b: {  	[tilespmem:$0x15F0] =	vst v1;
	(ifvalue) =	ssetifvalue $0xFFFFFFFF  }
0x8c: {  	(ifvalue) =	ssetifvalue $0xFFFFFFFF  }
0x8d: {  	[tilespmem:s1], [sflag:$0x6] =	stream.indirect.gather [hbm4b:s4+s19], $0x10, s0, s19, $0x40b8;
	[tilespmem:$0xE158] =	vst v63  }
0x8e: {  	_ =	swait.ge [sflag:s20], $0x800  }
0x8f: {  	[sflag:s20] =	ssyncset.done $0x0  }
0x90: {  	[sflag:s20] =	ssyncadd.s32 $0xFFFFF800;
	(ifvalue) =	ssetifvalue $0xFFFFFFFF  }
0x91: {  	[spmem:s2] =	stream.indirect.scatter.add.f32 [tilespmem:s26], [sflag:$0x7], $0x10, s21, s19, $0x40b8;
	[tilespmem:$0xE158] =	vst v63  }
0x92: {  	_ =	swait.ge [sflag:s22], $0x800  }
0x93: {  	[sflag:s22] =	ssyncset.done $0x0  }
0x94: {  	[sflag:s22] =	ssyncadd.s32 $0xFFFFF800;
	(ifvalue) =	ssetifvalue $0xFFFFFFFF  }
0x95: {  	[spmem:s2] =	stream.indirect.scatter.add.f32 [tilespmem:s30], [sflag:$0x8], $0x10, s23, s19, $0x40b8;
	[tilespmem:$0xE158] =	vst v63  }
0x96: {  	_ =	swait.ge [sflag:s5], $0x800  }
0x97: {  	[sflag:s5] =	ssyncset.done $0x0  }
0x98: {  	[sflag:s5] =	ssyncadd.s32 $0xFFFFF800;
	(ifvalue) =	ssetifvalue $0xFFFFFFFF  }
0x99: {  	[spmem:s2] =	stream.indirect.scatter.add.f32 [tilespmem:s1], [sflag:$0x9], $0x10, s6, s19, $0x40b8;
	[tilespmem:$0xE158] =	vst v63  }
0x9a: {  	_ =	swait.ge [sflag:s7], $0x800  }
0x9b: {  	[sflag:s7] =	ssyncset.done $0x0  }
0x9c: {  	[sflag:s7] =	ssyncadd.s32 $0xFFFFF800  }
0x9d: {  	_ =	swait.ge [sflag:s10], $0x800  }
0x9e: {  	[sflag:s10] =	ssyncset.done $0x0  }
0x9f: {  	[sflag:s10] =	ssyncadd.s32 $0xFFFFF800  }
0xa0: {  	p1 =	seq.s32 s14, $0xC3300;
	_ =	swait.ge [sflag:s11], $0x800  }
0xa1: {  	s15 =	sadd.s32 @!p1 s14, s8;
	[sflag:s11] =	ssyncset.done $0x0  }
0xa2: {  	s17 =	simm.s32 @!p1 $0x0;
	s16 =	sadd.s32 @!p1 $0x300, s15;
	[sflag:s11] =	ssyncadd.s32 $0xFFFFF800  }
0xa3: {  	[tilespmem:s17], [sflag:$0x1] =	stream.linear.gather @!p1 [hbm4b:s16+s17], $0x80, $0x38;
	[tilespmem:$0xE158] =	vst v63  }
0xa4: {  	s16 =	sadd.s32 @!p1 s14, s9  }
0xa5: {  	s3 =	simm.s32 @!p1 $0x80;
	s18 =	sadd.s32 @!p1 $0x300, s16  }
0xa6: {  	[tilespmem:s3], [sflag:$0x1] =	stream.linear.gather @!p1 [hbm4b:s18+s17], $0x80, $0x38;
	[tilespmem:$0xE158] =	vst v63  }
0xa7: {  	s3 =	sadd.s32 @!p1 $0x400, s15;
	s18 =	simm.s32 @!p1 $0xA00  }
0xa8: {  	[tilespmem:s18], [sflag:$0x2] =	stream.linear.gather @!p1 [hbm4b:s3+s17], $0x80, $0x38;
	[tilespmem:$0xE158] =	vst v63  }
0xa9: {  	s3 =	sadd.s32 @!p1 $0x400, s16;
	s18 =	simm.s32 @!p1 $0xA80  }
0xaa: {  	[tilespmem:s18], [sflag:$0x2] =	stream.linear.gather @!p1 [hbm4b:s3+s17], $0x80, $0x38;
	[tilespmem:$0xE158] =	vst v63  }
0xab: {  	s14 =	sadd.s32 @!p1 $0x300, s14;
	s3 =	sadd.s32 @!p1 $0x500, s15;
	s15 =	simm.s32 @!p1 $0x1400  }
0xac: {  	[tilespmem:s15], [sflag:$0x3] =	stream.linear.gather @!p1 [hbm4b:s3+s17], $0x80, $0x38;
	[tilespmem:$0xE158] =	vst v63  }
0xad: {  	p2 =	sne.s32 @!p1 s14, $0xC3600;
	s3 =	sadd.s32 @!p1 $0x500, s16;
	s15 =	simm.s32 @!p1 $0x1480  }
0xae: {  	[tilespmem:s15], [sflag:$0x3] =	stream.linear.gather @!p1 [hbm4b:s3+s17], $0x80, $0x38;
	[tilespmem:$0xE158] =	vst v63  }
0xaf: {  	p1 =	por p1, !p2  }
.Ltmp0:
0xb0: {  	_ = 	snop;
	(pc) =	sbr.rel @!p1 .LBB2_2-.Ltmp0, $1  }
0xb1: {  	_ =	sdelay $0x3  }
0xb2: {  	[bflag:$0x0] =	sbarrier.arrive $0xFFFF  }
0xb3: {  	s14 =	rddreg [dreg:$0xb]  }
0xb4: {  	s3 =	simm.s32 @p0 $0x1FCA;
	s15 =	rddreg [dreg:$0xd]  }
0xb5: {  	[hbm:s14], [sflag:s3] =	dma.local @p0 [spmem:s15], $0x1810  }
0xb6: {  	s3 =	simm.s32 @p0 $0xA  }
0xb7: {  	_ =	swait.ge @p0 [sflag:s3], $0x1810  }
0xb8: {  	s14 =	smov.u32 s15;
	[sflag:s3] =	ssyncset.done @p0 $0x0;
	s15 =	rddreg [dreg:$0xe]  }
0xb9: {  	[sflag:s3] =	ssyncadd.s32 @p0 $0xFFFFE7F0;
	s3 =	rddreg [dreg:$0xa]  }
0xba: {  	[hbm:s3], [sflag:s15] =	dma.local @!p0 [spmem:s13], $0x1870  }
0xbb: {  	s3 =	simm.s32 @!p0 $0xA  }
0xbc: {  	_ =	swait.ge @!p0 [sflag:s3], $0x1870  }
0xbd: {  	s12 =	sadd.s32 $0x1, s12;
	s18 =	rddreg [dreg:$0xc]  }
0xbe: {  	p1 =	sne.s32 s12, s18  }
.Ltmp1:
0xbf: {  	_ = 	snop;
	(pc) =	sbr.rel @p1 .LBB2_1-.Ltmp1, $3  }
0xc0: {  	_ =	sdelay $0x1  }
0xc1: {  	[sflag:s3] =	ssyncset.done @!p0 $0x0  }
0xc2: {  	[sflag:s3] =	ssyncadd.s32 @!p0 $0xFFFFE790  }
0xc3: {  	_ =	sfence.sel $0x180000  }
0xc4: {  	[bflag:$0x0] =	sbarrier.arrive $0xFFFF  }
0xc5: {  	_ =	strace $0x9000004A  }
0xc6: {  	s0 =	stileid.u32;
	[bflag:$0x2] =	sbarrier.arrive $0xFFFF  }
0xc7: {  	p0 =	sne.s32 s0, $0x0;
	s0 =	rddreg [dreg:$0x2]  }
0xc8: {  	s0 =	sadd.s32 @!p0 $0x100000, s0  }
0xc9: {  	[sflag:s0] =	ssyncadd.tile.s32 @!p0 $0x1;
	_ =	shalt  }
.Lfunc_end2:
_tile_overlayer_lowered:
.L_overlay_start_2:
0xca: {  	(tag) =	ssettag $0x2  }
0xcb: {  	s0 =	rddreg [dreg:$0x0];
	s2 =	stileid.u32  }
0xcc: {  	s1 =	rddreg [dreg:$0x1];
	p0 =	sne.s32 s2, $0x0  }
0xcd: {  	s3 =	rddreg [dreg:$0x2];
	[bflag:$0x3] =	sbarrier.arrive $0xFFFF;
	s2 =	simm.s32 @!p0 $0x1C0A  }
0xce: {  	[timem:s3], [sflag:s2] =	dma.local @!p0 [hbm:s0], s1  }
0xcf: {  	s0 =	simm.s32 @!p0 $0xA  }
0xd0: {  	_ =	swait.ge @!p0 [sflag:s0], s1  }
0xd1: {  	s1 =	ssub.s32 @!p0 $0x0, s1;
	[sflag:s0] =	ssyncset.done @!p0 $0x0  }
0xd2: {  	[sflag:s0] =	ssyncadd.s32 @!p0 s1  }
0xd3: {  	[bflag:$0x3] =	sbarrier.arrive $0xFFFF  }
0xd4: {  	_ =	shalt  }

</sc_bundles>
